<compile_context>
chip_gen: v7x
topology: tpu7x:2x2x1
jax: 0.10.2.dev20260603
libtpu: 0.0.44.dev20260713+nightly
codegen_flags: <defaults>
</compile_context>

<pallas_src>
import functools

import jax
import jax.numpy as jnp
from jax import lax
from jax.experimental import pallas as pl
from jax.experimental.pallas import tpu as pltpu
from jax.experimental.pallas import tpu_sc as plsc

N = 10000
NPAD = 10240
E = 320000
D1 = 128
D2P = 48
NCLASS = 40

NWORK = 32
CHUNK = 128
NCHT = 160
EPAD = NCHT * 16 * CHUNK
PH = 32
NCH0_AGG = 148
EPACK = EPAD + 2 * PH * CHUNK
ROWS_PT = NPAD // 16

def _fill_zeros_2d(buf, nrow, ncol):
    kper = ncol // 16

    def body(t, _):
        i = t // kper
        k = t % kper
        buf[i, pl.ds(k * 16, 16)] = jnp.zeros((16,), jnp.float32)
        return 0

    lax.fori_loop(0, nrow * kper, body, 0)


@functools.lru_cache(maxsize=None)
def _make_agg(dcols, has_rows, nch0=NCHT // 2):

    nch1 = NCHT - nch0
    single = (nch1 == 0)

    def body(pk_hbm, hs_hbm, out_hbm,
             pk_v, siA, siB, diA, diB, bufA, bufB, acc, semA, semB, semP):
        c = lax.axis_index("c")
        s = lax.axis_index("s")
        nch = jnp.where(c == 0, nch0, nch1)
        start_chunk = jnp.where(c == 0, s * nch0, 16 * nch0 + s * nch1)
        lo = s * ROWS_PT

        @pl.when((c == 0) if single else (c >= 0))
        def _prelude():
            _fill_zeros_2d(bufA, CHUNK, dcols)

            def zacc(m, _):
                pltpu.sync_copy(bufA, acc.at[pl.ds(lo + m * CHUNK, CHUNK)])
                return 0

            lax.fori_loop(0, ROWS_PT // CHUNK, zacc, 0)

            pltpu.sync_copy(
                pk_hbm.at[pl.ds(start_chunk * CHUNK, 2 * PH * CHUNK)], pk_v)

        def pk_issue(phase):
            pltpu.async_copy(
                pk_hbm.at[pl.ds((start_chunk + phase * PH) * CHUNK,
                                PH * CHUNK)],
                pk_v.at[pl.ds((phase % 2) * PH * CHUNK, PH * CHUNK)],
                semP)

        def pk_wait():
            pltpu.make_async_copy(
                pk_hbm.at[pl.ds(0, PH * CHUNK)],
                pk_v.at[pl.ds(0, PH * CHUNK)], semP).wait()

        def pk_boundary(b):
            @pl.when(b >= 2 * PH)
            def _():
                pk_wait()

            @pl.when(b + PH < nch)
            def _():
                pk_issue(b // PH + 1)

        def unpack(j, sbuf, dbuf):
            roff = jnp.bitwise_and(j, 2 * PH - 1) * CHUNK

            def u(t, _):
                v = pk_v[pl.ds(roff + t * 16, 16)]
                if sbuf is not None:
                    sbuf[pl.ds(t * 16, 16)] = jnp.bitwise_and(v, 0xFFFF)
                dbuf[pl.ds(t * 16, 16)] = jnp.right_shift(v, 16)
                return 0

            lax.fori_loop(0, CHUNK // 16, u, 0)

        if not has_rows:
            def fill1(t, _):
                bufB[t, pl.ds(0, 16)] = jnp.full((16,), 1.0, jnp.float32)
                return 0

            lax.fori_loop(0, CHUNK, fill1, 0)
            plsc.subcore_barrier()

            def chunk(j, _):
                @pl.when((jnp.bitwise_and(j, PH - 1) == 0) & (j > 0))
                def _():
                    pk_boundary(j)

                unpack(j, None, diA)
                pltpu.sync_copy(bufB, acc.at[diA], add=True)
                return 0

            lax.fori_loop(0, nch, chunk, 0)
        else:
            plsc.subcore_barrier()

            def g_start(sbuf, buf, sem):
                pltpu.async_copy(hs_hbm.at[sbuf], buf, sem)

            def g_wait(sbuf, buf, sem):
                pltpu.make_async_copy(hs_hbm.at[sbuf], buf, sem).wait()

            @pl.when(nch > 0)
            def _():
                unpack(0, siA, diA)
                g_start(siA, bufA, semA)

            def pair(jj, _):
                j = jj * 2
                unpack(j + 1, siB, diB)
                g_start(siB, bufB, semB)
                g_wait(siA, bufA, semA)
                pltpu.sync_copy(bufA, acc.at[diA], add=True)

                @pl.when(jj < nch // 2 - 1)
                def _():
                    @pl.when(jnp.bitwise_and(j + 2, PH - 1) == 0)
                    def _():
                        pk_boundary(j + 2)

                    unpack(j + 2, siA, diA)
                    g_start(siA, bufA, semA)

                g_wait(siB, bufB, semB)
                pltpu.sync_copy(bufB, acc.at[diB], add=True)
                return 0

            lax.fori_loop(0, nch // 2, pair, 0)

        plsc.subcore_barrier()
        if single:
            @pl.when(c == 0)
            def _():
                pltpu.sync_copy(acc.at[pl.ds(lo, ROWS_PT)],
                                out_hbm.at[pl.ds(lo, ROWS_PT)])
        else:
            pltpu.sync_copy(acc.at[pl.ds(lo, ROWS_PT)],
                            out_hbm.at[c, pl.ds(lo, ROWS_PT)])

    out_shape = ((NPAD, dcols) if single else (2, NPAD, dcols))
    return pl.kernel(
        body,
        mesh=plsc.VectorSubcoreMesh(core_axis_name="c", subcore_axis_name="s"),
        compiler_params=pltpu.CompilerParams(
            use_tc_tiling_on_sc=(dcols % 128 == 0)),
        out_type=jax.ShapeDtypeStruct(out_shape, jnp.float32),
        scratch_types=[
            pltpu.VMEM((2 * PH * CHUNK,), jnp.int32),
            pltpu.VMEM((CHUNK,), jnp.int32),
            pltpu.VMEM((CHUNK,), jnp.int32),
            pltpu.VMEM((CHUNK,), jnp.int32),
            pltpu.VMEM((CHUNK,), jnp.int32),
            pltpu.VMEM((CHUNK, dcols), jnp.float32),
            pltpu.VMEM((CHUNK, dcols), jnp.float32),
            pltpu.VMEM_SHARED((NPAD, dcols), jnp.float32),
            pltpu.SemaphoreType.DMA,
            pltpu.SemaphoreType.DMA,
            pltpu.SemaphoreType.DMA,
        ],
    )


def _tc1_body(x_ref, w_ref, degp_ref, hs_ref, dis_ref):
    deg = degp_ref[:, 0:1] + degp_ref[:, 1:2] + 1.0
    dis = lax.rsqrt(deg)
    h = jnp.dot(x_ref[:, :], w_ref[:, :], preferred_element_type=jnp.float32)
    hs_ref[:, :] = h * dis
    dis_ref[:, :] = dis


def _tc2_body(a_ref, hs1_ref, dis_ref, w2_ref, b1_ref, hs2_ref):
    dis = dis_ref[:, :]
    h = (a_ref[0] + a_ref[1] + hs1_ref[:, :]) * dis + b1_ref[:, :]
    h = jnp.maximum(h, 0.0)
    hs2_ref[:, :] = jnp.dot(h, w2_ref[:, :],
                            preferred_element_type=jnp.float32) * dis


def _tc3_body(a_ref, hs2_ref, dis_ref, b2_ref, out_ref):
    out_ref[:, :] = ((a_ref[0] + a_ref[1] + hs2_ref[:, :]) * dis_ref[:, :]
                     + b2_ref[:, :])


_RB = 1024
_GRID = NPAD // _RB


def _tc1(xpad, W1, degpT):
    return pl.pallas_call(
        _tc1_body,
        grid=(_GRID,),
        in_specs=[
            pl.BlockSpec((_RB, D1), lambda i: (i, 0)),
            pl.BlockSpec((D1, D1), lambda i: (0, 0)),
            pl.BlockSpec((_RB, 2), lambda i: (i, 0)),
        ],
        out_specs=[
            pl.BlockSpec((_RB, D1), lambda i: (i, 0)),
            pl.BlockSpec((_RB, 1), lambda i: (i, 0)),
        ],
        out_shape=[
            jax.ShapeDtypeStruct((NPAD, D1), jnp.float32),
            jax.ShapeDtypeStruct((NPAD, 1), jnp.float32),
        ],
    )(xpad, W1, degpT)


def _tc2(aggp1, hs1, dis, W2p, b1):
    return pl.pallas_call(
        _tc2_body,
        grid=(_GRID,),
        in_specs=[
            pl.BlockSpec((2, _RB, D1), lambda i: (0, i, 0)),
            pl.BlockSpec((_RB, D1), lambda i: (i, 0)),
            pl.BlockSpec((_RB, 1), lambda i: (i, 0)),
            pl.BlockSpec((D1, D2P), lambda i: (0, 0)),
            pl.BlockSpec((1, D1), lambda i: (0, 0)),
        ],
        out_specs=pl.BlockSpec((_RB, D2P), lambda i: (i, 0)),
        out_shape=jax.ShapeDtypeStruct((NPAD, D2P), jnp.float32),
    )(aggp1, hs1, dis, W2p, b1)


def _tc3(aggp2, hs2, dis, b2p):
    return pl.pallas_call(
        _tc3_body,
        grid=(_GRID,),
        in_specs=[
            pl.BlockSpec((2, _RB, D2P), lambda i: (0, i, 0)),
            pl.BlockSpec((_RB, D2P), lambda i: (i, 0)),
            pl.BlockSpec((_RB, 1), lambda i: (i, 0)),
            pl.BlockSpec((1, D2P), lambda i: (0, 0)),
        ],
        out_specs=pl.BlockSpec((_RB, D2P), lambda i: (i, 0)),
        out_shape=jax.ShapeDtypeStruct((NPAD, D2P), jnp.float32),
    )(aggp2, hs2, dis, b2p)


def kernel(x, edge_index, W1, b1, W2, b2):
    src = edge_index[0]
    dst = edge_index[1]
    packed = jnp.left_shift(dst, 16) | src
    pad = jnp.full((EPACK - E,), (N << 16) | N, jnp.int32)
    packed = jnp.concatenate([packed, pad])
    xpad = jnp.zeros((NPAD, D1), jnp.float32).at[:N].set(x)
    W2p = jnp.zeros((D1, D2P), jnp.float32).at[:, :NCLASS].set(W2)
    b2p = jnp.zeros((1, D2P), jnp.float32).at[0, :NCLASS].set(b2)
    b1r = b1.reshape(1, D1)

    degp = _make_agg(16, False)(packed, jnp.zeros((NPAD, 16), jnp.float32))
    degpT = degp[:, :, 0].T
    hs1, dis = _tc1(xpad, W1, degpT)
    aggp1 = _make_agg(D1, True, NCH0_AGG)(packed, hs1)
    hs2 = _tc2(aggp1, hs1, dis, W2p, b1r)
    aggp2 = _make_agg(D2P, True, NCH0_AGG)(packed, hs2)
    outp = _tc3(aggp2, hs2, dis, b2p)
    return outp[:N, :NCLASS]

# --- scband reference (transcript-rebuilt; emitter-appended) ---
"""Pipeline reference for scband-gcn-79267916415512 (READ-ONLY COPY).

The authoritative reference and input builder live on the scoring server;
editing this copy changes nothing except your own understanding.
"""

import jax, jax.numpy as jnp
import numpy as np

N = 10000
E = 320000
NFEAT = 128
NHID = 128
NCLASS = 40


def _glorot(key, fan_in, fan_out):
    limit = np.sqrt(6.0 / (fan_in + fan_out))
    return jax.random.uniform(key, (fan_in, fan_out), dtype=jnp.float32, minval=-limit, maxval=limit)


def setup_inputs(seed: int = 0) -> dict:
    key = jax.random.key(seed)
    k1, k2, k3, k4 = jax.random.split(key, 4)
    x = jax.random.normal(k1, (N, NFEAT), dtype=jnp.float32)
    edge_index = jax.random.randint(k2, (2, E), 0, N, dtype=jnp.int32)
    W1 = _glorot(k3, NFEAT, NHID)
    b1 = jnp.zeros((NHID,), dtype=jnp.float32)
    W2 = _glorot(k4, NHID, NCLASS)
    b2 = jnp.zeros((NCLASS,), dtype=jnp.float32)
    return {"x": x, "edge_index": edge_index, "W1": W1, "b1": b1, "W2": W2, "b2": b2}


def _gcn_conv(x, src, dst, W, b):
    # PyG GCNConv: linear transform, symmetric normalization with self-loops, scatter-add aggregation
    h = x @ W
    n = x.shape[0]
    deg = jnp.zeros((n,), dtype=jnp.float32).at[dst].add(1.0)
    deg_inv_sqrt = jnp.where(deg > 0, 1.0 / jnp.sqrt(jnp.where(deg > 0, deg, 1.0)), 0.0)
    norm = deg_inv_sqrt[src] * deg_inv_sqrt[dst]
    msg = h[src] * norm[:, None]
    out = jnp.zeros((n, W.shape[1]), dtype=h.dtype).at[dst].add(msg)
    return out + b


def reference(x, edge_index, W1, b1, W2, b2):
    n = x.shape[0]
    # add self-loops once (shared by both conv layers)
    loops = jnp.arange(n, dtype=edge_index.dtype)
    src = jnp.concatenate([edge_index[0], loops])
    dst = jnp.concatenate([edge_index[1], loops])
    h = _gcn_conv(x, src, dst, W1, b1)
    h = jax.nn.relu(h)
    # dropout is identity in eval mode
    out = _gcn_conv(h, src, dst, W2, b2)
    return out

if __name__ == "__main__":
    import jax
    _d = setup_inputs()
    print(jax.jit(kernel)(*tuple(_d.values())))

</pallas_src>

<mosaic_0001>
#map = affine_map<(d0, d1) -> (0)>
#map1 = affine_map<(d0, d1) -> (0, 0)>
#map2 = affine_map<(d0, d1) -> (0, 0, 0)>
module attributes {stable_mosaic.version = 14 : i64} {
  func.func @body(%arg0: i32, %arg1: i32, %arg2: memref<335872xi32, #tpu.memory_space<hbm>>, %arg3: memref<10240x48xf32, #tpu.memory_space<hbm>>, %arg4: memref<2x10240x48xf32, #tpu.memory_space<hbm>>, %arg5: memref<8192xi32, #tpu.memory_space<vmem>>, %arg6: memref<128xi32, #tpu.memory_space<vmem>>, %arg7: memref<128xi32, #tpu.memory_space<vmem>>, %arg8: memref<128xi32, #tpu.memory_space<vmem>>, %arg9: memref<128xi32, #tpu.memory_space<vmem>>, %arg10: memref<128x48xf32, #tpu.memory_space<vmem>>, %arg11: memref<128x48xf32, #tpu.memory_space<vmem>>, %arg12: memref<10240x48xf32, #tpu.memory_space<vmem_shared>>, %arg13: memref<!tpu.dma_semaphore, #tpu.memory_space<semaphore_mem>>, %arg14: memref<!tpu.dma_semaphore, #tpu.memory_space<semaphore_mem>>, %arg15: memref<!tpu.dma_semaphore, #tpu.memory_space<semaphore_mem>>) attributes {dimension_semantics = [#tpu.dimension_semantics<core_parallel>, #tpu.dimension_semantics<subcore_parallel>], iteration_bounds = array<i64: 2, 16>, scalar_prefetch = 0 : i64, scratch_operands = 11 : i64, tpu.core_type = #tpu.core_type<sc_vector_subcore>, window_params = [{transform_indices = #map}, {transform_indices = #map1}, {transform_indices = #map2}]} {
    %eq3A = arith.constant 0 : i32
    %eq3A_0 = arith.cmpi eq, %arg0, %eq3A : i32
    %jit3A = arith.constant 148 : i32
    %jit3A_1 = arith.constant 12 : i32
    %select_n3A = arith.select %eq3A_0, %jit3A, %jit3A_1 : i32
    %eq3A_2 = arith.constant 0 : i32
    %eq3A_3 = arith.cmpi eq, %arg0, %eq3A_2 : i32
    %mul3A = arith.constant 148 : i32
    %mul3A_4 = arith.muli %arg1, %mul3A : i32
    %mul3A_5 = arith.constant 12 : i32
    %mul3A_6 = arith.muli %arg1, %mul3A_5 : i32
    %add3A = arith.constant 2368 : i32
    %add3A_7 = arith.addi %add3A, %mul3A_6 : i32
    %select_n3A_8 = arith.select %eq3A_3, %mul3A_4, %add3A_7 : i32
    %mul3A_9 = arith.constant 640 : i32
    %mul3A_10 = arith.muli %arg1, %mul3A_9 : i32
    %ge3A = arith.constant 0 : i32
    %ge3A_11 = arith.cmpi sge, %arg0, %ge3A : i32
    %convert_element_type3A = arith.extui %ge3A_11 : i1 to i32
    %cond3A = arith.constant 0 : i32
    %cond3A_12 = arith.cmpi ne, %convert_element_type3A, %cond3A : i32
    scf.if %cond3A_12 {
      %scan3A = arith.constant 0 : i32
      %scan3A_47 = arith.constant 0 : i32
      %scan3A_48 = arith.constant 384 : i32
      %scan3A_49 = arith.addi %scan3A_47, %scan3A_48 : i32
      %scan3A_50 = arith.constant 1 : i32
      %scan3A_51 = scf.for %scan3A_62 = %scan3A_47 to %scan3A_49 step %scan3A_50 iter_args(%scan3A_63 = %scan3A) -> (i32)  : i32 {
        %jit3A_64 = arith.constant 3 : i32
        %div3A_65 = arith.divsi %scan3A_62, %jit3A_64 : i32
        %sign3A_66 = arith.constant 0 : i32
        %sign3A_67 = arith.cmpi sgt, %scan3A_62, %sign3A_66 : i32
        %sign3A_68 = arith.extui %sign3A_67 : i1 to i32
        %sign3A_69 = arith.constant 0 : i32
        %sign3A_70 = arith.cmpi slt, %scan3A_62, %sign3A_69 : i32
        %sign3A_71 = arith.extui %sign3A_70 : i1 to i32
        %sign3A_72 = arith.subi %sign3A_68, %sign3A_71 : i32
        %sign3A_73 = arith.constant 0 : i32
        %sign3A_74 = arith.cmpi sgt, %jit3A_64, %sign3A_73 : i32
        %sign3A_75 = arith.extui %sign3A_74 : i1 to i32
        %sign3A_76 = arith.constant 0 : i32
        %sign3A_77 = arith.cmpi slt, %jit3A_64, %sign3A_76 : i32
        %sign3A_78 = arith.extui %sign3A_77 : i1 to i32
        %sign3A_79 = arith.subi %sign3A_75, %sign3A_78 : i32
        %ne3A_80 = arith.cmpi ne, %sign3A_72, %sign3A_79 : i32
        %rem3A_81 = arith.remsi %scan3A_62, %jit3A_64 : i32
        %ne3A_82 = arith.constant 0 : i32
        %ne3A_83 = arith.cmpi ne, %rem3A_81, %ne3A_82 : i32
        %and3A_84 = arith.andi %ne3A_80, %ne3A_83 : i1
        %sub3A_85 = arith.constant 1 : i32
        %sub3A_86 = arith.subi %div3A_65, %sub3A_85 : i32
        %select_n3A_87 = arith.select %and3A_84, %sub3A_86, %div3A_65 : i32
        %jit3A_88 = arith.constant 3 : i32
        %eq3A_89 = arith.constant 0 : i32
        %eq3A_90 = arith.cmpi eq, %jit3A_88, %eq3A_89 : i32
        %jit3A_91 = arith.constant 1 : i32
        %select_n3A_92 = arith.select %eq3A_90, %jit3A_91, %jit3A_88 : i32
        %rem3A_93 = arith.remsi %scan3A_62, %select_n3A_92 : i32
        %ne3A_94 = arith.constant 0 : i32
        %ne3A_95 = arith.cmpi ne, %rem3A_93, %ne3A_94 : i32
        %lt3A = arith.constant 0 : i32
        %lt3A_96 = arith.cmpi slt, %rem3A_93, %lt3A : i32
        %lt3A_97 = arith.constant 0 : i32
        %lt3A_98 = arith.cmpi slt, %select_n3A_92, %lt3A_97 : i32
        %ne3A_99 = arith.xori %lt3A_96, %lt3A_98 : i1
        %and3A_100 = arith.andi %ne3A_99, %ne3A_95 : i1
        %add3A_101 = arith.addi %rem3A_93, %select_n3A_92 : i32
        %select_n3A_102 = arith.select %and3A_100, %add3A_101, %rem3A_93 : i32
        %broadcast_in_dim3A = arith.constant 0.000000e+00 : f32
        %broadcast_in_dim3A_103 = vector.broadcast %broadcast_in_dim3A : f32 to vector<16xf32>
        %mul3A_104 = arith.constant 16 : i32
        %mul3A_105 = arith.muli %select_n3A_102, %mul3A_104 : i32
        %swap3A = arith.index_cast %select_n3A_87 : i32 to index
        %swap3A_106 = arith.index_cast %mul3A_105 : i32 to index
        %swap3A_107 = tpu.vector_load %arg10[%swap3A, %swap3A_106] {strides = array<i32>} : memref<128x48xf32, #tpu.memory_space<vmem>>, vector<1x16xf32>,
        %swap3A_108 = vector.shape_cast %swap3A_107 : vector<1x16xf32> to vector<16xf32>
        %swap3A_109 = vector.shape_cast %broadcast_in_dim3A_103 : vector<16xf32> to vector<1x16xf32>
        tpu.vector_store %arg10[%swap3A, %swap3A_106], %swap3A_109 {strides = array<i32>} : memref<128x48xf32, #tpu.memory_space<vmem>>, vector<1x16xf32>,
        %scan3A_110 = arith.constant 0 : i32
        scf.yield %scan3A_110 : i32
      }
      %scan3A_52 = arith.constant 384 : i32
      %scan3A_53 = arith.constant 0 : i32
      %scan3A_54 = arith.constant 0 : i32
      %scan3A_55 = arith.constant 5 : i32
      %scan3A_56 = arith.addi %scan3A_54, %scan3A_55 : i32
      %scan3A_57 = arith.constant 1 : i32
      %scan3A_58 = scf.for %scan3A_62 = %scan3A_54 to %scan3A_56 step %scan3A_57 iter_args(%scan3A_63 = %scan3A_53) -> (i32)  : i32 {
        %mul3A_64 = arith.constant 128 : i32
        %mul3A_65 = arith.muli %scan3A_62, %mul3A_64 : i32
        %add3A_66 = arith.addi %mul3A_10, %mul3A_65 : i32
        "tpu.region"() ({
          %run_scoped3A = tpu.sem_alloc : memref<!tpu.dma_semaphore, #tpu.memory_space<semaphore_mem>>
          %dma_start3A = arith.constant 0 : i32
          %dma_start3A_68 = tpu.memref_slice %arg12[%add3A_66, %dma_start3A] : memref<10240x48xf32, #tpu.memory_space<vmem_shared>> -> memref<128x48xf32, #tpu.memory_space<vmem_shared>>
          %dma_start3A_69 = arith.constant 0 : i32
          %dma_start3A_70 = tpu.memref_slice %arg12[%add3A_66, %dma_start3A_69] : memref<10240x48xf32, #tpu.memory_space<vmem_shared>> -> memref<128x48xf32, #tpu.memory_space<vmem_shared>>
          tpu.enqueue_dma source(%arg10 : memref<128x48xf32, #tpu.memory_space<vmem>>) target(%dma_start3A_70 : memref<128x48xf32, #tpu.memory_space<vmem_shared>>) target_semaphore(%run_scoped3A : memref<!tpu.dma_semaphore, #tpu.memory_space<semaphore_mem>>)
          %dma_wait3A = arith.constant 0 : i32
          %dma_wait3A_71 = tpu.memref_slice %arg12[%add3A_66, %dma_wait3A] : memref<10240x48xf32, #tpu.memory_space<vmem_shared>> -> memref<128x48xf32, #tpu.memory_space<vmem_shared>>
          %dma_wait3A_72 = arith.constant 0 : i32
          %dma_wait3A_73 = tpu.memref_slice %arg12[%add3A_66, %dma_wait3A_72] : memref<10240x48xf32, #tpu.memory_space<vmem_shared>> -> memref<128x48xf32, #tpu.memory_space<vmem_shared>>
          tpu.wait_dma2 semaphore(%run_scoped3A : memref<!tpu.dma_semaphore, #tpu.memory_space<semaphore_mem>>) src(%arg10 : memref<128x48xf32, #tpu.memory_space<vmem>>) dst(%dma_wait3A_73 : memref<128x48xf32, #tpu.memory_space<vmem_shared>>)
          tpu.yield
        }) : () -> ()
        %scan3A_67 = arith.constant 0 : i32
        scf.yield %scan3A_67 : i32
      }
      %scan3A_59 = arith.constant 5 : i32
      %mul3A_60 = arith.constant 128 : i32
      %mul3A_61 = arith.muli %select_n3A_8, %mul3A_60 : i32
      "tpu.region"() ({
        %run_scoped3A = tpu.sem_alloc : memref<!tpu.dma_semaphore, #tpu.memory_space<semaphore_mem>>
        %dma_start3A = tpu.memref_slice %arg2[%mul3A_61] : memref<335872xi32, #tpu.memory_space<hbm>> -> memref<8192xi32, #tpu.memory_space<hbm>>
        %dma_start3A_62 = tpu.memref_slice %arg2[%mul3A_61] : memref<335872xi32, #tpu.memory_space<hbm>> -> memref<8192xi32, #tpu.memory_space<hbm>>
        tpu.enqueue_dma source(%dma_start3A_62 : memref<8192xi32, #tpu.memory_space<hbm>>) target(%arg5 : memref<8192xi32, #tpu.memory_space<vmem>>) target_semaphore(%run_scoped3A : memref<!tpu.dma_semaphore, #tpu.memory_space<semaphore_mem>>)
        %dma_wait3A = tpu.memref_slice %arg2[%mul3A_61] : memref<335872xi32, #tpu.memory_space<hbm>> -> memref<8192xi32, #tpu.memory_space<hbm>>
        %dma_wait3A_63 = tpu.memref_slice %arg2[%mul3A_61] : memref<335872xi32, #tpu.memory_space<hbm>> -> memref<8192xi32, #tpu.memory_space<hbm>>
        tpu.wait_dma2 semaphore(%run_scoped3A : memref<!tpu.dma_semaphore, #tpu.memory_space<semaphore_mem>>) src(%dma_wait3A_63 : memref<8192xi32, #tpu.memory_space<hbm>>) dst(%arg5 : memref<8192xi32, #tpu.memory_space<vmem>>)
        tpu.yield
      }) : () -> ()
    } else {
    }
    %barrier3A = arith.constant 0 : index
    tpu.barrier barrier_id(%barrier3A)
    %gt3A = arith.constant 0 : i32
    %gt3A_13 = arith.cmpi sgt, %select_n3A, %gt3A : i32
    %convert_element_type3A_14 = arith.extui %gt3A_13 : i1 to i32
    %cond3A_15 = arith.constant 0 : i32
    %cond3A_16 = arith.cmpi ne, %convert_element_type3A_14, %cond3A_15 : i32
    scf.if %cond3A_16 {
      %and3A_47 = arith.constant 0 : i32
      %and3A_48 = arith.constant 63 : i32
      %and3A_49 = arith.andi %and3A_47, %and3A_48 : i32
      %mul3A_50 = arith.constant 128 : i32
      %mul3A_51 = arith.muli %and3A_49, %mul3A_50 : i32
      %scan3A = arith.constant 0 : i32
      %scan3A_52 = arith.constant 0 : i32
      %scan3A_53 = arith.constant 8 : i32
      %scan3A_54 = arith.addi %scan3A_52, %scan3A_53 : i32
      %scan3A_55 = arith.constant 1 : i32
      %scan3A_56 = scf.for %scan3A_60 = %scan3A_52 to %scan3A_54 step %scan3A_55 iter_args(%scan3A_61 = %scan3A) -> (i32)  : i32 {
        %mul3A_62 = arith.constant 16 : i32
        %mul3A_63 = arith.muli %scan3A_60, %mul3A_62 : i32
        %add3A_64 = arith.addi %mul3A_51, %mul3A_63 : i32
        %get3A = arith.index_cast %add3A_64 : i32 to index
        %get3A_65 = tpu.vector_load %arg5[%get3A] {strides = array<i32>} : memref<8192xi32, #tpu.memory_space<vmem>>, vector<16xi32>,
        %get3A_66 = vector.shape_cast %get3A_65 : vector<16xi32> to vector<16xi32>
        %and3A_67 = arith.constant 65535 : i32
        %and3A_68 = vector.broadcast %and3A_67 : i32 to vector<16xi32>
        %and3A_69 = arith.andi %get3A_66, %and3A_68 : vector<16xi32>
        %mul3A_70 = arith.constant 16 : i32
        %mul3A_71 = arith.muli %scan3A_60, %mul3A_70 : i32
        %swap3A = arith.index_cast %mul3A_71 : i32 to index
        %swap3A_72 = tpu.vector_load %arg6[%swap3A] {strides = array<i32>} : memref<128xi32, #tpu.memory_space<vmem>>, vector<16xi32>,
        %swap3A_73 = vector.shape_cast %swap3A_72 : vector<16xi32> to vector<16xi32>
        %swap3A_74 = vector.shape_cast %and3A_69 : vector<16xi32> to vector<16xi32>
        tpu.vector_store %arg6[%swap3A], %swap3A_74 {strides = array<i32>} : memref<128xi32, #tpu.memory_space<vmem>>, vector<16xi32>,
        %shift_right_arithmetic3A = arith.constant 16 : i32
        %shift_right_arithmetic3A_75 = vector.broadcast %shift_right_arithmetic3A : i32 to vector<16xi32>
        %shift_right_arithmetic3A_76 = arith.shrsi %get3A_66, %shift_right_arithmetic3A_75 : vector<16xi32>
        %mul3A_77 = arith.constant 16 : i32
        %mul3A_78 = arith.muli %scan3A_60, %mul3A_77 : i32
        %swap3A_79 = arith.index_cast %mul3A_78 : i32 to index
        %swap3A_80 = tpu.vector_load %arg8[%swap3A_79] {strides = array<i32>} : memref<128xi32, #tpu.memory_space<vmem>>, vector<16xi32>,
        %swap3A_81 = vector.shape_cast %swap3A_80 : vector<16xi32> to vector<16xi32>
        %swap3A_82 = vector.shape_cast %shift_right_arithmetic3A_76 : vector<16xi32> to vector<16xi32>
        tpu.vector_store %arg8[%swap3A_79], %swap3A_82 {strides = array<i32>} : memref<128xi32, #tpu.memory_space<vmem>>, vector<16xi32>,
        %scan3A_83 = arith.constant 0 : i32
        scf.yield %scan3A_83 : i32
      }
      %scan3A_57 = arith.constant 8 : i32
      %dma_start3A = arith.constant 0 : i32
      %dma_start3A_58 = arith.constant 0 : i32
      %dma_start3A_59 = tpu.memref_slice %arg3[%dma_start3A, %dma_start3A_58] : memref<10240x48xf32, #tpu.memory_space<hbm>> -> memref<10240x48xf32, #tpu.memory_space<hbm>>
      tpu.enqueue_indirect_dma source(%dma_start3A_59 : memref<10240x48xf32, #tpu.memory_space<hbm>>) target(%arg10 : memref<128x48xf32, #tpu.memory_space<vmem>>) offsets(%arg6 : memref<128xi32, #tpu.memory_space<vmem>>) semaphore(%arg13 : memref<!tpu.dma_semaphore, #tpu.memory_space<semaphore_mem>>)
    } else {
    }
    %jit3A_17 = arith.constant 2 : i32
    %div3A = arith.divsi %select_n3A, %jit3A_17 : i32
    %sign3A = arith.constant 0 : i32
    %sign3A_18 = arith.cmpi sgt, %select_n3A, %sign3A : i32
    %sign3A_19 = arith.extui %sign3A_18 : i1 to i32
    %sign3A_20 = arith.constant 0 : i32
    %sign3A_21 = arith.cmpi slt, %select_n3A, %sign3A_20 : i32
    %sign3A_22 = arith.extui %sign3A_21 : i1 to i32
    %sign3A_23 = arith.subi %sign3A_19, %sign3A_22 : i32
    %sign3A_24 = arith.constant 0 : i32
    %sign3A_25 = arith.cmpi sgt, %jit3A_17, %sign3A_24 : i32
    %sign3A_26 = arith.extui %sign3A_25 : i1 to i32
    %sign3A_27 = arith.constant 0 : i32
    %sign3A_28 = arith.cmpi slt, %jit3A_17, %sign3A_27 : i32
    %sign3A_29 = arith.extui %sign3A_28 : i1 to i32
    %sign3A_30 = arith.subi %sign3A_26, %sign3A_29 : i32
    %ne3A = arith.cmpi ne, %sign3A_23, %sign3A_30 : i32
    %rem3A = arith.remsi %select_n3A, %jit3A_17 : i32
    %ne3A_31 = arith.constant 0 : i32
    %ne3A_32 = arith.cmpi ne, %rem3A, %ne3A_31 : i32
    %and3A = arith.andi %ne3A, %ne3A_32 : i1
    %sub3A = arith.constant 1 : i32
    %sub3A_33 = arith.subi %div3A, %sub3A : i32
    %select_n3A_34 = arith.select %and3A, %sub3A_33, %div3A : i32
    %while3A = arith.constant 0 : i32
    %while3A_35 = arith.constant 0 : i32
    %while3A_36 = arith.subi %select_n3A_34, %while3A : i32
    %while3A_37 = arith.addi %while3A, %while3A_36 : i32
    %while3A_38 = arith.constant 1 : i32
    %while3A_39 = arith.divsi %while3A_36, %while3A_38 : i32
    %while3A_40 = arith.muli %while3A_39, %while3A_38 : i32
    %while3A_41 = arith.addi %while3A, %while3A_40 : i32
    %while3A_42 = arith.constant 1 : i32
    %while3A_43 = scf.for %while3A_47 = %while3A to %while3A_41 step %while3A_42 iter_args(%while3A_48 = %while3A_35) -> (i32)  : i32 {
      %mul3A_49 = arith.constant 2 : i32
      %mul3A_50 = arith.muli %while3A_47, %mul3A_49 : i32
      %add3A_51 = arith.constant 1 : i32
      %add3A_52 = arith.addi %mul3A_50, %add3A_51 : i32
      %and3A_53 = arith.constant 63 : i32
      %and3A_54 = arith.andi %add3A_52, %and3A_53 : i32
      %mul3A_55 = arith.constant 128 : i32
      %mul3A_56 = arith.muli %and3A_54, %mul3A_55 : i32
      %scan3A = arith.constant 0 : i32
      %scan3A_57 = arith.constant 0 : i32
      %scan3A_58 = arith.constant 8 : i32
      %scan3A_59 = arith.addi %scan3A_57, %scan3A_58 : i32
      %scan3A_60 = arith.constant 1 : i32
      %scan3A_61 = scf.for %scan3A_100 = %scan3A_57 to %scan3A_59 step %scan3A_60 iter_args(%scan3A_101 = %scan3A) -> (i32)  : i32 {
        %mul3A_102 = arith.constant 16 : i32
        %mul3A_103 = arith.muli %scan3A_100, %mul3A_102 : i32
        %add3A_104 = arith.addi %mul3A_56, %mul3A_103 : i32
        %get3A = arith.index_cast %add3A_104 : i32 to index
        %get3A_105 = tpu.vector_load %arg5[%get3A] {strides = array<i32>} : memref<8192xi32, #tpu.memory_space<vmem>>, vector<16xi32>,
        %get3A_106 = vector.shape_cast %get3A_105 : vector<16xi32> to vector<16xi32>
        %and3A_107 = arith.constant 65535 : i32
        %and3A_108 = vector.broadcast %and3A_107 : i32 to vector<16xi32>
        %and3A_109 = arith.andi %get3A_106, %and3A_108 : vector<16xi32>
        %mul3A_110 = arith.constant 16 : i32
        %mul3A_111 = arith.muli %scan3A_100, %mul3A_110 : i32
        %swap3A = arith.index_cast %mul3A_111 : i32 to index
        %swap3A_112 = tpu.vector_load %arg7[%swap3A] {strides = array<i32>} : memref<128xi32, #tpu.memory_space<vmem>>, vector<16xi32>,
        %swap3A_113 = vector.shape_cast %swap3A_112 : vector<16xi32> to vector<16xi32>
        %swap3A_114 = vector.shape_cast %and3A_109 : vector<16xi32> to vector<16xi32>
        tpu.vector_store %arg7[%swap3A], %swap3A_114 {strides = array<i32>} : memref<128xi32, #tpu.memory_space<vmem>>, vector<16xi32>,
        %shift_right_arithmetic3A = arith.constant 16 : i32
        %shift_right_arithmetic3A_115 = vector.broadcast %shift_right_arithmetic3A : i32 to vector<16xi32>
        %shift_right_arithmetic3A_116 = arith.shrsi %get3A_106, %shift_right_arithmetic3A_115 : vector<16xi32>
        %mul3A_117 = arith.constant 16 : i32
        %mul3A_118 = arith.muli %scan3A_100, %mul3A_117 : i32
        %swap3A_119 = arith.index_cast %mul3A_118 : i32 to index
        %swap3A_120 = tpu.vector_load %arg9[%swap3A_119] {strides = array<i32>} : memref<128xi32, #tpu.memory_space<vmem>>, vector<16xi32>,
        %swap3A_121 = vector.shape_cast %swap3A_120 : vector<16xi32> to vector<16xi32>
        %swap3A_122 = vector.shape_cast %shift_right_arithmetic3A_116 : vector<16xi32> to vector<16xi32>
        tpu.vector_store %arg9[%swap3A_119], %swap3A_122 {strides = array<i32>} : memref<128xi32, #tpu.memory_space<vmem>>, vector<16xi32>,
        %scan3A_123 = arith.constant 0 : i32
        scf.yield %scan3A_123 : i32
      }
      %scan3A_62 = arith.constant 8 : i32
      %dma_start3A = arith.constant 0 : i32
      %dma_start3A_63 = arith.constant 0 : i32
      %dma_start3A_64 = tpu.memref_slice %arg3[%dma_start3A, %dma_start3A_63] : memref<10240x48xf32, #tpu.memory_space<hbm>> -> memref<10240x48xf32, #tpu.memory_space<hbm>>
      tpu.enqueue_indirect_dma source(%dma_start3A_64 : memref<10240x48xf32, #tpu.memory_space<hbm>>) target(%arg11 : memref<128x48xf32, #tpu.memory_space<vmem>>) offsets(%arg7 : memref<128xi32, #tpu.memory_space<vmem>>) semaphore(%arg14 : memref<!tpu.dma_semaphore, #tpu.memory_space<semaphore_mem>>)
      %dma_wait3A = arith.constant 0 : i32
      %dma_wait3A_65 = arith.constant 0 : i32
      %dma_wait3A_66 = tpu.memref_slice %arg3[%dma_wait3A, %dma_wait3A_65] : memref<10240x48xf32, #tpu.memory_space<hbm>> -> memref<10240x48xf32, #tpu.memory_space<hbm>>
      tpu.wait_indirect_dma semaphore(%arg13 : memref<!tpu.dma_semaphore, #tpu.memory_space<semaphore_mem>>) src(%dma_wait3A_66 : memref<10240x48xf32, #tpu.memory_space<hbm>>) dst(%arg10 : memref<128x48xf32, #tpu.memory_space<vmem>>)
      "tpu.region"() ({
        %run_scoped3A = tpu.sem_alloc : memref<!tpu.dma_semaphore, #tpu.memory_space<semaphore_mem>>
        %dma_start3A_100 = arith.constant 0 : i32
        %dma_start3A_101 = arith.constant 0 : i32
        %dma_start3A_102 = tpu.memref_slice %arg12[%dma_start3A_100, %dma_start3A_101] : memref<10240x48xf32, #tpu.memory_space<vmem_shared>> -> memref<10240x48xf32, #tpu.memory_space<vmem_shared>>
        tpu.enqueue_indirect_dma source(%arg10 : memref<128x48xf32, #tpu.memory_space<vmem>>) target(%dma_start3A_102 : memref<10240x48xf32, #tpu.memory_space<vmem_shared>>) offsets(%arg8 : memref<128xi32, #tpu.memory_space<vmem>>) semaphore(%run_scoped3A : memref<!tpu.dma_semaphore, #tpu.memory_space<semaphore_mem>>) {add = true}
        %dma_wait3A_103 = arith.constant 0 : i32
        %dma_wait3A_104 = arith.constant 0 : i32
        %dma_wait3A_105 = tpu.memref_slice %arg12[%dma_wait3A_103, %dma_wait3A_104] : memref<10240x48xf32, #tpu.memory_space<vmem_shared>> -> memref<10240x48xf32, #tpu.memory_space<vmem_shared>>
        tpu.wait_indirect_dma semaphore(%run_scoped3A : memref<!tpu.dma_semaphore, #tpu.memory_space<semaphore_mem>>) src(%arg10 : memref<128x48xf32, #tpu.memory_space<vmem>>) dst(%dma_wait3A_105 : memref<10240x48xf32, #tpu.memory_space<vmem_shared>>)
        tpu.yield
      }) : () -> ()
      %jit3A_67 = arith.constant 2 : i32
      %div3A_68 = arith.divsi %select_n3A, %jit3A_67 : i32
      %sign3A_69 = arith.constant 0 : i32
      %sign3A_70 = arith.cmpi sgt, %select_n3A, %sign3A_69 : i32
      %sign3A_71 = arith.extui %sign3A_70 : i1 to i32
      %sign3A_72 = arith.constant 0 : i32
      %sign3A_73 = arith.cmpi slt, %select_n3A, %sign3A_72 : i32
      %sign3A_74 = arith.extui %sign3A_73 : i1 to i32
      %sign3A_75 = arith.subi %sign3A_71, %sign3A_74 : i32
      %sign3A_76 = arith.constant 0 : i32
      %sign3A_77 = arith.cmpi sgt, %jit3A_67, %sign3A_76 : i32
      %sign3A_78 = arith.extui %sign3A_77 : i1 to i32
      %sign3A_79 = arith.constant 0 : i32
      %sign3A_80 = arith.cmpi slt, %jit3A_67, %sign3A_79 : i32
      %sign3A_81 = arith.extui %sign3A_80 : i1 to i32
      %sign3A_82 = arith.subi %sign3A_78, %sign3A_81 : i32
      %ne3A_83 = arith.cmpi ne, %sign3A_75, %sign3A_82 : i32
      %rem3A_84 = arith.remsi %select_n3A, %jit3A_67 : i32
      %ne3A_85 = arith.constant 0 : i32
      %ne3A_86 = arith.cmpi ne, %rem3A_84, %ne3A_85 : i32
      %and3A_87 = arith.andi %ne3A_83, %ne3A_86 : i1
      %sub3A_88 = arith.constant 1 : i32
      %sub3A_89 = arith.subi %div3A_68, %sub3A_88 : i32
      %select_n3A_90 = arith.select %and3A_87, %sub3A_89, %div3A_68 : i32
      %sub3A_91 = arith.constant 1 : i32
      %sub3A_92 = arith.subi %select_n3A_90, %sub3A_91 : i32
      %lt3A = arith.cmpi slt, %while3A_47, %sub3A_92 : i32
      %convert_element_type3A_93 = arith.extui %lt3A : i1 to i32
      %cond3A_94 = arith.constant 0 : i32
      %cond3A_95 = arith.cmpi ne, %convert_element_type3A_93, %cond3A_94 : i32
      scf.if %cond3A_95 {
        %add3A_100 = arith.constant 2 : i32
        %add3A_101 = arith.addi %mul3A_50, %add3A_100 : i32
        %and3A_102 = arith.constant 31 : i32
        %and3A_103 = arith.andi %add3A_101, %and3A_102 : i32
        %eq3A_104 = arith.constant 0 : i32
        %eq3A_105 = arith.cmpi eq, %and3A_103, %eq3A_104 : i32
        %convert_element_type3A_106 = arith.extui %eq3A_105 : i1 to i32
        %cond3A_107 = arith.constant 0 : i32
        %cond3A_108 = arith.cmpi ne, %convert_element_type3A_106, %cond3A_107 : i32
        scf.if %cond3A_108 {
          %add3A_125 = arith.constant 2 : i32
          %add3A_126 = arith.addi %mul3A_50, %add3A_125 : i32
          %ge3A_127 = arith.constant 64 : i32
          %ge3A_128 = arith.cmpi sge, %add3A_126, %ge3A_127 : i32
          %convert_element_type3A_129 = arith.extui %ge3A_128 : i1 to i32
          %cond3A_130 = arith.constant 0 : i32
          %cond3A_131 = arith.cmpi ne, %convert_element_type3A_129, %cond3A_130 : i32
          scf.if %cond3A_131 {
            %dma_wait3A_138 = arith.constant 0 : i32
            %dma_wait3A_139 = tpu.memref_slice %arg5[%dma_wait3A_138] : memref<8192xi32, #tpu.memory_space<vmem>> -> memref<4096xi32, #tpu.memory_space<vmem>>
            %dma_wait3A_140 = arith.constant 0 : i32
            %dma_wait3A_141 = tpu.memref_slice %arg2[%dma_wait3A_140] : memref<335872xi32, #tpu.memory_space<hbm>> -> memref<4096xi32, #tpu.memory_space<hbm>>
            %dma_wait3A_142 = arith.constant 0 : i32
            %dma_wait3A_143 = tpu.memref_slice %arg5[%dma_wait3A_142] : memref<8192xi32, #tpu.memory_space<vmem>> -> memref<4096xi32, #tpu.memory_space<vmem>>
            %dma_wait3A_144 = arith.constant 0 : i32
            %dma_wait3A_145 = tpu.memref_slice %arg2[%dma_wait3A_144] : memref<335872xi32, #tpu.memory_space<hbm>> -> memref<4096xi32, #tpu.memory_space<hbm>>
            tpu.wait_dma2 semaphore(%arg15 : memref<!tpu.dma_semaphore, #tpu.memory_space<semaphore_mem>>) src(%dma_wait3A_145 : memref<4096xi32, #tpu.memory_space<hbm>>) dst(%dma_wait3A_143 : memref<4096xi32, #tpu.memory_space<vmem>>)
          } else {
          }
          %add3A_132 = arith.constant 32 : i32
          %add3A_133 = arith.addi %add3A_126, %add3A_132 : i32
          %lt3A_134 = arith.cmpi slt, %add3A_133, %select_n3A : i32
          %convert_element_type3A_135 = arith.extui %lt3A_134 : i1 to i32
          %cond3A_136 = arith.constant 0 : i32
          %cond3A_137 = arith.cmpi ne, %convert_element_type3A_135, %cond3A_136 : i32
          scf.if %cond3A_137 {
            %jit3A_138 = arith.constant 32 : i32
            %div3A_139 = arith.divsi %add3A_126, %jit3A_138 : i32
            %sign3A_140 = arith.constant 0 : i32
            %sign3A_141 = arith.cmpi sgt, %add3A_126, %sign3A_140 : i32
            %sign3A_142 = arith.extui %sign3A_141 : i1 to i32
            %sign3A_143 = arith.constant 0 : i32
            %sign3A_144 = arith.cmpi slt, %add3A_126, %sign3A_143 : i32
            %sign3A_145 = arith.extui %sign3A_144 : i1 to i32
            %sign3A_146 = arith.subi %sign3A_142, %sign3A_145 : i32
            %sign3A_147 = arith.constant 0 : i32
            %sign3A_148 = arith.cmpi sgt, %jit3A_138, %sign3A_147 : i32
            %sign3A_149 = arith.extui %sign3A_148 : i1 to i32
            %sign3A_150 = arith.constant 0 : i32
            %sign3A_151 = arith.cmpi slt, %jit3A_138, %sign3A_150 : i32
            %sign3A_152 = arith.extui %sign3A_151 : i1 to i32
            %sign3A_153 = arith.subi %sign3A_149, %sign3A_152 : i32
            %ne3A_154 = arith.cmpi ne, %sign3A_146, %sign3A_153 : i32
            %rem3A_155 = arith.remsi %add3A_126, %jit3A_138 : i32
            %ne3A_156 = arith.constant 0 : i32
            %ne3A_157 = arith.cmpi ne, %rem3A_155, %ne3A_156 : i32
            %and3A_158 = arith.andi %ne3A_154, %ne3A_157 : i1
            %sub3A_159 = arith.constant 1 : i32
            %sub3A_160 = arith.subi %div3A_139, %sub3A_159 : i32
            %select_n3A_161 = arith.select %and3A_158, %sub3A_160, %div3A_139 : i32
            %add3A_162 = arith.constant 1 : i32
            %add3A_163 = arith.addi %select_n3A_161, %add3A_162 : i32
            %mul3A_164 = arith.constant 32 : i32
            %mul3A_165 = arith.muli %add3A_163, %mul3A_164 : i32
            %add3A_166 = arith.addi %select_n3A_8, %mul3A_165 : i32
            %mul3A_167 = arith.constant 128 : i32
            %mul3A_168 = arith.muli %add3A_166, %mul3A_167 : i32
            %jit3A_169 = arith.constant 2 : i32
            %eq3A_170 = arith.constant 0 : i32
            %eq3A_171 = arith.cmpi eq, %jit3A_169, %eq3A_170 : i32
            %jit3A_172 = arith.constant 1 : i32
            %select_n3A_173 = arith.select %eq3A_171, %jit3A_172, %jit3A_169 : i32
            %rem3A_174 = arith.remsi %add3A_163, %select_n3A_173 : i32
            %ne3A_175 = arith.constant 0 : i32
            %ne3A_176 = arith.cmpi ne, %rem3A_174, %ne3A_175 : i32
            %lt3A_177 = arith.constant 0 : i32
            %lt3A_178 = arith.cmpi slt, %rem3A_174, %lt3A_177 : i32
            %lt3A_179 = arith.constant 0 : i32
            %lt3A_180 = arith.cmpi slt, %select_n3A_173, %lt3A_179 : i32
            %ne3A_181 = arith.xori %lt3A_178, %lt3A_180 : i1
            %and3A_182 = arith.andi %ne3A_181, %ne3A_176 : i1
            %add3A_183 = arith.addi %rem3A_174, %select_n3A_173 : i32
            %select_n3A_184 = arith.select %and3A_182, %add3A_183, %rem3A_174 : i32
            %mul3A_185 = arith.constant 32 : i32
            %mul3A_186 = arith.muli %select_n3A_184, %mul3A_185 : i32
            %mul3A_187 = arith.constant 128 : i32
            %mul3A_188 = arith.muli %mul3A_186, %mul3A_187 : i32
            %dma_start3A_189 = tpu.memref_slice %arg5[%mul3A_188] : memref<8192xi32, #tpu.memory_space<vmem>> -> memref<4096xi32, #tpu.memory_space<vmem>>
            %dma_start3A_190 = tpu.memref_slice %arg2[%mul3A_168] : memref<335872xi32, #tpu.memory_space<hbm>> -> memref<4096xi32, #tpu.memory_space<hbm>>
            %dma_start3A_191 = tpu.memref_slice %arg5[%mul3A_188] : memref<8192xi32, #tpu.memory_space<vmem>> -> memref<4096xi32, #tpu.memory_space<vmem>>
            %dma_start3A_192 = tpu.memref_slice %arg2[%mul3A_168] : memref<335872xi32, #tpu.memory_space<hbm>> -> memref<4096xi32, #tpu.memory_space<hbm>>
            tpu.enqueue_dma source(%dma_start3A_192 : memref<4096xi32, #tpu.memory_space<hbm>>) target(%dma_start3A_191 : memref<4096xi32, #tpu.memory_space<vmem>>) target_semaphore(%arg15 : memref<!tpu.dma_semaphore, #tpu.memory_space<semaphore_mem>>)
          } else {
          }
        } else {
        }
        %add3A_109 = arith.constant 2 : i32
        %add3A_110 = arith.addi %mul3A_50, %add3A_109 : i32
        %and3A_111 = arith.constant 63 : i32
        %and3A_112 = arith.andi %add3A_110, %and3A_111 : i32
        %mul3A_113 = arith.constant 128 : i32
        %mul3A_114 = arith.muli %and3A_112, %mul3A_113 : i32
        %scan3A_115 = arith.constant 0 : i32
        %scan3A_116 = arith.constant 0 : i32
        %scan3A_117 = arith.constant 8 : i32
        %scan3A_118 = arith.addi %scan3A_116, %scan3A_117 : i32
        %scan3A_119 = arith.constant 1 : i32
        %scan3A_120 = scf.for %scan3A_125 = %scan3A_116 to %scan3A_118 step %scan3A_119 iter_args(%scan3A_126 = %scan3A_115) -> (i32)  : i32 {
          %mul3A_127 = arith.constant 16 : i32
          %mul3A_128 = arith.muli %scan3A_125, %mul3A_127 : i32
          %add3A_129 = arith.addi %mul3A_114, %mul3A_128 : i32
          %get3A = arith.index_cast %add3A_129 : i32 to index
          %get3A_130 = tpu.vector_load %arg5[%get3A] {strides = array<i32>} : memref<8192xi32, #tpu.memory_space<vmem>>, vector<16xi32>,
          %get3A_131 = vector.shape_cast %get3A_130 : vector<16xi32> to vector<16xi32>
          %and3A_132 = arith.constant 65535 : i32
          %and3A_133 = vector.broadcast %and3A_132 : i32 to vector<16xi32>
          %and3A_134 = arith.andi %get3A_131, %and3A_133 : vector<16xi32>
          %mul3A_135 = arith.constant 16 : i32
          %mul3A_136 = arith.muli %scan3A_125, %mul3A_135 : i32
          %swap3A = arith.index_cast %mul3A_136 : i32 to index
          %swap3A_137 = tpu.vector_load %arg6[%swap3A] {strides = array<i32>} : memref<128xi32, #tpu.memory_space<vmem>>, vector<16xi32>,
          %swap3A_138 = vector.shape_cast %swap3A_137 : vector<16xi32> to vector<16xi32>
          %swap3A_139 = vector.shape_cast %and3A_134 : vector<16xi32> to vector<16xi32>
          tpu.vector_store %arg6[%swap3A], %swap3A_139 {strides = array<i32>} : memref<128xi32, #tpu.memory_space<vmem>>, vector<16xi32>,
          %shift_right_arithmetic3A = arith.constant 16 : i32
          %shift_right_arithmetic3A_140 = vector.broadcast %shift_right_arithmetic3A : i32 to vector<16xi32>
          %shift_right_arithmetic3A_141 = arith.shrsi %get3A_131, %shift_right_arithmetic3A_140 : vector<16xi32>
          %mul3A_142 = arith.constant 16 : i32
          %mul3A_143 = arith.muli %scan3A_125, %mul3A_142 : i32
          %swap3A_144 = arith.index_cast %mul3A_143 : i32 to index
          %swap3A_145 = tpu.vector_load %arg8[%swap3A_144] {strides = array<i32>} : memref<128xi32, #tpu.memory_space<vmem>>, vector<16xi32>,
          %swap3A_146 = vector.shape_cast %swap3A_145 : vector<16xi32> to vector<16xi32>
          %swap3A_147 = vector.shape_cast %shift_right_arithmetic3A_141 : vector<16xi32> to vector<16xi32>
          tpu.vector_store %arg8[%swap3A_144], %swap3A_147 {strides = array<i32>} : memref<128xi32, #tpu.memory_space<vmem>>, vector<16xi32>,
          %scan3A_148 = arith.constant 0 : i32
          scf.yield %scan3A_148 : i32
        }
        %scan3A_121 = arith.constant 8 : i32
        %dma_start3A_122 = arith.constant 0 : i32
        %dma_start3A_123 = arith.constant 0 : i32
        %dma_start3A_124 = tpu.memref_slice %arg3[%dma_start3A_122, %dma_start3A_123] : memref<10240x48xf32, #tpu.memory_space<hbm>> -> memref<10240x48xf32, #tpu.memory_space<hbm>>
        tpu.enqueue_indirect_dma source(%dma_start3A_124 : memref<10240x48xf32, #tpu.memory_space<hbm>>) target(%arg10 : memref<128x48xf32, #tpu.memory_space<vmem>>) offsets(%arg6 : memref<128xi32, #tpu.memory_space<vmem>>) semaphore(%arg13 : memref<!tpu.dma_semaphore, #tpu.memory_space<semaphore_mem>>)
      } else {
      }
      %dma_wait3A_96 = arith.constant 0 : i32
      %dma_wait3A_97 = arith.constant 0 : i32
      %dma_wait3A_98 = tpu.memref_slice %arg3[%dma_wait3A_96, %dma_wait3A_97] : memref<10240x48xf32, #tpu.memory_space<hbm>> -> memref<10240x48xf32, #tpu.memory_space<hbm>>
      tpu.wait_indirect_dma semaphore(%arg14 : memref<!tpu.dma_semaphore, #tpu.memory_space<semaphore_mem>>) src(%dma_wait3A_98 : memref<10240x48xf32, #tpu.memory_space<hbm>>) dst(%arg11 : memref<128x48xf32, #tpu.memory_space<vmem>>)
      "tpu.region"() ({
        %run_scoped3A = tpu.sem_alloc : memref<!tpu.dma_semaphore, #tpu.memory_space<semaphore_mem>>
        %dma_start3A_100 = arith.constant 0 : i32
        %dma_start3A_101 = arith.constant 0 : i32
        %dma_start3A_102 = tpu.memref_slice %arg12[%dma_start3A_100, %dma_start3A_101] : memref<10240x48xf32, #tpu.memory_space<vmem_shared>> -> memref<10240x48xf32, #tpu.memory_space<vmem_shared>>
        tpu.enqueue_indirect_dma source(%arg11 : memref<128x48xf32, #tpu.memory_space<vmem>>) target(%dma_start3A_102 : memref<10240x48xf32, #tpu.memory_space<vmem_shared>>) offsets(%arg9 : memref<128xi32, #tpu.memory_space<vmem>>) semaphore(%run_scoped3A : memref<!tpu.dma_semaphore, #tpu.memory_space<semaphore_mem>>) {add = true}
        %dma_wait3A_103 = arith.constant 0 : i32
        %dma_wait3A_104 = arith.constant 0 : i32
        %dma_wait3A_105 = tpu.memref_slice %arg12[%dma_wait3A_103, %dma_wait3A_104] : memref<10240x48xf32, #tpu.memory_space<vmem_shared>> -> memref<10240x48xf32, #tpu.memory_space<vmem_shared>>
        tpu.wait_indirect_dma semaphore(%run_scoped3A : memref<!tpu.dma_semaphore, #tpu.memory_space<semaphore_mem>>) src(%arg11 : memref<128x48xf32, #tpu.memory_space<vmem>>) dst(%dma_wait3A_105 : memref<10240x48xf32, #tpu.memory_space<vmem_shared>>)
        tpu.yield
      }) : () -> ()
      %while3A_99 = arith.constant 0 : i32
      scf.yield %while3A_99 : i32
    }
    %while3A_44 = arith.constant 1 : i32
    %while3A_45 = scf.for %while3A_47 = %while3A_41 to %while3A_37 step %while3A_44 iter_args(%while3A_48 = %while3A_43) -> (i32)  : i32 {
      %mul3A_49 = arith.constant 2 : i32
      %mul3A_50 = arith.muli %while3A_47, %mul3A_49 : i32
      %add3A_51 = arith.constant 1 : i32
      %add3A_52 = arith.addi %mul3A_50, %add3A_51 : i32
      %and3A_53 = arith.constant 63 : i32
      %and3A_54 = arith.andi %add3A_52, %and3A_53 : i32
      %mul3A_55 = arith.constant 128 : i32
      %mul3A_56 = arith.muli %and3A_54, %mul3A_55 : i32
      %scan3A = arith.constant 0 : i32
      %scan3A_57 = arith.constant 0 : i32
      %scan3A_58 = arith.constant 8 : i32
      %scan3A_59 = arith.addi %scan3A_57, %scan3A_58 : i32
      %scan3A_60 = arith.constant 1 : i32
      %scan3A_61 = scf.for %scan3A_100 = %scan3A_57 to %scan3A_59 step %scan3A_60 iter_args(%scan3A_101 = %scan3A) -> (i32)  : i32 {
        %mul3A_102 = arith.constant 16 : i32
        %mul3A_103 = arith.muli %scan3A_100, %mul3A_102 : i32
        %add3A_104 = arith.addi %mul3A_56, %mul3A_103 : i32
        %get3A = arith.index_cast %add3A_104 : i32 to index
        %get3A_105 = tpu.vector_load %arg5[%get3A] {strides = array<i32>} : memref<8192xi32, #tpu.memory_space<vmem>>, vector<16xi32>,
        %get3A_106 = vector.shape_cast %get3A_105 : vector<16xi32> to vector<16xi32>
        %and3A_107 = arith.constant 65535 : i32
        %and3A_108 = vector.broadcast %and3A_107 : i32 to vector<16xi32>
        %and3A_109 = arith.andi %get3A_106, %and3A_108 : vector<16xi32>
        %mul3A_110 = arith.constant 16 : i32
        %mul3A_111 = arith.muli %scan3A_100, %mul3A_110 : i32
        %swap3A = arith.index_cast %mul3A_111 : i32 to index
        %swap3A_112 = tpu.vector_load %arg7[%swap3A] {strides = array<i32>} : memref<128xi32, #tpu.memory_space<vmem>>, vector<16xi32>,
        %swap3A_113 = vector.shape_cast %swap3A_112 : vector<16xi32> to vector<16xi32>
        %swap3A_114 = vector.shape_cast %and3A_109 : vector<16xi32> to vector<16xi32>
        tpu.vector_store %arg7[%swap3A], %swap3A_114 {strides = array<i32>} : memref<128xi32, #tpu.memory_space<vmem>>, vector<16xi32>,
        %shift_right_arithmetic3A = arith.constant 16 : i32
        %shift_right_arithmetic3A_115 = vector.broadcast %shift_right_arithmetic3A : i32 to vector<16xi32>
        %shift_right_arithmetic3A_116 = arith.shrsi %get3A_106, %shift_right_arithmetic3A_115 : vector<16xi32>
        %mul3A_117 = arith.constant 16 : i32
        %mul3A_118 = arith.muli %scan3A_100, %mul3A_117 : i32
        %swap3A_119 = arith.index_cast %mul3A_118 : i32 to index
        %swap3A_120 = tpu.vector_load %arg9[%swap3A_119] {strides = array<i32>} : memref<128xi32, #tpu.memory_space<vmem>>, vector<16xi32>,
        %swap3A_121 = vector.shape_cast %swap3A_120 : vector<16xi32> to vector<16xi32>
        %swap3A_122 = vector.shape_cast %shift_right_arithmetic3A_116 : vector<16xi32> to vector<16xi32>
        tpu.vector_store %arg9[%swap3A_119], %swap3A_122 {strides = array<i32>} : memref<128xi32, #tpu.memory_space<vmem>>, vector<16xi32>,
        %scan3A_123 = arith.constant 0 : i32
        scf.yield %scan3A_123 : i32
      }
      %scan3A_62 = arith.constant 8 : i32
      %dma_start3A = arith.constant 0 : i32
      %dma_start3A_63 = arith.constant 0 : i32
      %dma_start3A_64 = tpu.memref_slice %arg3[%dma_start3A, %dma_start3A_63] : memref<10240x48xf32, #tpu.memory_space<hbm>> -> memref<10240x48xf32, #tpu.memory_space<hbm>>
      tpu.enqueue_indirect_dma source(%dma_start3A_64 : memref<10240x48xf32, #tpu.memory_space<hbm>>) target(%arg11 : memref<128x48xf32, #tpu.memory_space<vmem>>) offsets(%arg7 : memref<128xi32, #tpu.memory_space<vmem>>) semaphore(%arg14 : memref<!tpu.dma_semaphore, #tpu.memory_space<semaphore_mem>>)
      %dma_wait3A = arith.constant 0 : i32
      %dma_wait3A_65 = arith.constant 0 : i32
      %dma_wait3A_66 = tpu.memref_slice %arg3[%dma_wait3A, %dma_wait3A_65] : memref<10240x48xf32, #tpu.memory_space<hbm>> -> memref<10240x48xf32, #tpu.memory_space<hbm>>
      tpu.wait_indirect_dma semaphore(%arg13 : memref<!tpu.dma_semaphore, #tpu.memory_space<semaphore_mem>>) src(%dma_wait3A_66 : memref<10240x48xf32, #tpu.memory_space<hbm>>) dst(%arg10 : memref<128x48xf32, #tpu.memory_space<vmem>>)
      "tpu.region"() ({
        %run_scoped3A = tpu.sem_alloc : memref<!tpu.dma_semaphore, #tpu.memory_space<semaphore_mem>>
        %dma_start3A_100 = arith.constant 0 : i32
        %dma_start3A_101 = arith.constant 0 : i32
        %dma_start3A_102 = tpu.memref_slice %arg12[%dma_start3A_100, %dma_start3A_101] : memref<10240x48xf32, #tpu.memory_space<vmem_shared>> -> memref<10240x48xf32, #tpu.memory_space<vmem_shared>>
        tpu.enqueue_indirect_dma source(%arg10 : memref<128x48xf32, #tpu.memory_space<vmem>>) target(%dma_start3A_102 : memref<10240x48xf32, #tpu.memory_space<vmem_shared>>) offsets(%arg8 : memref<128xi32, #tpu.memory_space<vmem>>) semaphore(%run_scoped3A : memref<!tpu.dma_semaphore, #tpu.memory_space<semaphore_mem>>) {add = true}
        %dma_wait3A_103 = arith.constant 0 : i32
        %dma_wait3A_104 = arith.constant 0 : i32
        %dma_wait3A_105 = tpu.memref_slice %arg12[%dma_wait3A_103, %dma_wait3A_104] : memref<10240x48xf32, #tpu.memory_space<vmem_shared>> -> memref<10240x48xf32, #tpu.memory_space<vmem_shared>>
        tpu.wait_indirect_dma semaphore(%run_scoped3A : memref<!tpu.dma_semaphore, #tpu.memory_space<semaphore_mem>>) src(%arg10 : memref<128x48xf32, #tpu.memory_space<vmem>>) dst(%dma_wait3A_105 : memref<10240x48xf32, #tpu.memory_space<vmem_shared>>)
        tpu.yield
      }) : () -> ()
      %jit3A_67 = arith.constant 2 : i32
      %div3A_68 = arith.divsi %select_n3A, %jit3A_67 : i32
      %sign3A_69 = arith.constant 0 : i32
      %sign3A_70 = arith.cmpi sgt, %select_n3A, %sign3A_69 : i32
      %sign3A_71 = arith.extui %sign3A_70 : i1 to i32
      %sign3A_72 = arith.constant 0 : i32
      %sign3A_73 = arith.cmpi slt, %select_n3A, %sign3A_72 : i32
      %sign3A_74 = arith.extui %sign3A_73 : i1 to i32
      %sign3A_75 = arith.subi %sign3A_71, %sign3A_74 : i32
      %sign3A_76 = arith.constant 0 : i32
      %sign3A_77 = arith.cmpi sgt, %jit3A_67, %sign3A_76 : i32
      %sign3A_78 = arith.extui %sign3A_77 : i1 to i32
      %sign3A_79 = arith.constant 0 : i32
      %sign3A_80 = arith.cmpi slt, %jit3A_67, %sign3A_79 : i32
      %sign3A_81 = arith.extui %sign3A_80 : i1 to i32
      %sign3A_82 = arith.subi %sign3A_78, %sign3A_81 : i32
      %ne3A_83 = arith.cmpi ne, %sign3A_75, %sign3A_82 : i32
      %rem3A_84 = arith.remsi %select_n3A, %jit3A_67 : i32
      %ne3A_85 = arith.constant 0 : i32
      %ne3A_86 = arith.cmpi ne, %rem3A_84, %ne3A_85 : i32
      %and3A_87 = arith.andi %ne3A_83, %ne3A_86 : i1
      %sub3A_88 = arith.constant 1 : i32
      %sub3A_89 = arith.subi %div3A_68, %sub3A_88 : i32
      %select_n3A_90 = arith.select %and3A_87, %sub3A_89, %div3A_68 : i32
      %sub3A_91 = arith.constant 1 : i32
      %sub3A_92 = arith.subi %select_n3A_90, %sub3A_91 : i32
      %lt3A = arith.cmpi slt, %while3A_47, %sub3A_92 : i32
      %convert_element_type3A_93 = arith.extui %lt3A : i1 to i32
      %cond3A_94 = arith.constant 0 : i32
      %cond3A_95 = arith.cmpi ne, %convert_element_type3A_93, %cond3A_94 : i32
      scf.if %cond3A_95 {
        %add3A_100 = arith.constant 2 : i32
        %add3A_101 = arith.addi %mul3A_50, %add3A_100 : i32
        %and3A_102 = arith.constant 31 : i32
        %and3A_103 = arith.andi %add3A_101, %and3A_102 : i32
        %eq3A_104 = arith.constant 0 : i32
        %eq3A_105 = arith.cmpi eq, %and3A_103, %eq3A_104 : i32
        %convert_element_type3A_106 = arith.extui %eq3A_105 : i1 to i32
        %cond3A_107 = arith.constant 0 : i32
        %cond3A_108 = arith.cmpi ne, %convert_element_type3A_106, %cond3A_107 : i32
        scf.if %cond3A_108 {
          %add3A_125 = arith.constant 2 : i32
          %add3A_126 = arith.addi %mul3A_50, %add3A_125 : i32
          %ge3A_127 = arith.constant 64 : i32
          %ge3A_128 = arith.cmpi sge, %add3A_126, %ge3A_127 : i32
          %convert_element_type3A_129 = arith.extui %ge3A_128 : i1 to i32
          %cond3A_130 = arith.constant 0 : i32
          %cond3A_131 = arith.cmpi ne, %convert_element_type3A_129, %cond3A_130 : i32
          scf.if %cond3A_131 {
            %dma_wait3A_138 = arith.constant 0 : i32
            %dma_wait3A_139 = tpu.memref_slice %arg5[%dma_wait3A_138] : memref<8192xi32, #tpu.memory_space<vmem>> -> memref<4096xi32, #tpu.memory_space<vmem>>
            %dma_wait3A_140 = arith.constant 0 : i32
            %dma_wait3A_141 = tpu.memref_slice %arg2[%dma_wait3A_140] : memref<335872xi32, #tpu.memory_space<hbm>> -> memref<4096xi32, #tpu.memory_space<hbm>>
            %dma_wait3A_142 = arith.constant 0 : i32
            %dma_wait3A_143 = tpu.memref_slice %arg5[%dma_wait3A_142] : memref<8192xi32, #tpu.memory_space<vmem>> -> memref<4096xi32, #tpu.memory_space<vmem>>
            %dma_wait3A_144 = arith.constant 0 : i32
            %dma_wait3A_145 = tpu.memref_slice %arg2[%dma_wait3A_144] : memref<335872xi32, #tpu.memory_space<hbm>> -> memref<4096xi32, #tpu.memory_space<hbm>>
            tpu.wait_dma2 semaphore(%arg15 : memref<!tpu.dma_semaphore, #tpu.memory_space<semaphore_mem>>) src(%dma_wait3A_145 : memref<4096xi32, #tpu.memory_space<hbm>>) dst(%dma_wait3A_143 : memref<4096xi32, #tpu.memory_space<vmem>>)
          } else {
          }
          %add3A_132 = arith.constant 32 : i32
          %add3A_133 = arith.addi %add3A_126, %add3A_132 : i32
          %lt3A_134 = arith.cmpi slt, %add3A_133, %select_n3A : i32
          %convert_element_type3A_135 = arith.extui %lt3A_134 : i1 to i32
          %cond3A_136 = arith.constant 0 : i32
          %cond3A_137 = arith.cmpi ne, %convert_element_type3A_135, %cond3A_136 : i32
          scf.if %cond3A_137 {
            %jit3A_138 = arith.constant 32 : i32
            %div3A_139 = arith.divsi %add3A_126, %jit3A_138 : i32
            %sign3A_140 = arith.constant 0 : i32
            %sign3A_141 = arith.cmpi sgt, %add3A_126, %sign3A_140 : i32
            %sign3A_142 = arith.extui %sign3A_141 : i1 to i32
            %sign3A_143 = arith.constant 0 : i32
            %sign3A_144 = arith.cmpi slt, %add3A_126, %sign3A_143 : i32
            %sign3A_145 = arith.extui %sign3A_144 : i1 to i32
            %sign3A_146 = arith.subi %sign3A_142, %sign3A_145 : i32
            %sign3A_147 = arith.constant 0 : i32
            %sign3A_148 = arith.cmpi sgt, %jit3A_138, %sign3A_147 : i32
            %sign3A_149 = arith.extui %sign3A_148 : i1 to i32
            %sign3A_150 = arith.constant 0 : i32
            %sign3A_151 = arith.cmpi slt, %jit3A_138, %sign3A_150 : i32
            %sign3A_152 = arith.extui %sign3A_151 : i1 to i32
            %sign3A_153 = arith.subi %sign3A_149, %sign3A_152 : i32
            %ne3A_154 = arith.cmpi ne, %sign3A_146, %sign3A_153 : i32
            %rem3A_155 = arith.remsi %add3A_126, %jit3A_138 : i32
            %ne3A_156 = arith.constant 0 : i32
            %ne3A_157 = arith.cmpi ne, %rem3A_155, %ne3A_156 : i32
            %and3A_158 = arith.andi %ne3A_154, %ne3A_157 : i1
            %sub3A_159 = arith.constant 1 : i32
            %sub3A_160 = arith.subi %div3A_139, %sub3A_159 : i32
            %select_n3A_161 = arith.select %and3A_158, %sub3A_160, %div3A_139 : i32
            %add3A_162 = arith.constant 1 : i32
            %add3A_163 = arith.addi %select_n3A_161, %add3A_162 : i32
            %mul3A_164 = arith.constant 32 : i32
            %mul3A_165 = arith.muli %add3A_163, %mul3A_164 : i32
            %add3A_166 = arith.addi %select_n3A_8, %mul3A_165 : i32
            %mul3A_167 = arith.constant 128 : i32
            %mul3A_168 = arith.muli %add3A_166, %mul3A_167 : i32
            %jit3A_169 = arith.constant 2 : i32
            %eq3A_170 = arith.constant 0 : i32
            %eq3A_171 = arith.cmpi eq, %jit3A_169, %eq3A_170 : i32
            %jit3A_172 = arith.constant 1 : i32
            %select_n3A_173 = arith.select %eq3A_171, %jit3A_172, %jit3A_169 : i32
            %rem3A_174 = arith.remsi %add3A_163, %select_n3A_173 : i32
            %ne3A_175 = arith.constant 0 : i32
            %ne3A_176 = arith.cmpi ne, %rem3A_174, %ne3A_175 : i32
            %lt3A_177 = arith.constant 0 : i32
            %lt3A_178 = arith.cmpi slt, %rem3A_174, %lt3A_177 : i32
            %lt3A_179 = arith.constant 0 : i32
            %lt3A_180 = arith.cmpi slt, %select_n3A_173, %lt3A_179 : i32
            %ne3A_181 = arith.xori %lt3A_178, %lt3A_180 : i1
            %and3A_182 = arith.andi %ne3A_181, %ne3A_176 : i1
            %add3A_183 = arith.addi %rem3A_174, %select_n3A_173 : i32
            %select_n3A_184 = arith.select %and3A_182, %add3A_183, %rem3A_174 : i32
            %mul3A_185 = arith.constant 32 : i32
            %mul3A_186 = arith.muli %select_n3A_184, %mul3A_185 : i32
            %mul3A_187 = arith.constant 128 : i32
            %mul3A_188 = arith.muli %mul3A_186, %mul3A_187 : i32
            %dma_start3A_189 = tpu.memref_slice %arg5[%mul3A_188] : memref<8192xi32, #tpu.memory_space<vmem>> -> memref<4096xi32, #tpu.memory_space<vmem>>
            %dma_start3A_190 = tpu.memref_slice %arg2[%mul3A_168] : memref<335872xi32, #tpu.memory_space<hbm>> -> memref<4096xi32, #tpu.memory_space<hbm>>
            %dma_start3A_191 = tpu.memref_slice %arg5[%mul3A_188] : memref<8192xi32, #tpu.memory_space<vmem>> -> memref<4096xi32, #tpu.memory_space<vmem>>
            %dma_start3A_192 = tpu.memref_slice %arg2[%mul3A_168] : memref<335872xi32, #tpu.memory_space<hbm>> -> memref<4096xi32, #tpu.memory_space<hbm>>
            tpu.enqueue_dma source(%dma_start3A_192 : memref<4096xi32, #tpu.memory_space<hbm>>) target(%dma_start3A_191 : memref<4096xi32, #tpu.memory_space<vmem>>) target_semaphore(%arg15 : memref<!tpu.dma_semaphore, #tpu.memory_space<semaphore_mem>>)
          } else {
          }
        } else {
        }
        %add3A_109 = arith.constant 2 : i32
        %add3A_110 = arith.addi %mul3A_50, %add3A_109 : i32
        %and3A_111 = arith.constant 63 : i32
        %and3A_112 = arith.andi %add3A_110, %and3A_111 : i32
        %mul3A_113 = arith.constant 128 : i32
        %mul3A_114 = arith.muli %and3A_112, %mul3A_113 : i32
        %scan3A_115 = arith.constant 0 : i32
        %scan3A_116 = arith.constant 0 : i32
        %scan3A_117 = arith.constant 8 : i32
        %scan3A_118 = arith.addi %scan3A_116, %scan3A_117 : i32
        %scan3A_119 = arith.constant 1 : i32
        %scan3A_120 = scf.for %scan3A_125 = %scan3A_116 to %scan3A_118 step %scan3A_119 iter_args(%scan3A_126 = %scan3A_115) -> (i32)  : i32 {
          %mul3A_127 = arith.constant 16 : i32
          %mul3A_128 = arith.muli %scan3A_125, %mul3A_127 : i32
          %add3A_129 = arith.addi %mul3A_114, %mul3A_128 : i32
          %get3A = arith.index_cast %add3A_129 : i32 to index
          %get3A_130 = tpu.vector_load %arg5[%get3A] {strides = array<i32>} : memref<8192xi32, #tpu.memory_space<vmem>>, vector<16xi32>,
          %get3A_131 = vector.shape_cast %get3A_130 : vector<16xi32> to vector<16xi32>
          %and3A_132 = arith.constant 65535 : i32
          %and3A_133 = vector.broadcast %and3A_132 : i32 to vector<16xi32>
          %and3A_134 = arith.andi %get3A_131, %and3A_133 : vector<16xi32>
          %mul3A_135 = arith.constant 16 : i32
          %mul3A_136 = arith.muli %scan3A_125, %mul3A_135 : i32
          %swap3A = arith.index_cast %mul3A_136 : i32 to index
          %swap3A_137 = tpu.vector_load %arg6[%swap3A] {strides = array<i32>} : memref<128xi32, #tpu.memory_space<vmem>>, vector<16xi32>,
          %swap3A_138 = vector.shape_cast %swap3A_137 : vector<16xi32> to vector<16xi32>
          %swap3A_139 = vector.shape_cast %and3A_134 : vector<16xi32> to vector<16xi32>
          tpu.vector_store %arg6[%swap3A], %swap3A_139 {strides = array<i32>} : memref<128xi32, #tpu.memory_space<vmem>>, vector<16xi32>,
          %shift_right_arithmetic3A = arith.constant 16 : i32
          %shift_right_arithmetic3A_140 = vector.broadcast %shift_right_arithmetic3A : i32 to vector<16xi32>
          %shift_right_arithmetic3A_141 = arith.shrsi %get3A_131, %shift_right_arithmetic3A_140 : vector<16xi32>
          %mul3A_142 = arith.constant 16 : i32
          %mul3A_143 = arith.muli %scan3A_125, %mul3A_142 : i32
          %swap3A_144 = arith.index_cast %mul3A_143 : i32 to index
          %swap3A_145 = tpu.vector_load %arg8[%swap3A_144] {strides = array<i32>} : memref<128xi32, #tpu.memory_space<vmem>>, vector<16xi32>,
          %swap3A_146 = vector.shape_cast %swap3A_145 : vector<16xi32> to vector<16xi32>
          %swap3A_147 = vector.shape_cast %shift_right_arithmetic3A_141 : vector<16xi32> to vector<16xi32>
          tpu.vector_store %arg8[%swap3A_144], %swap3A_147 {strides = array<i32>} : memref<128xi32, #tpu.memory_space<vmem>>, vector<16xi32>,
          %scan3A_148 = arith.constant 0 : i32
          scf.yield %scan3A_148 : i32
        }
        %scan3A_121 = arith.constant 8 : i32
        %dma_start3A_122 = arith.constant 0 : i32
        %dma_start3A_123 = arith.constant 0 : i32
        %dma_start3A_124 = tpu.memref_slice %arg3[%dma_start3A_122, %dma_start3A_123] : memref<10240x48xf32, #tpu.memory_space<hbm>> -> memref<10240x48xf32, #tpu.memory_space<hbm>>
        tpu.enqueue_indirect_dma source(%dma_start3A_124 : memref<10240x48xf32, #tpu.memory_space<hbm>>) target(%arg10 : memref<128x48xf32, #tpu.memory_space<vmem>>) offsets(%arg6 : memref<128xi32, #tpu.memory_space<vmem>>) semaphore(%arg13 : memref<!tpu.dma_semaphore, #tpu.memory_space<semaphore_mem>>)
      } else {
      }
      %dma_wait3A_96 = arith.constant 0 : i32
      %dma_wait3A_97 = arith.constant 0 : i32
      %dma_wait3A_98 = tpu.memref_slice %arg3[%dma_wait3A_96, %dma_wait3A_97] : memref<10240x48xf32, #tpu.memory_space<hbm>> -> memref<10240x48xf32, #tpu.memory_space<hbm>>
      tpu.wait_indirect_dma semaphore(%arg14 : memref<!tpu.dma_semaphore, #tpu.memory_space<semaphore_mem>>) src(%dma_wait3A_98 : memref<10240x48xf32, #tpu.memory_space<hbm>>) dst(%arg11 : memref<128x48xf32, #tpu.memory_space<vmem>>)
      "tpu.region"() ({
        %run_scoped3A = tpu.sem_alloc : memref<!tpu.dma_semaphore, #tpu.memory_space<semaphore_mem>>
        %dma_start3A_100 = arith.constant 0 : i32
        %dma_start3A_101 = arith.constant 0 : i32
        %dma_start3A_102 = tpu.memref_slice %arg12[%dma_start3A_100, %dma_start3A_101] : memref<10240x48xf32, #tpu.memory_space<vmem_shared>> -> memref<10240x48xf32, #tpu.memory_space<vmem_shared>>
        tpu.enqueue_indirect_dma source(%arg11 : memref<128x48xf32, #tpu.memory_space<vmem>>) target(%dma_start3A_102 : memref<10240x48xf32, #tpu.memory_space<vmem_shared>>) offsets(%arg9 : memref<128xi32, #tpu.memory_space<vmem>>) semaphore(%run_scoped3A : memref<!tpu.dma_semaphore, #tpu.memory_space<semaphore_mem>>) {add = true}
        %dma_wait3A_103 = arith.constant 0 : i32
        %dma_wait3A_104 = arith.constant 0 : i32
        %dma_wait3A_105 = tpu.memref_slice %arg12[%dma_wait3A_103, %dma_wait3A_104] : memref<10240x48xf32, #tpu.memory_space<vmem_shared>> -> memref<10240x48xf32, #tpu.memory_space<vmem_shared>>
        tpu.wait_indirect_dma semaphore(%run_scoped3A : memref<!tpu.dma_semaphore, #tpu.memory_space<semaphore_mem>>) src(%arg11 : memref<128x48xf32, #tpu.memory_space<vmem>>) dst(%dma_wait3A_105 : memref<10240x48xf32, #tpu.memory_space<vmem_shared>>)
        tpu.yield
      }) : () -> ()
      %while3A_99 = arith.constant 0 : i32
      scf.yield %while3A_99 : i32
    }
    %barrier3A_46 = arith.constant 0 : index
    tpu.barrier barrier_id(%barrier3A_46)
    "tpu.region"() ({
      %run_scoped3A = tpu.sem_alloc : memref<!tpu.dma_semaphore, #tpu.memory_space<semaphore_mem>>
      %dma_start3A = arith.constant 0 : i32
      %dma_start3A_47 = tpu.memref_slice %arg4[%arg0, %mul3A_10, %dma_start3A] : memref<2x10240x48xf32, #tpu.memory_space<hbm>> -> memref<1x640x48xf32, #tpu.memory_space<hbm>>
      %dma_start3A_48 = tpu.memref_squeeze %dma_start3A_47 : memref<1x640x48xf32, #tpu.memory_space<hbm>> -> memref<640x48xf32, #tpu.memory_space<hbm>>
      %dma_start3A_49 = arith.constant 0 : i32
      %dma_start3A_50 = tpu.memref_slice %arg12[%mul3A_10, %dma_start3A_49] : memref<10240x48xf32, #tpu.memory_space<vmem_shared>> -> memref<640x48xf32, #tpu.memory_space<vmem_shared>>
      tpu.enqueue_dma source(%dma_start3A_50 : memref<640x48xf32, #tpu.memory_space<vmem_shared>>) target(%dma_start3A_48 : memref<640x48xf32, #tpu.memory_space<hbm>>) target_semaphore(%run_scoped3A : memref<!tpu.dma_semaphore, #tpu.memory_space<semaphore_mem>>)
      %dma_wait3A = arith.constant 0 : i32
      %dma_wait3A_51 = tpu.memref_slice %arg4[%arg0, %mul3A_10, %dma_wait3A] : memref<2x10240x48xf32, #tpu.memory_space<hbm>> -> memref<1x640x48xf32, #tpu.memory_space<hbm>>
      %dma_wait3A_52 = tpu.memref_squeeze %dma_wait3A_51 : memref<1x640x48xf32, #tpu.memory_space<hbm>> -> memref<640x48xf32, #tpu.memory_space<hbm>>
      %dma_wait3A_53 = arith.constant 0 : i32
      %dma_wait3A_54 = tpu.memref_slice %arg12[%mul3A_10, %dma_wait3A_53] : memref<10240x48xf32, #tpu.memory_space<vmem_shared>> -> memref<640x48xf32, #tpu.memory_space<vmem_shared>>
      tpu.wait_dma2 semaphore(%run_scoped3A : memref<!tpu.dma_semaphore, #tpu.memory_space<semaphore_mem>>) src(%dma_wait3A_54 : memref<640x48xf32, #tpu.memory_space<vmem_shared>>) dst(%dma_wait3A_52 : memref<640x48xf32, #tpu.memory_space<hbm>>)
      tpu.yield
    }) : () -> ()
    return
  }
}

#map = affine_map<(d0, d1) -> (0)>
#map1 = affine_map<(d0, d1) -> (0, 0)>
#map2 = affine_map<(d0, d1) -> (0, 0, 0)>
module attributes {stable_mosaic.version = 14 : i64} {
  func.func @body(%arg0: i32, %arg1: i32, %arg2: memref<335872xi32, #tpu.memory_space<hbm>>, %arg3: memref<10240x16xf32, #tpu.memory_space<hbm>>, %arg4: memref<2x10240x16xf32, #tpu.memory_space<hbm>>, %arg5: memref<8192xi32, #tpu.memory_space<vmem>>, %arg6: memref<128xi32, #tpu.memory_space<vmem>>, %arg7: memref<128xi32, #tpu.memory_space<vmem>>, %arg8: memref<128xi32, #tpu.memory_space<vmem>>, %arg9: memref<128xi32, #tpu.memory_space<vmem>>, %arg10: memref<128x16xf32, #tpu.memory_space<vmem>>, %arg11: memref<128x16xf32, #tpu.memory_space<vmem>>, %arg12: memref<10240x16xf32, #tpu.memory_space<vmem_shared>>, %arg13: memref<!tpu.dma_semaphore, #tpu.memory_space<semaphore_mem>>, %arg14: memref<!tpu.dma_semaphore, #tpu.memory_space<semaphore_mem>>, %arg15: memref<!tpu.dma_semaphore, #tpu.memory_space<semaphore_mem>>) attributes {dimension_semantics = [#tpu.dimension_semantics<core_parallel>, #tpu.dimension_semantics<subcore_parallel>], iteration_bounds = array<i64: 2, 16>, scalar_prefetch = 0 : i64, scratch_operands = 11 : i64, tpu.core_type = #tpu.core_type<sc_vector_subcore>, window_params = [{transform_indices = #map}, {transform_indices = #map1}, {transform_indices = #map2}]} {
    %eq3A = arith.constant 0 : i32
    %eq3A_0 = arith.cmpi eq, %arg0, %eq3A : i32
    %jit3A = arith.constant 80 : i32
    %jit3A_1 = arith.constant 80 : i32
    %select_n3A = arith.select %eq3A_0, %jit3A, %jit3A_1 : i32
    %eq3A_2 = arith.constant 0 : i32
    %eq3A_3 = arith.cmpi eq, %arg0, %eq3A_2 : i32
    %mul3A = arith.constant 80 : i32
    %mul3A_4 = arith.muli %arg1, %mul3A : i32
    %mul3A_5 = arith.constant 80 : i32
    %mul3A_6 = arith.muli %arg1, %mul3A_5 : i32
    %add3A = arith.constant 1280 : i32
    %add3A_7 = arith.addi %add3A, %mul3A_6 : i32
    %select_n3A_8 = arith.select %eq3A_3, %mul3A_4, %add3A_7 : i32
    %mul3A_9 = arith.constant 640 : i32
    %mul3A_10 = arith.muli %arg1, %mul3A_9 : i32
    %ge3A = arith.constant 0 : i32
    %ge3A_11 = arith.cmpi sge, %arg0, %ge3A : i32
    %convert_element_type3A = arith.extui %ge3A_11 : i1 to i32
    %cond3A = arith.constant 0 : i32
    %cond3A_12 = arith.cmpi ne, %convert_element_type3A, %cond3A : i32
    scf.if %cond3A_12 {
      %scan3A_31 = arith.constant 0 : i32
      %scan3A_32 = arith.constant 0 : i32
      %scan3A_33 = arith.constant 128 : i32
      %scan3A_34 = arith.addi %scan3A_32, %scan3A_33 : i32
      %scan3A_35 = arith.constant 1 : i32
      %scan3A_36 = scf.for %scan3A_47 = %scan3A_32 to %scan3A_34 step %scan3A_35 iter_args(%scan3A_48 = %scan3A_31) -> (i32)  : i32 {
        %jit3A_49 = arith.constant 1 : i32
        %div3A = arith.divsi %scan3A_47, %jit3A_49 : i32
        %sign3A = arith.constant 0 : i32
        %sign3A_50 = arith.cmpi sgt, %scan3A_47, %sign3A : i32
        %sign3A_51 = arith.extui %sign3A_50 : i1 to i32
        %sign3A_52 = arith.constant 0 : i32
        %sign3A_53 = arith.cmpi slt, %scan3A_47, %sign3A_52 : i32
        %sign3A_54 = arith.extui %sign3A_53 : i1 to i32
        %sign3A_55 = arith.subi %sign3A_51, %sign3A_54 : i32
        %sign3A_56 = arith.constant 0 : i32
        %sign3A_57 = arith.cmpi sgt, %jit3A_49, %sign3A_56 : i32
        %sign3A_58 = arith.extui %sign3A_57 : i1 to i32
        %sign3A_59 = arith.constant 0 : i32
        %sign3A_60 = arith.cmpi slt, %jit3A_49, %sign3A_59 : i32
        %sign3A_61 = arith.extui %sign3A_60 : i1 to i32
        %sign3A_62 = arith.subi %sign3A_58, %sign3A_61 : i32
        %ne3A = arith.cmpi ne, %sign3A_55, %sign3A_62 : i32
        %rem3A = arith.remsi %scan3A_47, %jit3A_49 : i32
        %ne3A_63 = arith.constant 0 : i32
        %ne3A_64 = arith.cmpi ne, %rem3A, %ne3A_63 : i32
        %and3A = arith.andi %ne3A, %ne3A_64 : i1
        %sub3A = arith.constant 1 : i32
        %sub3A_65 = arith.subi %div3A, %sub3A : i32
        %select_n3A_66 = arith.select %and3A, %sub3A_65, %div3A : i32
        %jit3A_67 = arith.constant 1 : i32
        %eq3A_68 = arith.constant 0 : i32
        %eq3A_69 = arith.cmpi eq, %jit3A_67, %eq3A_68 : i32
        %jit3A_70 = arith.constant 1 : i32
        %select_n3A_71 = arith.select %eq3A_69, %jit3A_70, %jit3A_67 : i32
        %rem3A_72 = arith.remsi %scan3A_47, %select_n3A_71 : i32
        %ne3A_73 = arith.constant 0 : i32
        %ne3A_74 = arith.cmpi ne, %rem3A_72, %ne3A_73 : i32
        %lt3A = arith.constant 0 : i32
        %lt3A_75 = arith.cmpi slt, %rem3A_72, %lt3A : i32
        %lt3A_76 = arith.constant 0 : i32
        %lt3A_77 = arith.cmpi slt, %select_n3A_71, %lt3A_76 : i32
        %ne3A_78 = arith.xori %lt3A_75, %lt3A_77 : i1
        %and3A_79 = arith.andi %ne3A_78, %ne3A_74 : i1
        %add3A_80 = arith.addi %rem3A_72, %select_n3A_71 : i32
        %select_n3A_81 = arith.select %and3A_79, %add3A_80, %rem3A_72 : i32
        %broadcast_in_dim3A = arith.constant 0.000000e+00 : f32
        %broadcast_in_dim3A_82 = vector.broadcast %broadcast_in_dim3A : f32 to vector<16xf32>
        %mul3A_83 = arith.constant 16 : i32
        %mul3A_84 = arith.muli %select_n3A_81, %mul3A_83 : i32
        %swap3A = arith.index_cast %select_n3A_66 : i32 to index
        %swap3A_85 = arith.index_cast %mul3A_84 : i32 to index
        %swap3A_86 = tpu.vector_load %arg10[%swap3A, %swap3A_85] {strides = array<i32>} : memref<128x16xf32, #tpu.memory_space<vmem>>, vector<1x16xf32>,
        %swap3A_87 = vector.shape_cast %swap3A_86 : vector<1x16xf32> to vector<16xf32>
        %swap3A_88 = vector.shape_cast %broadcast_in_dim3A_82 : vector<16xf32> to vector<1x16xf32>
        tpu.vector_store %arg10[%swap3A, %swap3A_85], %swap3A_88 {strides = array<i32>} : memref<128x16xf32, #tpu.memory_space<vmem>>, vector<1x16xf32>,
        %scan3A_89 = arith.constant 0 : i32
        scf.yield %scan3A_89 : i32
      }
      %scan3A_37 = arith.constant 128 : i32
      %scan3A_38 = arith.constant 0 : i32
      %scan3A_39 = arith.constant 0 : i32
      %scan3A_40 = arith.constant 5 : i32
      %scan3A_41 = arith.addi %scan3A_39, %scan3A_40 : i32
      %scan3A_42 = arith.constant 1 : i32
      %scan3A_43 = scf.for %scan3A_47 = %scan3A_39 to %scan3A_41 step %scan3A_42 iter_args(%scan3A_48 = %scan3A_38) -> (i32)  : i32 {
        %mul3A_49 = arith.constant 128 : i32
        %mul3A_50 = arith.muli %scan3A_47, %mul3A_49 : i32
        %add3A_51 = arith.addi %mul3A_10, %mul3A_50 : i32
        "tpu.region"() ({
          %run_scoped3A = tpu.sem_alloc : memref<!tpu.dma_semaphore, #tpu.memory_space<semaphore_mem>>
          %dma_start3A = arith.constant 0 : i32
          %dma_start3A_53 = tpu.memref_slice %arg12[%add3A_51, %dma_start3A] : memref<10240x16xf32, #tpu.memory_space<vmem_shared>> -> memref<128x16xf32, #tpu.memory_space<vmem_shared>>
          %dma_start3A_54 = arith.constant 0 : i32
          %dma_start3A_55 = tpu.memref_slice %arg12[%add3A_51, %dma_start3A_54] : memref<10240x16xf32, #tpu.memory_space<vmem_shared>> -> memref<128x16xf32, #tpu.memory_space<vmem_shared>>
          tpu.enqueue_dma source(%arg10 : memref<128x16xf32, #tpu.memory_space<vmem>>) target(%dma_start3A_55 : memref<128x16xf32, #tpu.memory_space<vmem_shared>>) target_semaphore(%run_scoped3A : memref<!tpu.dma_semaphore, #tpu.memory_space<semaphore_mem>>)
          %dma_wait3A = arith.constant 0 : i32
          %dma_wait3A_56 = tpu.memref_slice %arg12[%add3A_51, %dma_wait3A] : memref<10240x16xf32, #tpu.memory_space<vmem_shared>> -> memref<128x16xf32, #tpu.memory_space<vmem_shared>>
          %dma_wait3A_57 = arith.constant 0 : i32
          %dma_wait3A_58 = tpu.memref_slice %arg12[%add3A_51, %dma_wait3A_57] : memref<10240x16xf32, #tpu.memory_space<vmem_shared>> -> memref<128x16xf32, #tpu.memory_space<vmem_shared>>
          tpu.wait_dma2 semaphore(%run_scoped3A : memref<!tpu.dma_semaphore, #tpu.memory_space<semaphore_mem>>) src(%arg10 : memref<128x16xf32, #tpu.memory_space<vmem>>) dst(%dma_wait3A_58 : memref<128x16xf32, #tpu.memory_space<vmem_shared>>)
          tpu.yield
        }) : () -> ()
        %scan3A_52 = arith.constant 0 : i32
        scf.yield %scan3A_52 : i32
      }
      %scan3A_44 = arith.constant 5 : i32
      %mul3A_45 = arith.constant 128 : i32
      %mul3A_46 = arith.muli %select_n3A_8, %mul3A_45 : i32
      "tpu.region"() ({
        %run_scoped3A = tpu.sem_alloc : memref<!tpu.dma_semaphore, #tpu.memory_space<semaphore_mem>>
        %dma_start3A = tpu.memref_slice %arg2[%mul3A_46] : memref<335872xi32, #tpu.memory_space<hbm>> -> memref<8192xi32, #tpu.memory_space<hbm>>
        %dma_start3A_47 = tpu.memref_slice %arg2[%mul3A_46] : memref<335872xi32, #tpu.memory_space<hbm>> -> memref<8192xi32, #tpu.memory_space<hbm>>
        tpu.enqueue_dma source(%dma_start3A_47 : memref<8192xi32, #tpu.memory_space<hbm>>) target(%arg5 : memref<8192xi32, #tpu.memory_space<vmem>>) target_semaphore(%run_scoped3A : memref<!tpu.dma_semaphore, #tpu.memory_space<semaphore_mem>>)
        %dma_wait3A = tpu.memref_slice %arg2[%mul3A_46] : memref<335872xi32, #tpu.memory_space<hbm>> -> memref<8192xi32, #tpu.memory_space<hbm>>
        %dma_wait3A_48 = tpu.memref_slice %arg2[%mul3A_46] : memref<335872xi32, #tpu.memory_space<hbm>> -> memref<8192xi32, #tpu.memory_space<hbm>>
        tpu.wait_dma2 semaphore(%run_scoped3A : memref<!tpu.dma_semaphore, #tpu.memory_space<semaphore_mem>>) src(%dma_wait3A_48 : memref<8192xi32, #tpu.memory_space<hbm>>) dst(%arg5 : memref<8192xi32, #tpu.memory_space<vmem>>)
        tpu.yield
      }) : () -> ()
    } else {
    }
    %scan3A = arith.constant 0 : i32
    %scan3A_13 = arith.constant 0 : i32
    %scan3A_14 = arith.constant 128 : i32
    %scan3A_15 = arith.addi %scan3A_13, %scan3A_14 : i32
    %scan3A_16 = arith.constant 1 : i32
    %scan3A_17 = scf.for %scan3A_31 = %scan3A_13 to %scan3A_15 step %scan3A_16 iter_args(%scan3A_32 = %scan3A) -> (i32)  : i32 {
      %broadcast_in_dim3A = arith.constant 1.000000e+00 : f32
      %broadcast_in_dim3A_33 = vector.broadcast %broadcast_in_dim3A : f32 to vector<16xf32>
      %swap3A = arith.index_cast %scan3A_31 : i32 to index
      %swap3A_34 = arith.constant 0 : index
      %swap3A_35 = tpu.vector_load %arg11[%swap3A, %swap3A_34] {strides = array<i32>} : memref<128x16xf32, #tpu.memory_space<vmem>>, vector<1x16xf32>,
      %swap3A_36 = vector.shape_cast %swap3A_35 : vector<1x16xf32> to vector<16xf32>
      %swap3A_37 = vector.shape_cast %broadcast_in_dim3A_33 : vector<16xf32> to vector<1x16xf32>
      tpu.vector_store %arg11[%swap3A, %swap3A_34], %swap3A_37 {strides = array<i32>} : memref<128x16xf32, #tpu.memory_space<vmem>>, vector<1x16xf32>,
      %scan3A_38 = arith.constant 0 : i32
      scf.yield %scan3A_38 : i32
    }
    %scan3A_18 = arith.constant 128 : i32
    %barrier3A = arith.constant 0 : index
    tpu.barrier barrier_id(%barrier3A)
    %while3A = arith.constant 0 : i32
    %while3A_19 = arith.constant 0 : i32
    %while3A_20 = arith.subi %select_n3A, %while3A : i32
    %while3A_21 = arith.addi %while3A, %while3A_20 : i32
    %while3A_22 = arith.constant 1 : i32
    %while3A_23 = arith.divsi %while3A_20, %while3A_22 : i32
    %while3A_24 = arith.muli %while3A_23, %while3A_22 : i32
    %while3A_25 = arith.addi %while3A, %while3A_24 : i32
    %while3A_26 = arith.constant 1 : i32
    %while3A_27 = scf.for %while3A_31 = %while3A to %while3A_25 step %while3A_26 iter_args(%while3A_32 = %while3A_19) -> (i32)  : i32 {
      %and3A = arith.constant 31 : i32
      %and3A_33 = arith.andi %while3A_31, %and3A : i32
      %eq3A_34 = arith.constant 0 : i32
      %eq3A_35 = arith.cmpi eq, %and3A_33, %eq3A_34 : i32
      %gt3A = arith.constant 0 : i32
      %gt3A_36 = arith.cmpi sgt, %while3A_31, %gt3A : i32
      %and3A_37 = arith.andi %eq3A_35, %gt3A_36 : i1
      %convert_element_type3A_38 = arith.extui %and3A_37 : i1 to i32
      %cond3A_39 = arith.constant 0 : i32
      %cond3A_40 = arith.cmpi ne, %convert_element_type3A_38, %cond3A_39 : i32
      scf.if %cond3A_40 {
        %ge3A_53 = arith.constant 64 : i32
        %ge3A_54 = arith.cmpi sge, %while3A_31, %ge3A_53 : i32
        %convert_element_type3A_55 = arith.extui %ge3A_54 : i1 to i32
        %cond3A_56 = arith.constant 0 : i32
        %cond3A_57 = arith.cmpi ne, %convert_element_type3A_55, %cond3A_56 : i32
        scf.if %cond3A_57 {
          %dma_wait3A = arith.constant 0 : i32
          %dma_wait3A_63 = tpu.memref_slice %arg5[%dma_wait3A] : memref<8192xi32, #tpu.memory_space<vmem>> -> memref<4096xi32, #tpu.memory_space<vmem>>
          %dma_wait3A_64 = arith.constant 0 : i32
          %dma_wait3A_65 = tpu.memref_slice %arg2[%dma_wait3A_64] : memref<335872xi32, #tpu.memory_space<hbm>> -> memref<4096xi32, #tpu.memory_space<hbm>>
          %dma_wait3A_66 = arith.constant 0 : i32
          %dma_wait3A_67 = tpu.memref_slice %arg5[%dma_wait3A_66] : memref<8192xi32, #tpu.memory_space<vmem>> -> memref<4096xi32, #tpu.memory_space<vmem>>
          %dma_wait3A_68 = arith.constant 0 : i32
          %dma_wait3A_69 = tpu.memref_slice %arg2[%dma_wait3A_68] : memref<335872xi32, #tpu.memory_space<hbm>> -> memref<4096xi32, #tpu.memory_space<hbm>>
          tpu.wait_dma2 semaphore(%arg15 : memref<!tpu.dma_semaphore, #tpu.memory_space<semaphore_mem>>) src(%dma_wait3A_69 : memref<4096xi32, #tpu.memory_space<hbm>>) dst(%dma_wait3A_67 : memref<4096xi32, #tpu.memory_space<vmem>>)
        } else {
        }
        %add3A_58 = arith.constant 32 : i32
        %add3A_59 = arith.addi %while3A_31, %add3A_58 : i32
        %lt3A = arith.cmpi slt, %add3A_59, %select_n3A : i32
        %convert_element_type3A_60 = arith.extui %lt3A : i1 to i32
        %cond3A_61 = arith.constant 0 : i32
        %cond3A_62 = arith.cmpi ne, %convert_element_type3A_60, %cond3A_61 : i32
        scf.if %cond3A_62 {
          %jit3A_63 = arith.constant 32 : i32
          %div3A = arith.divsi %while3A_31, %jit3A_63 : i32
          %sign3A = arith.constant 0 : i32
          %sign3A_64 = arith.cmpi sgt, %while3A_31, %sign3A : i32
          %sign3A_65 = arith.extui %sign3A_64 : i1 to i32
          %sign3A_66 = arith.constant 0 : i32
          %sign3A_67 = arith.cmpi slt, %while3A_31, %sign3A_66 : i32
          %sign3A_68 = arith.extui %sign3A_67 : i1 to i32
          %sign3A_69 = arith.subi %sign3A_65, %sign3A_68 : i32
          %sign3A_70 = arith.constant 0 : i32
          %sign3A_71 = arith.cmpi sgt, %jit3A_63, %sign3A_70 : i32
          %sign3A_72 = arith.extui %sign3A_71 : i1 to i32
          %sign3A_73 = arith.constant 0 : i32
          %sign3A_74 = arith.cmpi slt, %jit3A_63, %sign3A_73 : i32
          %sign3A_75 = arith.extui %sign3A_74 : i1 to i32
          %sign3A_76 = arith.subi %sign3A_72, %sign3A_75 : i32
          %ne3A = arith.cmpi ne, %sign3A_69, %sign3A_76 : i32
          %rem3A = arith.remsi %while3A_31, %jit3A_63 : i32
          %ne3A_77 = arith.constant 0 : i32
          %ne3A_78 = arith.cmpi ne, %rem3A, %ne3A_77 : i32
          %and3A_79 = arith.andi %ne3A, %ne3A_78 : i1
          %sub3A = arith.constant 1 : i32
          %sub3A_80 = arith.subi %div3A, %sub3A : i32
          %select_n3A_81 = arith.select %and3A_79, %sub3A_80, %div3A : i32
          %add3A_82 = arith.constant 1 : i32
          %add3A_83 = arith.addi %select_n3A_81, %add3A_82 : i32
          %mul3A_84 = arith.constant 32 : i32
          %mul3A_85 = arith.muli %add3A_83, %mul3A_84 : i32
          %add3A_86 = arith.addi %select_n3A_8, %mul3A_85 : i32
          %mul3A_87 = arith.constant 128 : i32
          %mul3A_88 = arith.muli %add3A_86, %mul3A_87 : i32
          %jit3A_89 = arith.constant 2 : i32
          %eq3A_90 = arith.constant 0 : i32
          %eq3A_91 = arith.cmpi eq, %jit3A_89, %eq3A_90 : i32
          %jit3A_92 = arith.constant 1 : i32
          %select_n3A_93 = arith.select %eq3A_91, %jit3A_92, %jit3A_89 : i32
          %rem3A_94 = arith.remsi %add3A_83, %select_n3A_93 : i32
          %ne3A_95 = arith.constant 0 : i32
          %ne3A_96 = arith.cmpi ne, %rem3A_94, %ne3A_95 : i32
          %lt3A_97 = arith.constant 0 : i32
          %lt3A_98 = arith.cmpi slt, %rem3A_94, %lt3A_97 : i32
          %lt3A_99 = arith.constant 0 : i32
          %lt3A_100 = arith.cmpi slt, %select_n3A_93, %lt3A_99 : i32
          %ne3A_101 = arith.xori %lt3A_98, %lt3A_100 : i1
          %and3A_102 = arith.andi %ne3A_101, %ne3A_96 : i1
          %add3A_103 = arith.addi %rem3A_94, %select_n3A_93 : i32
          %select_n3A_104 = arith.select %and3A_102, %add3A_103, %rem3A_94 : i32
          %mul3A_105 = arith.constant 32 : i32
          %mul3A_106 = arith.muli %select_n3A_104, %mul3A_105 : i32
          %mul3A_107 = arith.constant 128 : i32
          %mul3A_108 = arith.muli %mul3A_106, %mul3A_107 : i32
          %dma_start3A = tpu.memref_slice %arg5[%mul3A_108] : memref<8192xi32, #tpu.memory_space<vmem>> -> memref<4096xi32, #tpu.memory_space<vmem>>
          %dma_start3A_109 = tpu.memref_slice %arg2[%mul3A_88] : memref<335872xi32, #tpu.memory_space<hbm>> -> memref<4096xi32, #tpu.memory_space<hbm>>
          %dma_start3A_110 = tpu.memref_slice %arg5[%mul3A_108] : memref<8192xi32, #tpu.memory_space<vmem>> -> memref<4096xi32, #tpu.memory_space<vmem>>
          %dma_start3A_111 = tpu.memref_slice %arg2[%mul3A_88] : memref<335872xi32, #tpu.memory_space<hbm>> -> memref<4096xi32, #tpu.memory_space<hbm>>
          tpu.enqueue_dma source(%dma_start3A_111 : memref<4096xi32, #tpu.memory_space<hbm>>) target(%dma_start3A_110 : memref<4096xi32, #tpu.memory_space<vmem>>) target_semaphore(%arg15 : memref<!tpu.dma_semaphore, #tpu.memory_space<semaphore_mem>>)
        } else {
        }
      } else {
      }
      %and3A_41 = arith.constant 63 : i32
      %and3A_42 = arith.andi %while3A_31, %and3A_41 : i32
      %mul3A_43 = arith.constant 128 : i32
      %mul3A_44 = arith.muli %and3A_42, %mul3A_43 : i32
      %scan3A_45 = arith.constant 0 : i32
      %scan3A_46 = arith.constant 0 : i32
      %scan3A_47 = arith.constant 8 : i32
      %scan3A_48 = arith.addi %scan3A_46, %scan3A_47 : i32
      %scan3A_49 = arith.constant 1 : i32
      %scan3A_50 = scf.for %scan3A_53 = %scan3A_46 to %scan3A_48 step %scan3A_49 iter_args(%scan3A_54 = %scan3A_45) -> (i32)  : i32 {
        %mul3A_55 = arith.constant 16 : i32
        %mul3A_56 = arith.muli %scan3A_53, %mul3A_55 : i32
        %add3A_57 = arith.addi %mul3A_44, %mul3A_56 : i32
        %get3A = arith.index_cast %add3A_57 : i32 to index
        %get3A_58 = tpu.vector_load %arg5[%get3A] {strides = array<i32>} : memref<8192xi32, #tpu.memory_space<vmem>>, vector<16xi32>,
        %get3A_59 = vector.shape_cast %get3A_58 : vector<16xi32> to vector<16xi32>
        %shift_right_arithmetic3A = arith.constant 16 : i32
        %shift_right_arithmetic3A_60 = vector.broadcast %shift_right_arithmetic3A : i32 to vector<16xi32>
        %shift_right_arithmetic3A_61 = arith.shrsi %get3A_59, %shift_right_arithmetic3A_60 : vector<16xi32>
        %mul3A_62 = arith.constant 16 : i32
        %mul3A_63 = arith.muli %scan3A_53, %mul3A_62 : i32
        %swap3A = arith.index_cast %mul3A_63 : i32 to index
        %swap3A_64 = tpu.vector_load %arg8[%swap3A] {strides = array<i32>} : memref<128xi32, #tpu.memory_space<vmem>>, vector<16xi32>,
        %swap3A_65 = vector.shape_cast %swap3A_64 : vector<16xi32> to vector<16xi32>
        %swap3A_66 = vector.shape_cast %shift_right_arithmetic3A_61 : vector<16xi32> to vector<16xi32>
        tpu.vector_store %arg8[%swap3A], %swap3A_66 {strides = array<i32>} : memref<128xi32, #tpu.memory_space<vmem>>, vector<16xi32>,
        %scan3A_67 = arith.constant 0 : i32
        scf.yield %scan3A_67 : i32
      }
      %scan3A_51 = arith.constant 8 : i32
      "tpu.region"() ({
        %run_scoped3A = tpu.sem_alloc : memref<!tpu.dma_semaphore, #tpu.memory_space<semaphore_mem>>
        %dma_start3A = arith.constant 0 : i32
        %dma_start3A_53 = arith.constant 0 : i32
        %dma_start3A_54 = tpu.memref_slice %arg12[%dma_start3A, %dma_start3A_53] : memref<10240x16xf32, #tpu.memory_space<vmem_shared>> -> memref<10240x16xf32, #tpu.memory_space<vmem_shared>>
        tpu.enqueue_indirect_dma source(%arg11 : memref<128x16xf32, #tpu.memory_space<vmem>>) target(%dma_start3A_54 : memref<10240x16xf32, #tpu.memory_space<vmem_shared>>) offsets(%arg8 : memref<128xi32, #tpu.memory_space<vmem>>) semaphore(%run_scoped3A : memref<!tpu.dma_semaphore, #tpu.memory_space<semaphore_mem>>) {add = true}
        %dma_wait3A = arith.constant 0 : i32
        %dma_wait3A_55 = arith.constant 0 : i32
        %dma_wait3A_56 = tpu.memref_slice %arg12[%dma_wait3A, %dma_wait3A_55] : memref<10240x16xf32, #tpu.memory_space<vmem_shared>> -> memref<10240x16xf32, #tpu.memory_space<vmem_shared>>
        tpu.wait_indirect_dma semaphore(%run_scoped3A : memref<!tpu.dma_semaphore, #tpu.memory_space<semaphore_mem>>) src(%arg11 : memref<128x16xf32, #tpu.memory_space<vmem>>) dst(%dma_wait3A_56 : memref<10240x16xf32, #tpu.memory_space<vmem_shared>>)
        tpu.yield
      }) : () -> ()
      %while3A_52 = arith.constant 0 : i32
      scf.yield %while3A_52 : i32
    }
    %while3A_28 = arith.constant 1 : i32
    %while3A_29 = scf.for %while3A_31 = %while3A_25 to %while3A_21 step %while3A_28 iter_args(%while3A_32 = %while3A_27) -> (i32)  : i32 {
      %and3A = arith.constant 31 : i32
      %and3A_33 = arith.andi %while3A_31, %and3A : i32
      %eq3A_34 = arith.constant 0 : i32
      %eq3A_35 = arith.cmpi eq, %and3A_33, %eq3A_34 : i32
      %gt3A = arith.constant 0 : i32
      %gt3A_36 = arith.cmpi sgt, %while3A_31, %gt3A : i32
      %and3A_37 = arith.andi %eq3A_35, %gt3A_36 : i1
      %convert_element_type3A_38 = arith.extui %and3A_37 : i1 to i32
      %cond3A_39 = arith.constant 0 : i32
      %cond3A_40 = arith.cmpi ne, %convert_element_type3A_38, %cond3A_39 : i32
      scf.if %cond3A_40 {
        %ge3A_53 = arith.constant 64 : i32
        %ge3A_54 = arith.cmpi sge, %while3A_31, %ge3A_53 : i32
        %convert_element_type3A_55 = arith.extui %ge3A_54 : i1 to i32
        %cond3A_56 = arith.constant 0 : i32
        %cond3A_57 = arith.cmpi ne, %convert_element_type3A_55, %cond3A_56 : i32
        scf.if %cond3A_57 {
          %dma_wait3A = arith.constant 0 : i32
          %dma_wait3A_63 = tpu.memref_slice %arg5[%dma_wait3A] : memref<8192xi32, #tpu.memory_space<vmem>> -> memref<4096xi32, #tpu.memory_space<vmem>>
          %dma_wait3A_64 = arith.constant 0 : i32
          %dma_wait3A_65 = tpu.memref_slice %arg2[%dma_wait3A_64] : memref<335872xi32, #tpu.memory_space<hbm>> -> memref<4096xi32, #tpu.memory_space<hbm>>
          %dma_wait3A_66 = arith.constant 0 : i32
          %dma_wait3A_67 = tpu.memref_slice %arg5[%dma_wait3A_66] : memref<8192xi32, #tpu.memory_space<vmem>> -> memref<4096xi32, #tpu.memory_space<vmem>>
          %dma_wait3A_68 = arith.constant 0 : i32
          %dma_wait3A_69 = tpu.memref_slice %arg2[%dma_wait3A_68] : memref<335872xi32, #tpu.memory_space<hbm>> -> memref<4096xi32, #tpu.memory_space<hbm>>
          tpu.wait_dma2 semaphore(%arg15 : memref<!tpu.dma_semaphore, #tpu.memory_space<semaphore_mem>>) src(%dma_wait3A_69 : memref<4096xi32, #tpu.memory_space<hbm>>) dst(%dma_wait3A_67 : memref<4096xi32, #tpu.memory_space<vmem>>)
        } else {
        }
        %add3A_58 = arith.constant 32 : i32
        %add3A_59 = arith.addi %while3A_31, %add3A_58 : i32
        %lt3A = arith.cmpi slt, %add3A_59, %select_n3A : i32
        %convert_element_type3A_60 = arith.extui %lt3A : i1 to i32
        %cond3A_61 = arith.constant 0 : i32
        %cond3A_62 = arith.cmpi ne, %convert_element_type3A_60, %cond3A_61 : i32
        scf.if %cond3A_62 {
          %jit3A_63 = arith.constant 32 : i32
          %div3A = arith.divsi %while3A_31, %jit3A_63 : i32
          %sign3A = arith.constant 0 : i32
          %sign3A_64 = arith.cmpi sgt, %while3A_31, %sign3A : i32
          %sign3A_65 = arith.extui %sign3A_64 : i1 to i32
          %sign3A_66 = arith.constant 0 : i32
          %sign3A_67 = arith.cmpi slt, %while3A_31, %sign3A_66 : i32
          %sign3A_68 = arith.extui %sign3A_67 : i1 to i32
          %sign3A_69 = arith.subi %sign3A_65, %sign3A_68 : i32
          %sign3A_70 = arith.constant 0 : i32
          %sign3A_71 = arith.cmpi sgt, %jit3A_63, %sign3A_70 : i32
          %sign3A_72 = arith.extui %sign3A_71 : i1 to i32
          %sign3A_73 = arith.constant 0 : i32
          %sign3A_74 = arith.cmpi slt, %jit3A_63, %sign3A_73 : i32
          %sign3A_75 = arith.extui %sign3A_74 : i1 to i32
          %sign3A_76 = arith.subi %sign3A_72, %sign3A_75 : i32
          %ne3A = arith.cmpi ne, %sign3A_69, %sign3A_76 : i32
          %rem3A = arith.remsi %while3A_31, %jit3A_63 : i32
          %ne3A_77 = arith.constant 0 : i32
          %ne3A_78 = arith.cmpi ne, %rem3A, %ne3A_77 : i32
          %and3A_79 = arith.andi %ne3A, %ne3A_78 : i1
          %sub3A = arith.constant 1 : i32
          %sub3A_80 = arith.subi %div3A, %sub3A : i32
          %select_n3A_81 = arith.select %and3A_79, %sub3A_80, %div3A : i32
          %add3A_82 = arith.constant 1 : i32
          %add3A_83 = arith.addi %select_n3A_81, %add3A_82 : i32
          %mul3A_84 = arith.constant 32 : i32
          %mul3A_85 = arith.muli %add3A_83, %mul3A_84 : i32
          %add3A_86 = arith.addi %select_n3A_8, %mul3A_85 : i32
          %mul3A_87 = arith.constant 128 : i32
          %mul3A_88 = arith.muli %add3A_86, %mul3A_87 : i32
          %jit3A_89 = arith.constant 2 : i32
          %eq3A_90 = arith.constant 0 : i32
          %eq3A_91 = arith.cmpi eq, %jit3A_89, %eq3A_90 : i32
          %jit3A_92 = arith.constant 1 : i32
          %select_n3A_93 = arith.select %eq3A_91, %jit3A_92, %jit3A_89 : i32
          %rem3A_94 = arith.remsi %add3A_83, %select_n3A_93 : i32
          %ne3A_95 = arith.constant 0 : i32
          %ne3A_96 = arith.cmpi ne, %rem3A_94, %ne3A_95 : i32
          %lt3A_97 = arith.constant 0 : i32
          %lt3A_98 = arith.cmpi slt, %rem3A_94, %lt3A_97 : i32
          %lt3A_99 = arith.constant 0 : i32
          %lt3A_100 = arith.cmpi slt, %select_n3A_93, %lt3A_99 : i32
          %ne3A_101 = arith.xori %lt3A_98, %lt3A_100 : i1
          %and3A_102 = arith.andi %ne3A_101, %ne3A_96 : i1
          %add3A_103 = arith.addi %rem3A_94, %select_n3A_93 : i32
          %select_n3A_104 = arith.select %and3A_102, %add3A_103, %rem3A_94 : i32
          %mul3A_105 = arith.constant 32 : i32
          %mul3A_106 = arith.muli %select_n3A_104, %mul3A_105 : i32
          %mul3A_107 = arith.constant 128 : i32
          %mul3A_108 = arith.muli %mul3A_106, %mul3A_107 : i32
          %dma_start3A = tpu.memref_slice %arg5[%mul3A_108] : memref<8192xi32, #tpu.memory_space<vmem>> -> memref<4096xi32, #tpu.memory_space<vmem>>
          %dma_start3A_109 = tpu.memref_slice %arg2[%mul3A_88] : memref<335872xi32, #tpu.memory_space<hbm>> -> memref<4096xi32, #tpu.memory_space<hbm>>
          %dma_start3A_110 = tpu.memref_slice %arg5[%mul3A_108] : memref<8192xi32, #tpu.memory_space<vmem>> -> memref<4096xi32, #tpu.memory_space<vmem>>
          %dma_start3A_111 = tpu.memref_slice %arg2[%mul3A_88] : memref<335872xi32, #tpu.memory_space<hbm>> -> memref<4096xi32, #tpu.memory_space<hbm>>
          tpu.enqueue_dma source(%dma_start3A_111 : memref<4096xi32, #tpu.memory_space<hbm>>) target(%dma_start3A_110 : memref<4096xi32, #tpu.memory_space<vmem>>) target_semaphore(%arg15 : memref<!tpu.dma_semaphore, #tpu.memory_space<semaphore_mem>>)
        } else {
        }
      } else {
      }
      %and3A_41 = arith.constant 63 : i32
      %and3A_42 = arith.andi %while3A_31, %and3A_41 : i32
      %mul3A_43 = arith.constant 128 : i32
      %mul3A_44 = arith.muli %and3A_42, %mul3A_43 : i32
      %scan3A_45 = arith.constant 0 : i32
      %scan3A_46 = arith.constant 0 : i32
      %scan3A_47 = arith.constant 8 : i32
      %scan3A_48 = arith.addi %scan3A_46, %scan3A_47 : i32
      %scan3A_49 = arith.constant 1 : i32
      %scan3A_50 = scf.for %scan3A_53 = %scan3A_46 to %scan3A_48 step %scan3A_49 iter_args(%scan3A_54 = %scan3A_45) -> (i32)  : i32 {
        %mul3A_55 = arith.constant 16 : i32
        %mul3A_56 = arith.muli %scan3A_53, %mul3A_55 : i32
        %add3A_57 = arith.addi %mul3A_44, %mul3A_56 : i32
        %get3A = arith.index_cast %add3A_57 : i32 to index
        %get3A_58 = tpu.vector_load %arg5[%get3A] {strides = array<i32>} : memref<8192xi32, #tpu.memory_space<vmem>>, vector<16xi32>,
        %get3A_59 = vector.shape_cast %get3A_58 : vector<16xi32> to vector<16xi32>
        %shift_right_arithmetic3A = arith.constant 16 : i32
        %shift_right_arithmetic3A_60 = vector.broadcast %shift_right_arithmetic3A : i32 to vector<16xi32>
        %shift_right_arithmetic3A_61 = arith.shrsi %get3A_59, %shift_right_arithmetic3A_60 : vector<16xi32>
        %mul3A_62 = arith.constant 16 : i32
        %mul3A_63 = arith.muli %scan3A_53, %mul3A_62 : i32
        %swap3A = arith.index_cast %mul3A_63 : i32 to index
        %swap3A_64 = tpu.vector_load %arg8[%swap3A] {strides = array<i32>} : memref<128xi32, #tpu.memory_space<vmem>>, vector<16xi32>,
        %swap3A_65 = vector.shape_cast %swap3A_64 : vector<16xi32> to vector<16xi32>
        %swap3A_66 = vector.shape_cast %shift_right_arithmetic3A_61 : vector<16xi32> to vector<16xi32>
        tpu.vector_store %arg8[%swap3A], %swap3A_66 {strides = array<i32>} : memref<128xi32, #tpu.memory_space<vmem>>, vector<16xi32>,
        %scan3A_67 = arith.constant 0 : i32
        scf.yield %scan3A_67 : i32
      }
      %scan3A_51 = arith.constant 8 : i32
      "tpu.region"() ({
        %run_scoped3A = tpu.sem_alloc : memref<!tpu.dma_semaphore, #tpu.memory_space<semaphore_mem>>
        %dma_start3A = arith.constant 0 : i32
        %dma_start3A_53 = arith.constant 0 : i32
        %dma_start3A_54 = tpu.memref_slice %arg12[%dma_start3A, %dma_start3A_53] : memref<10240x16xf32, #tpu.memory_space<vmem_shared>> -> memref<10240x16xf32, #tpu.memory_space<vmem_shared>>
        tpu.enqueue_indirect_dma source(%arg11 : memref<128x16xf32, #tpu.memory_space<vmem>>) target(%dma_start3A_54 : memref<10240x16xf32, #tpu.memory_space<vmem_shared>>) offsets(%arg8 : memref<128xi32, #tpu.memory_space<vmem>>) semaphore(%run_scoped3A : memref<!tpu.dma_semaphore, #tpu.memory_space<semaphore_mem>>) {add = true}
        %dma_wait3A = arith.constant 0 : i32
        %dma_wait3A_55 = arith.constant 0 : i32
        %dma_wait3A_56 = tpu.memref_slice %arg12[%dma_wait3A, %dma_wait3A_55] : memref<10240x16xf32, #tpu.memory_space<vmem_shared>> -> memref<10240x16xf32, #tpu.memory_space<vmem_shared>>
        tpu.wait_indirect_dma semaphore(%run_scoped3A : memref<!tpu.dma_semaphore, #tpu.memory_space<semaphore_mem>>) src(%arg11 : memref<128x16xf32, #tpu.memory_space<vmem>>) dst(%dma_wait3A_56 : memref<10240x16xf32, #tpu.memory_space<vmem_shared>>)
        tpu.yield
      }) : () -> ()
      %while3A_52 = arith.constant 0 : i32
      scf.yield %while3A_52 : i32
    }
    %barrier3A_30 = arith.constant 0 : index
    tpu.barrier barrier_id(%barrier3A_30)
    "tpu.region"() ({
      %run_scoped3A = tpu.sem_alloc : memref<!tpu.dma_semaphore, #tpu.memory_space<semaphore_mem>>
      %dma_start3A = arith.constant 0 : i32
      %dma_start3A_31 = tpu.memref_slice %arg4[%arg0, %mul3A_10, %dma_start3A] : memref<2x10240x16xf32, #tpu.memory_space<hbm>> -> memref<1x640x16xf32, #tpu.memory_space<hbm>>
      %dma_start3A_32 = tpu.memref_squeeze %dma_start3A_31 : memref<1x640x16xf32, #tpu.memory_space<hbm>> -> memref<640x16xf32, #tpu.memory_space<hbm>>
      %dma_start3A_33 = arith.constant 0 : i32
      %dma_start3A_34 = tpu.memref_slice %arg12[%mul3A_10, %dma_start3A_33] : memref<10240x16xf32, #tpu.memory_space<vmem_shared>> -> memref<640x16xf32, #tpu.memory_space<vmem_shared>>
      tpu.enqueue_dma source(%dma_start3A_34 : memref<640x16xf32, #tpu.memory_space<vmem_shared>>) target(%dma_start3A_32 : memref<640x16xf32, #tpu.memory_space<hbm>>) target_semaphore(%run_scoped3A : memref<!tpu.dma_semaphore, #tpu.memory_space<semaphore_mem>>)
      %dma_wait3A = arith.constant 0 : i32
      %dma_wait3A_35 = tpu.memref_slice %arg4[%arg0, %mul3A_10, %dma_wait3A] : memref<2x10240x16xf32, #tpu.memory_space<hbm>> -> memref<1x640x16xf32, #tpu.memory_space<hbm>>
      %dma_wait3A_36 = tpu.memref_squeeze %dma_wait3A_35 : memref<1x640x16xf32, #tpu.memory_space<hbm>> -> memref<640x16xf32, #tpu.memory_space<hbm>>
      %dma_wait3A_37 = arith.constant 0 : i32
      %dma_wait3A_38 = tpu.memref_slice %arg12[%mul3A_10, %dma_wait3A_37] : memref<10240x16xf32, #tpu.memory_space<vmem_shared>> -> memref<640x16xf32, #tpu.memory_space<vmem_shared>>
      tpu.wait_dma2 semaphore(%run_scoped3A : memref<!tpu.dma_semaphore, #tpu.memory_space<semaphore_mem>>) src(%dma_wait3A_38 : memref<640x16xf32, #tpu.memory_space<vmem_shared>>) dst(%dma_wait3A_36 : memref<640x16xf32, #tpu.memory_space<hbm>>)
      tpu.yield
    }) : () -> ()
    return
  }
}

#map = affine_map<(d0, d1) -> (0)>
#map1 = affine_map<(d0, d1) -> (0, 0)>
#map2 = affine_map<(d0, d1) -> (0, 0, 0)>
module attributes {stable_mosaic.version = 14 : i64} {
  func.func @body(%arg0: i32, %arg1: i32, %arg2: memref<335872xi32, #tpu.memory_space<hbm>>, %arg3: memref<10240x128xf32, #tpu.memory_space<hbm>>, %arg4: memref<2x10240x128xf32, #tpu.memory_space<hbm>>, %arg5: memref<8192xi32, #tpu.memory_space<vmem>>, %arg6: memref<128xi32, #tpu.memory_space<vmem>>, %arg7: memref<128xi32, #tpu.memory_space<vmem>>, %arg8: memref<128xi32, #tpu.memory_space<vmem>>, %arg9: memref<128xi32, #tpu.memory_space<vmem>>, %arg10: memref<128x128xf32, #tpu.memory_space<vmem>>, %arg11: memref<128x128xf32, #tpu.memory_space<vmem>>, %arg12: memref<10240x128xf32, #tpu.memory_space<vmem_shared>>, %arg13: memref<!tpu.dma_semaphore, #tpu.memory_space<semaphore_mem>>, %arg14: memref<!tpu.dma_semaphore, #tpu.memory_space<semaphore_mem>>, %arg15: memref<!tpu.dma_semaphore, #tpu.memory_space<semaphore_mem>>) attributes {dimension_semantics = [#tpu.dimension_semantics<core_parallel>, #tpu.dimension_semantics<subcore_parallel>], iteration_bounds = array<i64: 2, 16>, scalar_prefetch = 0 : i64, scratch_operands = 11 : i64, tpu.core_type = #tpu.core_type<sc_vector_subcore>, window_params = [{transform_indices = #map}, {transform_indices = #map1}, {transform_indices = #map2}]} {
    %eq3A = arith.constant 0 : i32
    %eq3A_0 = arith.cmpi eq, %arg0, %eq3A : i32
    %jit3A = arith.constant 148 : i32
    %jit3A_1 = arith.constant 12 : i32
    %select_n3A = arith.select %eq3A_0, %jit3A, %jit3A_1 : i32
    %eq3A_2 = arith.constant 0 : i32
    %eq3A_3 = arith.cmpi eq, %arg0, %eq3A_2 : i32
    %mul3A = arith.constant 148 : i32
    %mul3A_4 = arith.muli %arg1, %mul3A : i32
    %mul3A_5 = arith.constant 12 : i32
    %mul3A_6 = arith.muli %arg1, %mul3A_5 : i32
    %add3A = arith.constant 2368 : i32
    %add3A_7 = arith.addi %add3A, %mul3A_6 : i32
    %select_n3A_8 = arith.select %eq3A_3, %mul3A_4, %add3A_7 : i32
    %mul3A_9 = arith.constant 640 : i32
    %mul3A_10 = arith.muli %arg1, %mul3A_9 : i32
    %ge3A = arith.constant 0 : i32
    %ge3A_11 = arith.cmpi sge, %arg0, %ge3A : i32
    %convert_element_type3A = arith.extui %ge3A_11 : i1 to i32
    %cond3A = arith.constant 0 : i32
    %cond3A_12 = arith.cmpi ne, %convert_element_type3A, %cond3A : i32
    scf.if %cond3A_12 {
      %scan3A = arith.constant 0 : i32
      %scan3A_47 = arith.constant 0 : i32
      %scan3A_48 = arith.constant 1024 : i32
      %scan3A_49 = arith.addi %scan3A_47, %scan3A_48 : i32
      %scan3A_50 = arith.constant 1 : i32
      %scan3A_51 = scf.for %scan3A_62 = %scan3A_47 to %scan3A_49 step %scan3A_50 iter_args(%scan3A_63 = %scan3A) -> (i32)  : i32 {
        %jit3A_64 = arith.constant 8 : i32
        %div3A_65 = arith.divsi %scan3A_62, %jit3A_64 : i32
        %sign3A_66 = arith.constant 0 : i32
        %sign3A_67 = arith.cmpi sgt, %scan3A_62, %sign3A_66 : i32
        %sign3A_68 = arith.extui %sign3A_67 : i1 to i32
        %sign3A_69 = arith.constant 0 : i32
        %sign3A_70 = arith.cmpi slt, %scan3A_62, %sign3A_69 : i32
        %sign3A_71 = arith.extui %sign3A_70 : i1 to i32
        %sign3A_72 = arith.subi %sign3A_68, %sign3A_71 : i32
        %sign3A_73 = arith.constant 0 : i32
        %sign3A_74 = arith.cmpi sgt, %jit3A_64, %sign3A_73 : i32
        %sign3A_75 = arith.extui %sign3A_74 : i1 to i32
        %sign3A_76 = arith.constant 0 : i32
        %sign3A_77 = arith.cmpi slt, %jit3A_64, %sign3A_76 : i32
        %sign3A_78 = arith.extui %sign3A_77 : i1 to i32
        %sign3A_79 = arith.subi %sign3A_75, %sign3A_78 : i32
        %ne3A_80 = arith.cmpi ne, %sign3A_72, %sign3A_79 : i32
        %rem3A_81 = arith.remsi %scan3A_62, %jit3A_64 : i32
        %ne3A_82 = arith.constant 0 : i32
        %ne3A_83 = arith.cmpi ne, %rem3A_81, %ne3A_82 : i32
        %and3A_84 = arith.andi %ne3A_80, %ne3A_83 : i1
        %sub3A_85 = arith.constant 1 : i32
        %sub3A_86 = arith.subi %div3A_65, %sub3A_85 : i32
        %select_n3A_87 = arith.select %and3A_84, %sub3A_86, %div3A_65 : i32
        %jit3A_88 = arith.constant 8 : i32
        %eq3A_89 = arith.constant 0 : i32
        %eq3A_90 = arith.cmpi eq, %jit3A_88, %eq3A_89 : i32
        %jit3A_91 = arith.constant 1 : i32
        %select_n3A_92 = arith.select %eq3A_90, %jit3A_91, %jit3A_88 : i32
        %rem3A_93 = arith.remsi %scan3A_62, %select_n3A_92 : i32
        %ne3A_94 = arith.constant 0 : i32
        %ne3A_95 = arith.cmpi ne, %rem3A_93, %ne3A_94 : i32
        %lt3A = arith.constant 0 : i32
        %lt3A_96 = arith.cmpi slt, %rem3A_93, %lt3A : i32
        %lt3A_97 = arith.constant 0 : i32
        %lt3A_98 = arith.cmpi slt, %select_n3A_92, %lt3A_97 : i32
        %ne3A_99 = arith.xori %lt3A_96, %lt3A_98 : i1
        %and3A_100 = arith.andi %ne3A_99, %ne3A_95 : i1
        %add3A_101 = arith.addi %rem3A_93, %select_n3A_92 : i32
        %select_n3A_102 = arith.select %and3A_100, %add3A_101, %rem3A_93 : i32
        %broadcast_in_dim3A = arith.constant 0.000000e+00 : f32
        %broadcast_in_dim3A_103 = vector.broadcast %broadcast_in_dim3A : f32 to vector<16xf32>
        %mul3A_104 = arith.constant 16 : i32
        %mul3A_105 = arith.muli %select_n3A_102, %mul3A_104 : i32
        %swap3A = arith.index_cast %select_n3A_87 : i32 to index
        %swap3A_106 = arith.index_cast %mul3A_105 : i32 to index
        %swap3A_107 = tpu.vector_load %arg10[%swap3A, %swap3A_106] {strides = array<i32>} : memref<128x128xf32, #tpu.memory_space<vmem>>, vector<1x16xf32>,
        %swap3A_108 = vector.shape_cast %swap3A_107 : vector<1x16xf32> to vector<16xf32>
        %swap3A_109 = vector.shape_cast %broadcast_in_dim3A_103 : vector<16xf32> to vector<1x16xf32>
        tpu.vector_store %arg10[%swap3A, %swap3A_106], %swap3A_109 {strides = array<i32>} : memref<128x128xf32, #tpu.memory_space<vmem>>, vector<1x16xf32>,
        %scan3A_110 = arith.constant 0 : i32
        scf.yield %scan3A_110 : i32
      }
      %scan3A_52 = arith.constant 1024 : i32
      %scan3A_53 = arith.constant 0 : i32
      %scan3A_54 = arith.constant 0 : i32
      %scan3A_55 = arith.constant 5 : i32
      %scan3A_56 = arith.addi %scan3A_54, %scan3A_55 : i32
      %scan3A_57 = arith.constant 1 : i32
      %scan3A_58 = scf.for %scan3A_62 = %scan3A_54 to %scan3A_56 step %scan3A_57 iter_args(%scan3A_63 = %scan3A_53) -> (i32)  : i32 {
        %mul3A_64 = arith.constant 128 : i32
        %mul3A_65 = arith.muli %scan3A_62, %mul3A_64 : i32
        %add3A_66 = arith.addi %mul3A_10, %mul3A_65 : i32
        "tpu.region"() ({
          %run_scoped3A = tpu.sem_alloc : memref<!tpu.dma_semaphore, #tpu.memory_space<semaphore_mem>>
          %dma_start3A = arith.constant 0 : i32
          %dma_start3A_68 = tpu.memref_slice %arg12[%add3A_66, %dma_start3A] : memref<10240x128xf32, #tpu.memory_space<vmem_shared>> -> memref<128x128xf32, #tpu.memory_space<vmem_shared>>
          %dma_start3A_69 = arith.constant 0 : i32
          %dma_start3A_70 = tpu.memref_slice %arg12[%add3A_66, %dma_start3A_69] : memref<10240x128xf32, #tpu.memory_space<vmem_shared>> -> memref<128x128xf32, #tpu.memory_space<vmem_shared>>
          tpu.enqueue_dma source(%arg10 : memref<128x128xf32, #tpu.memory_space<vmem>>) target(%dma_start3A_70 : memref<128x128xf32, #tpu.memory_space<vmem_shared>>) target_semaphore(%run_scoped3A : memref<!tpu.dma_semaphore, #tpu.memory_space<semaphore_mem>>)
          %dma_wait3A = arith.constant 0 : i32
          %dma_wait3A_71 = tpu.memref_slice %arg12[%add3A_66, %dma_wait3A] : memref<10240x128xf32, #tpu.memory_space<vmem_shared>> -> memref<128x128xf32, #tpu.memory_space<vmem_shared>>
          %dma_wait3A_72 = arith.constant 0 : i32
          %dma_wait3A_73 = tpu.memref_slice %arg12[%add3A_66, %dma_wait3A_72] : memref<10240x128xf32, #tpu.memory_space<vmem_shared>> -> memref<128x128xf32, #tpu.memory_space<vmem_shared>>
          tpu.wait_dma2 semaphore(%run_scoped3A : memref<!tpu.dma_semaphore, #tpu.memory_space<semaphore_mem>>) src(%arg10 : memref<128x128xf32, #tpu.memory_space<vmem>>) dst(%dma_wait3A_73 : memref<128x128xf32, #tpu.memory_space<vmem_shared>>)
          tpu.yield
        }) : () -> ()
        %scan3A_67 = arith.constant 0 : i32
        scf.yield %scan3A_67 : i32
      }
      %scan3A_59 = arith.constant 5 : i32
      %mul3A_60 = arith.constant 128 : i32
      %mul3A_61 = arith.muli %select_n3A_8, %mul3A_60 : i32
      "tpu.region"() ({
        %run_scoped3A = tpu.sem_alloc : memref<!tpu.dma_semaphore, #tpu.memory_space<semaphore_mem>>
        %dma_start3A = tpu.memref_slice %arg2[%mul3A_61] : memref<335872xi32, #tpu.memory_space<hbm>> -> memref<8192xi32, #tpu.memory_space<hbm>>
        %dma_start3A_62 = tpu.memref_slice %arg2[%mul3A_61] : memref<335872xi32, #tpu.memory_space<hbm>> -> memref<8192xi32, #tpu.memory_space<hbm>>
        tpu.enqueue_dma source(%dma_start3A_62 : memref<8192xi32, #tpu.memory_space<hbm>>) target(%arg5 : memref<8192xi32, #tpu.memory_space<vmem>>) target_semaphore(%run_scoped3A : memref<!tpu.dma_semaphore, #tpu.memory_space<semaphore_mem>>)
        %dma_wait3A = tpu.memref_slice %arg2[%mul3A_61] : memref<335872xi32, #tpu.memory_space<hbm>> -> memref<8192xi32, #tpu.memory_space<hbm>>
        %dma_wait3A_63 = tpu.memref_slice %arg2[%mul3A_61] : memref<335872xi32, #tpu.memory_space<hbm>> -> memref<8192xi32, #tpu.memory_space<hbm>>
        tpu.wait_dma2 semaphore(%run_scoped3A : memref<!tpu.dma_semaphore, #tpu.memory_space<semaphore_mem>>) src(%dma_wait3A_63 : memref<8192xi32, #tpu.memory_space<hbm>>) dst(%arg5 : memref<8192xi32, #tpu.memory_space<vmem>>)
        tpu.yield
      }) : () -> ()
    } else {
    }
    %barrier3A = arith.constant 0 : index
    tpu.barrier barrier_id(%barrier3A)
    %gt3A = arith.constant 0 : i32
    %gt3A_13 = arith.cmpi sgt, %select_n3A, %gt3A : i32
    %convert_element_type3A_14 = arith.extui %gt3A_13 : i1 to i32
    %cond3A_15 = arith.constant 0 : i32
    %cond3A_16 = arith.cmpi ne, %convert_element_type3A_14, %cond3A_15 : i32
    scf.if %cond3A_16 {
      %and3A_47 = arith.constant 0 : i32
      %and3A_48 = arith.constant 63 : i32
      %and3A_49 = arith.andi %and3A_47, %and3A_48 : i32
      %mul3A_50 = arith.constant 128 : i32
      %mul3A_51 = arith.muli %and3A_49, %mul3A_50 : i32
      %scan3A = arith.constant 0 : i32
      %scan3A_52 = arith.constant 0 : i32
      %scan3A_53 = arith.constant 8 : i32
      %scan3A_54 = arith.addi %scan3A_52, %scan3A_53 : i32
      %scan3A_55 = arith.constant 1 : i32
      %scan3A_56 = scf.for %scan3A_60 = %scan3A_52 to %scan3A_54 step %scan3A_55 iter_args(%scan3A_61 = %scan3A) -> (i32)  : i32 {
        %mul3A_62 = arith.constant 16 : i32
        %mul3A_63 = arith.muli %scan3A_60, %mul3A_62 : i32
        %add3A_64 = arith.addi %mul3A_51, %mul3A_63 : i32
        %get3A = arith.index_cast %add3A_64 : i32 to index
        %get3A_65 = tpu.vector_load %arg5[%get3A] {strides = array<i32>} : memref<8192xi32, #tpu.memory_space<vmem>>, vector<16xi32>,
        %get3A_66 = vector.shape_cast %get3A_65 : vector<16xi32> to vector<16xi32>
        %and3A_67 = arith.constant 65535 : i32
        %and3A_68 = vector.broadcast %and3A_67 : i32 to vector<16xi32>
        %and3A_69 = arith.andi %get3A_66, %and3A_68 : vector<16xi32>
        %mul3A_70 = arith.constant 16 : i32
        %mul3A_71 = arith.muli %scan3A_60, %mul3A_70 : i32
        %swap3A = arith.index_cast %mul3A_71 : i32 to index
        %swap3A_72 = tpu.vector_load %arg6[%swap3A] {strides = array<i32>} : memref<128xi32, #tpu.memory_space<vmem>>, vector<16xi32>,
        %swap3A_73 = vector.shape_cast %swap3A_72 : vector<16xi32> to vector<16xi32>
        %swap3A_74 = vector.shape_cast %and3A_69 : vector<16xi32> to vector<16xi32>
        tpu.vector_store %arg6[%swap3A], %swap3A_74 {strides = array<i32>} : memref<128xi32, #tpu.memory_space<vmem>>, vector<16xi32>,
        %shift_right_arithmetic3A = arith.constant 16 : i32
        %shift_right_arithmetic3A_75 = vector.broadcast %shift_right_arithmetic3A : i32 to vector<16xi32>
        %shift_right_arithmetic3A_76 = arith.shrsi %get3A_66, %shift_right_arithmetic3A_75 : vector<16xi32>
        %mul3A_77 = arith.constant 16 : i32
        %mul3A_78 = arith.muli %scan3A_60, %mul3A_77 : i32
        %swap3A_79 = arith.index_cast %mul3A_78 : i32 to index
        %swap3A_80 = tpu.vector_load %arg8[%swap3A_79] {strides = array<i32>} : memref<128xi32, #tpu.memory_space<vmem>>, vector<16xi32>,
        %swap3A_81 = vector.shape_cast %swap3A_80 : vector<16xi32> to vector<16xi32>
        %swap3A_82 = vector.shape_cast %shift_right_arithmetic3A_76 : vector<16xi32> to vector<16xi32>
        tpu.vector_store %arg8[%swap3A_79], %swap3A_82 {strides = array<i32>} : memref<128xi32, #tpu.memory_space<vmem>>, vector<16xi32>,
        %scan3A_83 = arith.constant 0 : i32
        scf.yield %scan3A_83 : i32
      }
      %scan3A_57 = arith.constant 8 : i32
      %dma_start3A = arith.constant 0 : i32
      %dma_start3A_58 = arith.constant 0 : i32
      %dma_start3A_59 = tpu.memref_slice %arg3[%dma_start3A, %dma_start3A_58] : memref<10240x128xf32, #tpu.memory_space<hbm>> -> memref<10240x128xf32, #tpu.memory_space<hbm>>
      tpu.enqueue_indirect_dma source(%dma_start3A_59 : memref<10240x128xf32, #tpu.memory_space<hbm>>) target(%arg10 : memref<128x128xf32, #tpu.memory_space<vmem>>) offsets(%arg6 : memref<128xi32, #tpu.memory_space<vmem>>) semaphore(%arg13 : memref<!tpu.dma_semaphore, #tpu.memory_space<semaphore_mem>>)
    } else {
    }
    %jit3A_17 = arith.constant 2 : i32
    %div3A = arith.divsi %select_n3A, %jit3A_17 : i32
    %sign3A = arith.constant 0 : i32
    %sign3A_18 = arith.cmpi sgt, %select_n3A, %sign3A : i32
    %sign3A_19 = arith.extui %sign3A_18 : i1 to i32
    %sign3A_20 = arith.constant 0 : i32
    %sign3A_21 = arith.cmpi slt, %select_n3A, %sign3A_20 : i32
    %sign3A_22 = arith.extui %sign3A_21 : i1 to i32
    %sign3A_23 = arith.subi %sign3A_19, %sign3A_22 : i32
    %sign3A_24 = arith.constant 0 : i32
    %sign3A_25 = arith.cmpi sgt, %jit3A_17, %sign3A_24 : i32
    %sign3A_26 = arith.extui %sign3A_25 : i1 to i32
    %sign3A_27 = arith.constant 0 : i32
    %sign3A_28 = arith.cmpi slt, %jit3A_17, %sign3A_27 : i32
    %sign3A_29 = arith.extui %sign3A_28 : i1 to i32
    %sign3A_30 = arith.subi %sign3A_26, %sign3A_29 : i32
    %ne3A = arith.cmpi ne, %sign3A_23, %sign3A_30 : i32
    %rem3A = arith.remsi %select_n3A, %jit3A_17 : i32
    %ne3A_31 = arith.constant 0 : i32
    %ne3A_32 = arith.cmpi ne, %rem3A, %ne3A_31 : i32
    %and3A = arith.andi %ne3A, %ne3A_32 : i1
    %sub3A = arith.constant 1 : i32
    %sub3A_33 = arith.subi %div3A, %sub3A : i32
    %select_n3A_34 = arith.select %and3A, %sub3A_33, %div3A : i32
    %while3A = arith.constant 0 : i32
    %while3A_35 = arith.constant 0 : i32
    %while3A_36 = arith.subi %select_n3A_34, %while3A : i32
    %while3A_37 = arith.addi %while3A, %while3A_36 : i32
    %while3A_38 = arith.constant 1 : i32
    %while3A_39 = arith.divsi %while3A_36, %while3A_38 : i32
    %while3A_40 = arith.muli %while3A_39, %while3A_38 : i32
    %while3A_41 = arith.addi %while3A, %while3A_40 : i32
    %while3A_42 = arith.constant 1 : i32
    %while3A_43 = scf.for %while3A_47 = %while3A to %while3A_41 step %while3A_42 iter_args(%while3A_48 = %while3A_35) -> (i32)  : i32 {
      %mul3A_49 = arith.constant 2 : i32
      %mul3A_50 = arith.muli %while3A_47, %mul3A_49 : i32
      %add3A_51 = arith.constant 1 : i32
      %add3A_52 = arith.addi %mul3A_50, %add3A_51 : i32
      %and3A_53 = arith.constant 63 : i32
      %and3A_54 = arith.andi %add3A_52, %and3A_53 : i32
      %mul3A_55 = arith.constant 128 : i32
      %mul3A_56 = arith.muli %and3A_54, %mul3A_55 : i32
      %scan3A = arith.constant 0 : i32
      %scan3A_57 = arith.constant 0 : i32
      %scan3A_58 = arith.constant 8 : i32
      %scan3A_59 = arith.addi %scan3A_57, %scan3A_58 : i32
      %scan3A_60 = arith.constant 1 : i32
      %scan3A_61 = scf.for %scan3A_100 = %scan3A_57 to %scan3A_59 step %scan3A_60 iter_args(%scan3A_101 = %scan3A) -> (i32)  : i32 {
        %mul3A_102 = arith.constant 16 : i32
        %mul3A_103 = arith.muli %scan3A_100, %mul3A_102 : i32
        %add3A_104 = arith.addi %mul3A_56, %mul3A_103 : i32
        %get3A = arith.index_cast %add3A_104 : i32 to index
        %get3A_105 = tpu.vector_load %arg5[%get3A] {strides = array<i32>} : memref<8192xi32, #tpu.memory_space<vmem>>, vector<16xi32>,
        %get3A_106 = vector.shape_cast %get3A_105 : vector<16xi32> to vector<16xi32>
        %and3A_107 = arith.constant 65535 : i32
        %and3A_108 = vector.broadcast %and3A_107 : i32 to vector<16xi32>
        %and3A_109 = arith.andi %get3A_106, %and3A_108 : vector<16xi32>
        %mul3A_110 = arith.constant 16 : i32
        %mul3A_111 = arith.muli %scan3A_100, %mul3A_110 : i32
        %swap3A = arith.index_cast %mul3A_111 : i32 to index
        %swap3A_112 = tpu.vector_load %arg7[%swap3A] {strides = array<i32>} : memref<128xi32, #tpu.memory_space<vmem>>, vector<16xi32>,
        %swap3A_113 = vector.shape_cast %swap3A_112 : vector<16xi32> to vector<16xi32>
        %swap3A_114 = vector.shape_cast %and3A_109 : vector<16xi32> to vector<16xi32>
        tpu.vector_store %arg7[%swap3A], %swap3A_114 {strides = array<i32>} : memref<128xi32, #tpu.memory_space<vmem>>, vector<16xi32>,
        %shift_right_arithmetic3A = arith.constant 16 : i32
        %shift_right_arithmetic3A_115 = vector.broadcast %shift_right_arithmetic3A : i32 to vector<16xi32>
        %shift_right_arithmetic3A_116 = arith.shrsi %get3A_106, %shift_right_arithmetic3A_115 : vector<16xi32>
        %mul3A_117 = arith.constant 16 : i32
        %mul3A_118 = arith.muli %scan3A_100, %mul3A_117 : i32
        %swap3A_119 = arith.index_cast %mul3A_118 : i32 to index
        %swap3A_120 = tpu.vector_load %arg9[%swap3A_119] {strides = array<i32>} : memref<128xi32, #tpu.memory_space<vmem>>, vector<16xi32>,
        %swap3A_121 = vector.shape_cast %swap3A_120 : vector<16xi32> to vector<16xi32>
        %swap3A_122 = vector.shape_cast %shift_right_arithmetic3A_116 : vector<16xi32> to vector<16xi32>
        tpu.vector_store %arg9[%swap3A_119], %swap3A_122 {strides = array<i32>} : memref<128xi32, #tpu.memory_space<vmem>>, vector<16xi32>,
        %scan3A_123 = arith.constant 0 : i32
        scf.yield %scan3A_123 : i32
      }
      %scan3A_62 = arith.constant 8 : i32
      %dma_start3A = arith.constant 0 : i32
      %dma_start3A_63 = arith.constant 0 : i32
      %dma_start3A_64 = tpu.memref_slice %arg3[%dma_start3A, %dma_start3A_63] : memref<10240x128xf32, #tpu.memory_space<hbm>> -> memref<10240x128xf32, #tpu.memory_space<hbm>>
      tpu.enqueue_indirect_dma source(%dma_start3A_64 : memref<10240x128xf32, #tpu.memory_space<hbm>>) target(%arg11 : memref<128x128xf32, #tpu.memory_space<vmem>>) offsets(%arg7 : memref<128xi32, #tpu.memory_space<vmem>>) semaphore(%arg14 : memref<!tpu.dma_semaphore, #tpu.memory_space<semaphore_mem>>)
      %dma_wait3A = arith.constant 0 : i32
      %dma_wait3A_65 = arith.constant 0 : i32
      %dma_wait3A_66 = tpu.memref_slice %arg3[%dma_wait3A, %dma_wait3A_65] : memref<10240x128xf32, #tpu.memory_space<hbm>> -> memref<10240x128xf32, #tpu.memory_space<hbm>>
      tpu.wait_indirect_dma semaphore(%arg13 : memref<!tpu.dma_semaphore, #tpu.memory_space<semaphore_mem>>) src(%dma_wait3A_66 : memref<10240x128xf32, #tpu.memory_space<hbm>>) dst(%arg10 : memref<128x128xf32, #tpu.memory_space<vmem>>)
      "tpu.region"() ({
        %run_scoped3A = tpu.sem_alloc : memref<!tpu.dma_semaphore, #tpu.memory_space<semaphore_mem>>
        %dma_start3A_100 = arith.constant 0 : i32
        %dma_start3A_101 = arith.constant 0 : i32
        %dma_start3A_102 = tpu.memref_slice %arg12[%dma_start3A_100, %dma_start3A_101] : memref<10240x128xf32, #tpu.memory_space<vmem_shared>> -> memref<10240x128xf32, #tpu.memory_space<vmem_shared>>
        tpu.enqueue_indirect_dma source(%arg10 : memref<128x128xf32, #tpu.memory_space<vmem>>) target(%dma_start3A_102 : memref<10240x128xf32, #tpu.memory_space<vmem_shared>>) offsets(%arg8 : memref<128xi32, #tpu.memory_space<vmem>>) semaphore(%run_scoped3A : memref<!tpu.dma_semaphore, #tpu.memory_space<semaphore_mem>>) {add = true}
        %dma_wait3A_103 = arith.constant 0 : i32
        %dma_wait3A_104 = arith.constant 0 : i32
        %dma_wait3A_105 = tpu.memref_slice %arg12[%dma_wait3A_103, %dma_wait3A_104] : memref<10240x128xf32, #tpu.memory_space<vmem_shared>> -> memref<10240x128xf32, #tpu.memory_space<vmem_shared>>
        tpu.wait_indirect_dma semaphore(%run_scoped3A : memref<!tpu.dma_semaphore, #tpu.memory_space<semaphore_mem>>) src(%arg10 : memref<128x128xf32, #tpu.memory_space<vmem>>) dst(%dma_wait3A_105 : memref<10240x128xf32, #tpu.memory_space<vmem_shared>>)
        tpu.yield
      }) : () -> ()
      %jit3A_67 = arith.constant 2 : i32
      %div3A_68 = arith.divsi %select_n3A, %jit3A_67 : i32
      %sign3A_69 = arith.constant 0 : i32
      %sign3A_70 = arith.cmpi sgt, %select_n3A, %sign3A_69 : i32
      %sign3A_71 = arith.extui %sign3A_70 : i1 to i32
      %sign3A_72 = arith.constant 0 : i32
      %sign3A_73 = arith.cmpi slt, %select_n3A, %sign3A_72 : i32
      %sign3A_74 = arith.extui %sign3A_73 : i1 to i32
      %sign3A_75 = arith.subi %sign3A_71, %sign3A_74 : i32
      %sign3A_76 = arith.constant 0 : i32
      %sign3A_77 = arith.cmpi sgt, %jit3A_67, %sign3A_76 : i32
      %sign3A_78 = arith.extui %sign3A_77 : i1 to i32
      %sign3A_79 = arith.constant 0 : i32
      %sign3A_80 = arith.cmpi slt, %jit3A_67, %sign3A_79 : i32
      %sign3A_81 = arith.extui %sign3A_80 : i1 to i32
      %sign3A_82 = arith.subi %sign3A_78, %sign3A_81 : i32
      %ne3A_83 = arith.cmpi ne, %sign3A_75, %sign3A_82 : i32
      %rem3A_84 = arith.remsi %select_n3A, %jit3A_67 : i32
      %ne3A_85 = arith.constant 0 : i32
      %ne3A_86 = arith.cmpi ne, %rem3A_84, %ne3A_85 : i32
      %and3A_87 = arith.andi %ne3A_83, %ne3A_86 : i1
      %sub3A_88 = arith.constant 1 : i32
      %sub3A_89 = arith.subi %div3A_68, %sub3A_88 : i32
      %select_n3A_90 = arith.select %and3A_87, %sub3A_89, %div3A_68 : i32
      %sub3A_91 = arith.constant 1 : i32
      %sub3A_92 = arith.subi %select_n3A_90, %sub3A_91 : i32
      %lt3A = arith.cmpi slt, %while3A_47, %sub3A_92 : i32
      %convert_element_type3A_93 = arith.extui %lt3A : i1 to i32
      %cond3A_94 = arith.constant 0 : i32
      %cond3A_95 = arith.cmpi ne, %convert_element_type3A_93, %cond3A_94 : i32
      scf.if %cond3A_95 {
        %add3A_100 = arith.constant 2 : i32
        %add3A_101 = arith.addi %mul3A_50, %add3A_100 : i32
        %and3A_102 = arith.constant 31 : i32
        %and3A_103 = arith.andi %add3A_101, %and3A_102 : i32
        %eq3A_104 = arith.constant 0 : i32
        %eq3A_105 = arith.cmpi eq, %and3A_103, %eq3A_104 : i32
        %convert_element_type3A_106 = arith.extui %eq3A_105 : i1 to i32
        %cond3A_107 = arith.constant 0 : i32
        %cond3A_108 = arith.cmpi ne, %convert_element_type3A_106, %cond3A_107 : i32
        scf.if %cond3A_108 {
          %add3A_125 = arith.constant 2 : i32
          %add3A_126 = arith.addi %mul3A_50, %add3A_125 : i32
          %ge3A_127 = arith.constant 64 : i32
          %ge3A_128 = arith.cmpi sge, %add3A_126, %ge3A_127 : i32
          %convert_element_type3A_129 = arith.extui %ge3A_128 : i1 to i32
          %cond3A_130 = arith.constant 0 : i32
          %cond3A_131 = arith.cmpi ne, %convert_element_type3A_129, %cond3A_130 : i32
          scf.if %cond3A_131 {
            %dma_wait3A_138 = arith.constant 0 : i32
            %dma_wait3A_139 = tpu.memref_slice %arg5[%dma_wait3A_138] : memref<8192xi32, #tpu.memory_space<vmem>> -> memref<4096xi32, #tpu.memory_space<vmem>>
            %dma_wait3A_140 = arith.constant 0 : i32
            %dma_wait3A_141 = tpu.memref_slice %arg2[%dma_wait3A_140] : memref<335872xi32, #tpu.memory_space<hbm>> -> memref<4096xi32, #tpu.memory_space<hbm>>
            %dma_wait3A_142 = arith.constant 0 : i32
            %dma_wait3A_143 = tpu.memref_slice %arg5[%dma_wait3A_142] : memref<8192xi32, #tpu.memory_space<vmem>> -> memref<4096xi32, #tpu.memory_space<vmem>>
            %dma_wait3A_144 = arith.constant 0 : i32
            %dma_wait3A_145 = tpu.memref_slice %arg2[%dma_wait3A_144] : memref<335872xi32, #tpu.memory_space<hbm>> -> memref<4096xi32, #tpu.memory_space<hbm>>
            tpu.wait_dma2 semaphore(%arg15 : memref<!tpu.dma_semaphore, #tpu.memory_space<semaphore_mem>>) src(%dma_wait3A_145 : memref<4096xi32, #tpu.memory_space<hbm>>) dst(%dma_wait3A_143 : memref<4096xi32, #tpu.memory_space<vmem>>)
          } else {
          }
          %add3A_132 = arith.constant 32 : i32
          %add3A_133 = arith.addi %add3A_126, %add3A_132 : i32
          %lt3A_134 = arith.cmpi slt, %add3A_133, %select_n3A : i32
          %convert_element_type3A_135 = arith.extui %lt3A_134 : i1 to i32
          %cond3A_136 = arith.constant 0 : i32
          %cond3A_137 = arith.cmpi ne, %convert_element_type3A_135, %cond3A_136 : i32
          scf.if %cond3A_137 {
            %jit3A_138 = arith.constant 32 : i32
            %div3A_139 = arith.divsi %add3A_126, %jit3A_138 : i32
            %sign3A_140 = arith.constant 0 : i32
            %sign3A_141 = arith.cmpi sgt, %add3A_126, %sign3A_140 : i32
            %sign3A_142 = arith.extui %sign3A_141 : i1 to i32
            %sign3A_143 = arith.constant 0 : i32
            %sign3A_144 = arith.cmpi slt, %add3A_126, %sign3A_143 : i32
            %sign3A_145 = arith.extui %sign3A_144 : i1 to i32
            %sign3A_146 = arith.subi %sign3A_142, %sign3A_145 : i32
            %sign3A_147 = arith.constant 0 : i32
            %sign3A_148 = arith.cmpi sgt, %jit3A_138, %sign3A_147 : i32
            %sign3A_149 = arith.extui %sign3A_148 : i1 to i32
            %sign3A_150 = arith.constant 0 : i32
            %sign3A_151 = arith.cmpi slt, %jit3A_138, %sign3A_150 : i32
            %sign3A_152 = arith.extui %sign3A_151 : i1 to i32
            %sign3A_153 = arith.subi %sign3A_149, %sign3A_152 : i32
            %ne3A_154 = arith.cmpi ne, %sign3A_146, %sign3A_153 : i32
            %rem3A_155 = arith.remsi %add3A_126, %jit3A_138 : i32
            %ne3A_156 = arith.constant 0 : i32
            %ne3A_157 = arith.cmpi ne, %rem3A_155, %ne3A_156 : i32
            %and3A_158 = arith.andi %ne3A_154, %ne3A_157 : i1
            %sub3A_159 = arith.constant 1 : i32
            %sub3A_160 = arith.subi %div3A_139, %sub3A_159 : i32
            %select_n3A_161 = arith.select %and3A_158, %sub3A_160, %div3A_139 : i32
            %add3A_162 = arith.constant 1 : i32
            %add3A_163 = arith.addi %select_n3A_161, %add3A_162 : i32
            %mul3A_164 = arith.constant 32 : i32
            %mul3A_165 = arith.muli %add3A_163, %mul3A_164 : i32
            %add3A_166 = arith.addi %select_n3A_8, %mul3A_165 : i32
            %mul3A_167 = arith.constant 128 : i32
            %mul3A_168 = arith.muli %add3A_166, %mul3A_167 : i32
            %jit3A_169 = arith.constant 2 : i32
            %eq3A_170 = arith.constant 0 : i32
            %eq3A_171 = arith.cmpi eq, %jit3A_169, %eq3A_170 : i32
            %jit3A_172 = arith.constant 1 : i32
            %select_n3A_173 = arith.select %eq3A_171, %jit3A_172, %jit3A_169 : i32
            %rem3A_174 = arith.remsi %add3A_163, %select_n3A_173 : i32
            %ne3A_175 = arith.constant 0 : i32
            %ne3A_176 = arith.cmpi ne, %rem3A_174, %ne3A_175 : i32
            %lt3A_177 = arith.constant 0 : i32
            %lt3A_178 = arith.cmpi slt, %rem3A_174, %lt3A_177 : i32
            %lt3A_179 = arith.constant 0 : i32
            %lt3A_180 = arith.cmpi slt, %select_n3A_173, %lt3A_179 : i32
            %ne3A_181 = arith.xori %lt3A_178, %lt3A_180 : i1
            %and3A_182 = arith.andi %ne3A_181, %ne3A_176 : i1
            %add3A_183 = arith.addi %rem3A_174, %select_n3A_173 : i32
            %select_n3A_184 = arith.select %and3A_182, %add3A_183, %rem3A_174 : i32
            %mul3A_185 = arith.constant 32 : i32
            %mul3A_186 = arith.muli %select_n3A_184, %mul3A_185 : i32
            %mul3A_187 = arith.constant 128 : i32
            %mul3A_188 = arith.muli %mul3A_186, %mul3A_187 : i32
            %dma_start3A_189 = tpu.memref_slice %arg5[%mul3A_188] : memref<8192xi32, #tpu.memory_space<vmem>> -> memref<4096xi32, #tpu.memory_space<vmem>>
            %dma_start3A_190 = tpu.memref_slice %arg2[%mul3A_168] : memref<335872xi32, #tpu.memory_space<hbm>> -> memref<4096xi32, #tpu.memory_space<hbm>>
            %dma_start3A_191 = tpu.memref_slice %arg5[%mul3A_188] : memref<8192xi32, #tpu.memory_space<vmem>> -> memref<4096xi32, #tpu.memory_space<vmem>>
            %dma_start3A_192 = tpu.memref_slice %arg2[%mul3A_168] : memref<335872xi32, #tpu.memory_space<hbm>> -> memref<4096xi32, #tpu.memory_space<hbm>>
            tpu.enqueue_dma source(%dma_start3A_192 : memref<4096xi32, #tpu.memory_space<hbm>>) target(%dma_start3A_191 : memref<4096xi32, #tpu.memory_space<vmem>>) target_semaphore(%arg15 : memref<!tpu.dma_semaphore, #tpu.memory_space<semaphore_mem>>)
          } else {
          }
        } else {
        }
        %add3A_109 = arith.constant 2 : i32
        %add3A_110 = arith.addi %mul3A_50, %add3A_109 : i32
        %and3A_111 = arith.constant 63 : i32
        %and3A_112 = arith.andi %add3A_110, %and3A_111 : i32
        %mul3A_113 = arith.constant 128 : i32
        %mul3A_114 = arith.muli %and3A_112, %mul3A_113 : i32
        %scan3A_115 = arith.constant 0 : i32
        %scan3A_116 = arith.constant 0 : i32
        %scan3A_117 = arith.constant 8 : i32
        %scan3A_118 = arith.addi %scan3A_116, %scan3A_117 : i32
        %scan3A_119 = arith.constant 1 : i32
        %scan3A_120 = scf.for %scan3A_125 = %scan3A_116 to %scan3A_118 step %scan3A_119 iter_args(%scan3A_126 = %scan3A_115) -> (i32)  : i32 {
          %mul3A_127 = arith.constant 16 : i32
          %mul3A_128 = arith.muli %scan3A_125, %mul3A_127 : i32
          %add3A_129 = arith.addi %mul3A_114, %mul3A_128 : i32
          %get3A = arith.index_cast %add3A_129 : i32 to index
          %get3A_130 = tpu.vector_load %arg5[%get3A] {strides = array<i32>} : memref<8192xi32, #tpu.memory_space<vmem>>, vector<16xi32>,
          %get3A_131 = vector.shape_cast %get3A_130 : vector<16xi32> to vector<16xi32>
          %and3A_132 = arith.constant 65535 : i32
          %and3A_133 = vector.broadcast %and3A_132 : i32 to vector<16xi32>
          %and3A_134 = arith.andi %get3A_131, %and3A_133 : vector<16xi32>
          %mul3A_135 = arith.constant 16 : i32
          %mul3A_136 = arith.muli %scan3A_125, %mul3A_135 : i32
          %swap3A = arith.index_cast %mul3A_136 : i32 to index
          %swap3A_137 = tpu.vector_load %arg6[%swap3A] {strides = array<i32>} : memref<128xi32, #tpu.memory_space<vmem>>, vector<16xi32>,
          %swap3A_138 = vector.shape_cast %swap3A_137 : vector<16xi32> to vector<16xi32>
          %swap3A_139 = vector.shape_cast %and3A_134 : vector<16xi32> to vector<16xi32>
          tpu.vector_store %arg6[%swap3A], %swap3A_139 {strides = array<i32>} : memref<128xi32, #tpu.memory_space<vmem>>, vector<16xi32>,
          %shift_right_arithmetic3A = arith.constant 16 : i32
          %shift_right_arithmetic3A_140 = vector.broadcast %shift_right_arithmetic3A : i32 to vector<16xi32>
          %shift_right_arithmetic3A_141 = arith.shrsi %get3A_131, %shift_right_arithmetic3A_140 : vector<16xi32>
          %mul3A_142 = arith.constant 16 : i32
          %mul3A_143 = arith.muli %scan3A_125, %mul3A_142 : i32
          %swap3A_144 = arith.index_cast %mul3A_143 : i32 to index
          %swap3A_145 = tpu.vector_load %arg8[%swap3A_144] {strides = array<i32>} : memref<128xi32, #tpu.memory_space<vmem>>, vector<16xi32>,
          %swap3A_146 = vector.shape_cast %swap3A_145 : vector<16xi32> to vector<16xi32>
          %swap3A_147 = vector.shape_cast %shift_right_arithmetic3A_141 : vector<16xi32> to vector<16xi32>
          tpu.vector_store %arg8[%swap3A_144], %swap3A_147 {strides = array<i32>} : memref<128xi32, #tpu.memory_space<vmem>>, vector<16xi32>,
          %scan3A_148 = arith.constant 0 : i32
          scf.yield %scan3A_148 : i32
        }
        %scan3A_121 = arith.constant 8 : i32
        %dma_start3A_122 = arith.constant 0 : i32
        %dma_start3A_123 = arith.constant 0 : i32
        %dma_start3A_124 = tpu.memref_slice %arg3[%dma_start3A_122, %dma_start3A_123] : memref<10240x128xf32, #tpu.memory_space<hbm>> -> memref<10240x128xf32, #tpu.memory_space<hbm>>
        tpu.enqueue_indirect_dma source(%dma_start3A_124 : memref<10240x128xf32, #tpu.memory_space<hbm>>) target(%arg10 : memref<128x128xf32, #tpu.memory_space<vmem>>) offsets(%arg6 : memref<128xi32, #tpu.memory_space<vmem>>) semaphore(%arg13 : memref<!tpu.dma_semaphore, #tpu.memory_space<semaphore_mem>>)
      } else {
      }
      %dma_wait3A_96 = arith.constant 0 : i32
      %dma_wait3A_97 = arith.constant 0 : i32
      %dma_wait3A_98 = tpu.memref_slice %arg3[%dma_wait3A_96, %dma_wait3A_97] : memref<10240x128xf32, #tpu.memory_space<hbm>> -> memref<10240x128xf32, #tpu.memory_space<hbm>>
      tpu.wait_indirect_dma semaphore(%arg14 : memref<!tpu.dma_semaphore, #tpu.memory_space<semaphore_mem>>) src(%dma_wait3A_98 : memref<10240x128xf32, #tpu.memory_space<hbm>>) dst(%arg11 : memref<128x128xf32, #tpu.memory_space<vmem>>)
      "tpu.region"() ({
        %run_scoped3A = tpu.sem_alloc : memref<!tpu.dma_semaphore, #tpu.memory_space<semaphore_mem>>
        %dma_start3A_100 = arith.constant 0 : i32
        %dma_start3A_101 = arith.constant 0 : i32
        %dma_start3A_102 = tpu.memref_slice %arg12[%dma_start3A_100, %dma_start3A_101] : memref<10240x128xf32, #tpu.memory_space<vmem_shared>> -> memref<10240x128xf32, #tpu.memory_space<vmem_shared>>
        tpu.enqueue_indirect_dma source(%arg11 : memref<128x128xf32, #tpu.memory_space<vmem>>) target(%dma_start3A_102 : memref<10240x128xf32, #tpu.memory_space<vmem_shared>>) offsets(%arg9 : memref<128xi32, #tpu.memory_space<vmem>>) semaphore(%run_scoped3A : memref<!tpu.dma_semaphore, #tpu.memory_space<semaphore_mem>>) {add = true}
        %dma_wait3A_103 = arith.constant 0 : i32
        %dma_wait3A_104 = arith.constant 0 : i32
        %dma_wait3A_105 = tpu.memref_slice %arg12[%dma_wait3A_103, %dma_wait3A_104] : memref<10240x128xf32, #tpu.memory_space<vmem_shared>> -> memref<10240x128xf32, #tpu.memory_space<vmem_shared>>
        tpu.wait_indirect_dma semaphore(%run_scoped3A : memref<!tpu.dma_semaphore, #tpu.memory_space<semaphore_mem>>) src(%arg11 : memref<128x128xf32, #tpu.memory_space<vmem>>) dst(%dma_wait3A_105 : memref<10240x128xf32, #tpu.memory_space<vmem_shared>>)
        tpu.yield
      }) : () -> ()
      %while3A_99 = arith.constant 0 : i32
      scf.yield %while3A_99 : i32
    }
    %while3A_44 = arith.constant 1 : i32
    %while3A_45 = scf.for %while3A_47 = %while3A_41 to %while3A_37 step %while3A_44 iter_args(%while3A_48 = %while3A_43) -> (i32)  : i32 {
      %mul3A_49 = arith.constant 2 : i32
      %mul3A_50 = arith.muli %while3A_47, %mul3A_49 : i32
      %add3A_51 = arith.constant 1 : i32
      %add3A_52 = arith.addi %mul3A_50, %add3A_51 : i32
      %and3A_53 = arith.constant 63 : i32
      %and3A_54 = arith.andi %add3A_52, %and3A_53 : i32
      %mul3A_55 = arith.constant 128 : i32
      %mul3A_56 = arith.muli %and3A_54, %mul3A_55 : i32
      %scan3A = arith.constant 0 : i32
      %scan3A_57 = arith.constant 0 : i32
      %scan3A_58 = arith.constant 8 : i32
      %scan3A_59 = arith.addi %scan3A_57, %scan3A_58 : i32
      %scan3A_60 = arith.constant 1 : i32
      %scan3A_61 = scf.for %scan3A_100 = %scan3A_57 to %scan3A_59 step %scan3A_60 iter_args(%scan3A_101 = %scan3A) -> (i32)  : i32 {
        %mul3A_102 = arith.constant 16 : i32
        %mul3A_103 = arith.muli %scan3A_100, %mul3A_102 : i32
        %add3A_104 = arith.addi %mul3A_56, %mul3A_103 : i32
        %get3A = arith.index_cast %add3A_104 : i32 to index
        %get3A_105 = tpu.vector_load %arg5[%get3A] {strides = array<i32>} : memref<8192xi32, #tpu.memory_space<vmem>>, vector<16xi32>,
        %get3A_106 = vector.shape_cast %get3A_105 : vector<16xi32> to vector<16xi32>
        %and3A_107 = arith.constant 65535 : i32
        %and3A_108 = vector.broadcast %and3A_107 : i32 to vector<16xi32>
        %and3A_109 = arith.andi %get3A_106, %and3A_108 : vector<16xi32>
        %mul3A_110 = arith.constant 16 : i32
        %mul3A_111 = arith.muli %scan3A_100, %mul3A_110 : i32
        %swap3A = arith.index_cast %mul3A_111 : i32 to index
        %swap3A_112 = tpu.vector_load %arg7[%swap3A] {strides = array<i32>} : memref<128xi32, #tpu.memory_space<vmem>>, vector<16xi32>,
        %swap3A_113 = vector.shape_cast %swap3A_112 : vector<16xi32> to vector<16xi32>
        %swap3A_114 = vector.shape_cast %and3A_109 : vector<16xi32> to vector<16xi32>
        tpu.vector_store %arg7[%swap3A], %swap3A_114 {strides = array<i32>} : memref<128xi32, #tpu.memory_space<vmem>>, vector<16xi32>,
        %shift_right_arithmetic3A = arith.constant 16 : i32
        %shift_right_arithmetic3A_115 = vector.broadcast %shift_right_arithmetic3A : i32 to vector<16xi32>
        %shift_right_arithmetic3A_116 = arith.shrsi %get3A_106, %shift_right_arithmetic3A_115 : vector<16xi32>
        %mul3A_117 = arith.constant 16 : i32
        %mul3A_118 = arith.muli %scan3A_100, %mul3A_117 : i32
        %swap3A_119 = arith.index_cast %mul3A_118 : i32 to index
        %swap3A_120 = tpu.vector_load %arg9[%swap3A_119] {strides = array<i32>} : memref<128xi32, #tpu.memory_space<vmem>>, vector<16xi32>,
        %swap3A_121 = vector.shape_cast %swap3A_120 : vector<16xi32> to vector<16xi32>
        %swap3A_122 = vector.shape_cast %shift_right_arithmetic3A_116 : vector<16xi32> to vector<16xi32>
        tpu.vector_store %arg9[%swap3A_119], %swap3A_122 {strides = array<i32>} : memref<128xi32, #tpu.memory_space<vmem>>, vector<16xi32>,
        %scan3A_123 = arith.constant 0 : i32
        scf.yield %scan3A_123 : i32
      }
      %scan3A_62 = arith.constant 8 : i32
      %dma_start3A = arith.constant 0 : i32
      %dma_start3A_63 = arith.constant 0 : i32
      %dma_start3A_64 = tpu.memref_slice %arg3[%dma_start3A, %dma_start3A_63] : memref<10240x128xf32, #tpu.memory_space<hbm>> -> memref<10240x128xf32, #tpu.memory_space<hbm>>
      tpu.enqueue_indirect_dma source(%dma_start3A_64 : memref<10240x128xf32, #tpu.memory_space<hbm>>) target(%arg11 : memref<128x128xf32, #tpu.memory_space<vmem>>) offsets(%arg7 : memref<128xi32, #tpu.memory_space<vmem>>) semaphore(%arg14 : memref<!tpu.dma_semaphore, #tpu.memory_space<semaphore_mem>>)
      %dma_wait3A = arith.constant 0 : i32
      %dma_wait3A_65 = arith.constant 0 : i32
      %dma_wait3A_66 = tpu.memref_slice %arg3[%dma_wait3A, %dma_wait3A_65] : memref<10240x128xf32, #tpu.memory_space<hbm>> -> memref<10240x128xf32, #tpu.memory_space<hbm>>
      tpu.wait_indirect_dma semaphore(%arg13 : memref<!tpu.dma_semaphore, #tpu.memory_space<semaphore_mem>>) src(%dma_wait3A_66 : memref<10240x128xf32, #tpu.memory_space<hbm>>) dst(%arg10 : memref<128x128xf32, #tpu.memory_space<vmem>>)
      "tpu.region"() ({
        %run_scoped3A = tpu.sem_alloc : memref<!tpu.dma_semaphore, #tpu.memory_space<semaphore_mem>>
        %dma_start3A_100 = arith.constant 0 : i32
        %dma_start3A_101 = arith.constant 0 : i32
        %dma_start3A_102 = tpu.memref_slice %arg12[%dma_start3A_100, %dma_start3A_101] : memref<10240x128xf32, #tpu.memory_space<vmem_shared>> -> memref<10240x128xf32, #tpu.memory_space<vmem_shared>>
        tpu.enqueue_indirect_dma source(%arg10 : memref<128x128xf32, #tpu.memory_space<vmem>>) target(%dma_start3A_102 : memref<10240x128xf32, #tpu.memory_space<vmem_shared>>) offsets(%arg8 : memref<128xi32, #tpu.memory_space<vmem>>) semaphore(%run_scoped3A : memref<!tpu.dma_semaphore, #tpu.memory_space<semaphore_mem>>) {add = true}
        %dma_wait3A_103 = arith.constant 0 : i32
        %dma_wait3A_104 = arith.constant 0 : i32
        %dma_wait3A_105 = tpu.memref_slice %arg12[%dma_wait3A_103, %dma_wait3A_104] : memref<10240x128xf32, #tpu.memory_space<vmem_shared>> -> memref<10240x128xf32, #tpu.memory_space<vmem_shared>>
        tpu.wait_indirect_dma semaphore(%run_scoped3A : memref<!tpu.dma_semaphore, #tpu.memory_space<semaphore_mem>>) src(%arg10 : memref<128x128xf32, #tpu.memory_space<vmem>>) dst(%dma_wait3A_105 : memref<10240x128xf32, #tpu.memory_space<vmem_shared>>)
        tpu.yield
      }) : () -> ()
      %jit3A_67 = arith.constant 2 : i32
      %div3A_68 = arith.divsi %select_n3A, %jit3A_67 : i32
      %sign3A_69 = arith.constant 0 : i32
      %sign3A_70 = arith.cmpi sgt, %select_n3A, %sign3A_69 : i32
      %sign3A_71 = arith.extui %sign3A_70 : i1 to i32
      %sign3A_72 = arith.constant 0 : i32
      %sign3A_73 = arith.cmpi slt, %select_n3A, %sign3A_72 : i32
      %sign3A_74 = arith.extui %sign3A_73 : i1 to i32
      %sign3A_75 = arith.subi %sign3A_71, %sign3A_74 : i32
      %sign3A_76 = arith.constant 0 : i32
      %sign3A_77 = arith.cmpi sgt, %jit3A_67, %sign3A_76 : i32
      %sign3A_78 = arith.extui %sign3A_77 : i1 to i32
      %sign3A_79 = arith.constant 0 : i32
      %sign3A_80 = arith.cmpi slt, %jit3A_67, %sign3A_79 : i32
      %sign3A_81 = arith.extui %sign3A_80 : i1 to i32
      %sign3A_82 = arith.subi %sign3A_78, %sign3A_81 : i32
      %ne3A_83 = arith.cmpi ne, %sign3A_75, %sign3A_82 : i32
      %rem3A_84 = arith.remsi %select_n3A, %jit3A_67 : i32
      %ne3A_85 = arith.constant 0 : i32
      %ne3A_86 = arith.cmpi ne, %rem3A_84, %ne3A_85 : i32
      %and3A_87 = arith.andi %ne3A_83, %ne3A_86 : i1
      %sub3A_88 = arith.constant 1 : i32
      %sub3A_89 = arith.subi %div3A_68, %sub3A_88 : i32
      %select_n3A_90 = arith.select %and3A_87, %sub3A_89, %div3A_68 : i32
      %sub3A_91 = arith.constant 1 : i32
      %sub3A_92 = arith.subi %select_n3A_90, %sub3A_91 : i32
      %lt3A = arith.cmpi slt, %while3A_47, %sub3A_92 : i32
      %convert_element_type3A_93 = arith.extui %lt3A : i1 to i32
      %cond3A_94 = arith.constant 0 : i32
      %cond3A_95 = arith.cmpi ne, %convert_element_type3A_93, %cond3A_94 : i32
      scf.if %cond3A_95 {
        %add3A_100 = arith.constant 2 : i32
        %add3A_101 = arith.addi %mul3A_50, %add3A_100 : i32
        %and3A_102 = arith.constant 31 : i32
        %and3A_103 = arith.andi %add3A_101, %and3A_102 : i32
        %eq3A_104 = arith.constant 0 : i32
        %eq3A_105 = arith.cmpi eq, %and3A_103, %eq3A_104 : i32
        %convert_element_type3A_106 = arith.extui %eq3A_105 : i1 to i32
        %cond3A_107 = arith.constant 0 : i32
        %cond3A_108 = arith.cmpi ne, %convert_element_type3A_106, %cond3A_107 : i32
        scf.if %cond3A_108 {
          %add3A_125 = arith.constant 2 : i32
          %add3A_126 = arith.addi %mul3A_50, %add3A_125 : i32
          %ge3A_127 = arith.constant 64 : i32
          %ge3A_128 = arith.cmpi sge, %add3A_126, %ge3A_127 : i32
          %convert_element_type3A_129 = arith.extui %ge3A_128 : i1 to i32
          %cond3A_130 = arith.constant 0 : i32
          %cond3A_131 = arith.cmpi ne, %convert_element_type3A_129, %cond3A_130 : i32
          scf.if %cond3A_131 {
            %dma_wait3A_138 = arith.constant 0 : i32
            %dma_wait3A_139 = tpu.memref_slice %arg5[%dma_wait3A_138] : memref<8192xi32, #tpu.memory_space<vmem>> -> memref<4096xi32, #tpu.memory_space<vmem>>
            %dma_wait3A_140 = arith.constant 0 : i32
            %dma_wait3A_141 = tpu.memref_slice %arg2[%dma_wait3A_140] : memref<335872xi32, #tpu.memory_space<hbm>> -> memref<4096xi32, #tpu.memory_space<hbm>>
            %dma_wait3A_142 = arith.constant 0 : i32
            %dma_wait3A_143 = tpu.memref_slice %arg5[%dma_wait3A_142] : memref<8192xi32, #tpu.memory_space<vmem>> -> memref<4096xi32, #tpu.memory_space<vmem>>
            %dma_wait3A_144 = arith.constant 0 : i32
            %dma_wait3A_145 = tpu.memref_slice %arg2[%dma_wait3A_144] : memref<335872xi32, #tpu.memory_space<hbm>> -> memref<4096xi32, #tpu.memory_space<hbm>>
            tpu.wait_dma2 semaphore(%arg15 : memref<!tpu.dma_semaphore, #tpu.memory_space<semaphore_mem>>) src(%dma_wait3A_145 : memref<4096xi32, #tpu.memory_space<hbm>>) dst(%dma_wait3A_143 : memref<4096xi32, #tpu.memory_space<vmem>>)
          } else {
          }
          %add3A_132 = arith.constant 32 : i32
          %add3A_133 = arith.addi %add3A_126, %add3A_132 : i32
          %lt3A_134 = arith.cmpi slt, %add3A_133, %select_n3A : i32
          %convert_element_type3A_135 = arith.extui %lt3A_134 : i1 to i32
          %cond3A_136 = arith.constant 0 : i32
          %cond3A_137 = arith.cmpi ne, %convert_element_type3A_135, %cond3A_136 : i32
          scf.if %cond3A_137 {
            %jit3A_138 = arith.constant 32 : i32
            %div3A_139 = arith.divsi %add3A_126, %jit3A_138 : i32
            %sign3A_140 = arith.constant 0 : i32
            %sign3A_141 = arith.cmpi sgt, %add3A_126, %sign3A_140 : i32
            %sign3A_142 = arith.extui %sign3A_141 : i1 to i32
            %sign3A_143 = arith.constant 0 : i32
            %sign3A_144 = arith.cmpi slt, %add3A_126, %sign3A_143 : i32
            %sign3A_145 = arith.extui %sign3A_144 : i1 to i32
            %sign3A_146 = arith.subi %sign3A_142, %sign3A_145 : i32
            %sign3A_147 = arith.constant 0 : i32
            %sign3A_148 = arith.cmpi sgt, %jit3A_138, %sign3A_147 : i32
            %sign3A_149 = arith.extui %sign3A_148 : i1 to i32
            %sign3A_150 = arith.constant 0 : i32
            %sign3A_151 = arith.cmpi slt, %jit3A_138, %sign3A_150 : i32
            %sign3A_152 = arith.extui %sign3A_151 : i1 to i32
            %sign3A_153 = arith.subi %sign3A_149, %sign3A_152 : i32
            %ne3A_154 = arith.cmpi ne, %sign3A_146, %sign3A_153 : i32
            %rem3A_155 = arith.remsi %add3A_126, %jit3A_138 : i32
            %ne3A_156 = arith.constant 0 : i32
            %ne3A_157 = arith.cmpi ne, %rem3A_155, %ne3A_156 : i32
            %and3A_158 = arith.andi %ne3A_154, %ne3A_157 : i1
            %sub3A_159 = arith.constant 1 : i32
            %sub3A_160 = arith.subi %div3A_139, %sub3A_159 : i32
            %select_n3A_161 = arith.select %and3A_158, %sub3A_160, %div3A_139 : i32
            %add3A_162 = arith.constant 1 : i32
            %add3A_163 = arith.addi %select_n3A_161, %add3A_162 : i32
            %mul3A_164 = arith.constant 32 : i32
            %mul3A_165 = arith.muli %add3A_163, %mul3A_164 : i32
            %add3A_166 = arith.addi %select_n3A_8, %mul3A_165 : i32
            %mul3A_167 = arith.constant 128 : i32
            %mul3A_168 = arith.muli %add3A_166, %mul3A_167 : i32
            %jit3A_169 = arith.constant 2 : i32
            %eq3A_170 = arith.constant 0 : i32
            %eq3A_171 = arith.cmpi eq, %jit3A_169, %eq3A_170 : i32
            %jit3A_172 = arith.constant 1 : i32
            %select_n3A_173 = arith.select %eq3A_171, %jit3A_172, %jit3A_169 : i32
            %rem3A_174 = arith.remsi %add3A_163, %select_n3A_173 : i32
            %ne3A_175 = arith.constant 0 : i32
            %ne3A_176 = arith.cmpi ne, %rem3A_174, %ne3A_175 : i32
            %lt3A_177 = arith.constant 0 : i32
            %lt3A_178 = arith.cmpi slt, %rem3A_174, %lt3A_177 : i32
            %lt3A_179 = arith.constant 0 : i32
            %lt3A_180 = arith.cmpi slt, %select_n3A_173, %lt3A_179 : i32
            %ne3A_181 = arith.xori %lt3A_178, %lt3A_180 : i1
            %and3A_182 = arith.andi %ne3A_181, %ne3A_176 : i1
            %add3A_183 = arith.addi %rem3A_174, %select_n3A_173 : i32
            %select_n3A_184 = arith.select %and3A_182, %add3A_183, %rem3A_174 : i32
            %mul3A_185 = arith.constant 32 : i32
            %mul3A_186 = arith.muli %select_n3A_184, %mul3A_185 : i32
            %mul3A_187 = arith.constant 128 : i32
            %mul3A_188 = arith.muli %mul3A_186, %mul3A_187 : i32
            %dma_start3A_189 = tpu.memref_slice %arg5[%mul3A_188] : memref<8192xi32, #tpu.memory_space<vmem>> -> memref<4096xi32, #tpu.memory_space<vmem>>
            %dma_start3A_190 = tpu.memref_slice %arg2[%mul3A_168] : memref<335872xi32, #tpu.memory_space<hbm>> -> memref<4096xi32, #tpu.memory_space<hbm>>
            %dma_start3A_191 = tpu.memref_slice %arg5[%mul3A_188] : memref<8192xi32, #tpu.memory_space<vmem>> -> memref<4096xi32, #tpu.memory_space<vmem>>
            %dma_start3A_192 = tpu.memref_slice %arg2[%mul3A_168] : memref<335872xi32, #tpu.memory_space<hbm>> -> memref<4096xi32, #tpu.memory_space<hbm>>
            tpu.enqueue_dma source(%dma_start3A_192 : memref<4096xi32, #tpu.memory_space<hbm>>) target(%dma_start3A_191 : memref<4096xi32, #tpu.memory_space<vmem>>) target_semaphore(%arg15 : memref<!tpu.dma_semaphore, #tpu.memory_space<semaphore_mem>>)
          } else {
          }
        } else {
        }
        %add3A_109 = arith.constant 2 : i32
        %add3A_110 = arith.addi %mul3A_50, %add3A_109 : i32
        %and3A_111 = arith.constant 63 : i32
        %and3A_112 = arith.andi %add3A_110, %and3A_111 : i32
        %mul3A_113 = arith.constant 128 : i32
        %mul3A_114 = arith.muli %and3A_112, %mul3A_113 : i32
        %scan3A_115 = arith.constant 0 : i32
        %scan3A_116 = arith.constant 0 : i32
        %scan3A_117 = arith.constant 8 : i32
        %scan3A_118 = arith.addi %scan3A_116, %scan3A_117 : i32
        %scan3A_119 = arith.constant 1 : i32
        %scan3A_120 = scf.for %scan3A_125 = %scan3A_116 to %scan3A_118 step %scan3A_119 iter_args(%scan3A_126 = %scan3A_115) -> (i32)  : i32 {
          %mul3A_127 = arith.constant 16 : i32
          %mul3A_128 = arith.muli %scan3A_125, %mul3A_127 : i32
          %add3A_129 = arith.addi %mul3A_114, %mul3A_128 : i32
          %get3A = arith.index_cast %add3A_129 : i32 to index
          %get3A_130 = tpu.vector_load %arg5[%get3A] {strides = array<i32>} : memref<8192xi32, #tpu.memory_space<vmem>>, vector<16xi32>,
          %get3A_131 = vector.shape_cast %get3A_130 : vector<16xi32> to vector<16xi32>
          %and3A_132 = arith.constant 65535 : i32
          %and3A_133 = vector.broadcast %and3A_132 : i32 to vector<16xi32>
          %and3A_134 = arith.andi %get3A_131, %and3A_133 : vector<16xi32>
          %mul3A_135 = arith.constant 16 : i32
          %mul3A_136 = arith.muli %scan3A_125, %mul3A_135 : i32
          %swap3A = arith.index_cast %mul3A_136 : i32 to index
          %swap3A_137 = tpu.vector_load %arg6[%swap3A] {strides = array<i32>} : memref<128xi32, #tpu.memory_space<vmem>>, vector<16xi32>,
          %swap3A_138 = vector.shape_cast %swap3A_137 : vector<16xi32> to vector<16xi32>
          %swap3A_139 = vector.shape_cast %and3A_134 : vector<16xi32> to vector<16xi32>
          tpu.vector_store %arg6[%swap3A], %swap3A_139 {strides = array<i32>} : memref<128xi32, #tpu.memory_space<vmem>>, vector<16xi32>,
          %shift_right_arithmetic3A = arith.constant 16 : i32
          %shift_right_arithmetic3A_140 = vector.broadcast %shift_right_arithmetic3A : i32 to vector<16xi32>
          %shift_right_arithmetic3A_141 = arith.shrsi %get3A_131, %shift_right_arithmetic3A_140 : vector<16xi32>
          %mul3A_142 = arith.constant 16 : i32
          %mul3A_143 = arith.muli %scan3A_125, %mul3A_142 : i32
          %swap3A_144 = arith.index_cast %mul3A_143 : i32 to index
          %swap3A_145 = tpu.vector_load %arg8[%swap3A_144] {strides = array<i32>} : memref<128xi32, #tpu.memory_space<vmem>>, vector<16xi32>,
          %swap3A_146 = vector.shape_cast %swap3A_145 : vector<16xi32> to vector<16xi32>
          %swap3A_147 = vector.shape_cast %shift_right_arithmetic3A_141 : vector<16xi32> to vector<16xi32>
          tpu.vector_store %arg8[%swap3A_144], %swap3A_147 {strides = array<i32>} : memref<128xi32, #tpu.memory_space<vmem>>, vector<16xi32>,
          %scan3A_148 = arith.constant 0 : i32
          scf.yield %scan3A_148 : i32
        }
        %scan3A_121 = arith.constant 8 : i32
        %dma_start3A_122 = arith.constant 0 : i32
        %dma_start3A_123 = arith.constant 0 : i32
        %dma_start3A_124 = tpu.memref_slice %arg3[%dma_start3A_122, %dma_start3A_123] : memref<10240x128xf32, #tpu.memory_space<hbm>> -> memref<10240x128xf32, #tpu.memory_space<hbm>>
        tpu.enqueue_indirect_dma source(%dma_start3A_124 : memref<10240x128xf32, #tpu.memory_space<hbm>>) target(%arg10 : memref<128x128xf32, #tpu.memory_space<vmem>>) offsets(%arg6 : memref<128xi32, #tpu.memory_space<vmem>>) semaphore(%arg13 : memref<!tpu.dma_semaphore, #tpu.memory_space<semaphore_mem>>)
      } else {
      }
      %dma_wait3A_96 = arith.constant 0 : i32
      %dma_wait3A_97 = arith.constant 0 : i32
      %dma_wait3A_98 = tpu.memref_slice %arg3[%dma_wait3A_96, %dma_wait3A_97] : memref<10240x128xf32, #tpu.memory_space<hbm>> -> memref<10240x128xf32, #tpu.memory_space<hbm>>
      tpu.wait_indirect_dma semaphore(%arg14 : memref<!tpu.dma_semaphore, #tpu.memory_space<semaphore_mem>>) src(%dma_wait3A_98 : memref<10240x128xf32, #tpu.memory_space<hbm>>) dst(%arg11 : memref<128x128xf32, #tpu.memory_space<vmem>>)
      "tpu.region"() ({
        %run_scoped3A = tpu.sem_alloc : memref<!tpu.dma_semaphore, #tpu.memory_space<semaphore_mem>>
        %dma_start3A_100 = arith.constant 0 : i32
        %dma_start3A_101 = arith.constant 0 : i32
        %dma_start3A_102 = tpu.memref_slice %arg12[%dma_start3A_100, %dma_start3A_101] : memref<10240x128xf32, #tpu.memory_space<vmem_shared>> -> memref<10240x128xf32, #tpu.memory_space<vmem_shared>>
        tpu.enqueue_indirect_dma source(%arg11 : memref<128x128xf32, #tpu.memory_space<vmem>>) target(%dma_start3A_102 : memref<10240x128xf32, #tpu.memory_space<vmem_shared>>) offsets(%arg9 : memref<128xi32, #tpu.memory_space<vmem>>) semaphore(%run_scoped3A : memref<!tpu.dma_semaphore, #tpu.memory_space<semaphore_mem>>) {add = true}
        %dma_wait3A_103 = arith.constant 0 : i32
        %dma_wait3A_104 = arith.constant 0 : i32
        %dma_wait3A_105 = tpu.memref_slice %arg12[%dma_wait3A_103, %dma_wait3A_104] : memref<10240x128xf32, #tpu.memory_space<vmem_shared>> -> memref<10240x128xf32, #tpu.memory_space<vmem_shared>>
        tpu.wait_indirect_dma semaphore(%run_scoped3A : memref<!tpu.dma_semaphore, #tpu.memory_space<semaphore_mem>>) src(%arg11 : memref<128x128xf32, #tpu.memory_space<vmem>>) dst(%dma_wait3A_105 : memref<10240x128xf32, #tpu.memory_space<vmem_shared>>)
        tpu.yield
      }) : () -> ()
      %while3A_99 = arith.constant 0 : i32
      scf.yield %while3A_99 : i32
    }
    %barrier3A_46 = arith.constant 0 : index
    tpu.barrier barrier_id(%barrier3A_46)
    "tpu.region"() ({
      %run_scoped3A = tpu.sem_alloc : memref<!tpu.dma_semaphore, #tpu.memory_space<semaphore_mem>>
      %dma_start3A = arith.constant 0 : i32
      %dma_start3A_47 = tpu.memref_slice %arg4[%arg0, %mul3A_10, %dma_start3A] : memref<2x10240x128xf32, #tpu.memory_space<hbm>> -> memref<1x640x128xf32, #tpu.memory_space<hbm>>
      %dma_start3A_48 = tpu.memref_squeeze %dma_start3A_47 : memref<1x640x128xf32, #tpu.memory_space<hbm>> -> memref<640x128xf32, #tpu.memory_space<hbm>>
      %dma_start3A_49 = arith.constant 0 : i32
      %dma_start3A_50 = tpu.memref_slice %arg12[%mul3A_10, %dma_start3A_49] : memref<10240x128xf32, #tpu.memory_space<vmem_shared>> -> memref<640x128xf32, #tpu.memory_space<vmem_shared>>
      tpu.enqueue_dma source(%dma_start3A_50 : memref<640x128xf32, #tpu.memory_space<vmem_shared>>) target(%dma_start3A_48 : memref<640x128xf32, #tpu.memory_space<hbm>>) target_semaphore(%run_scoped3A : memref<!tpu.dma_semaphore, #tpu.memory_space<semaphore_mem>>)
      %dma_wait3A = arith.constant 0 : i32
      %dma_wait3A_51 = tpu.memref_slice %arg4[%arg0, %mul3A_10, %dma_wait3A] : memref<2x10240x128xf32, #tpu.memory_space<hbm>> -> memref<1x640x128xf32, #tpu.memory_space<hbm>>
      %dma_wait3A_52 = tpu.memref_squeeze %dma_wait3A_51 : memref<1x640x128xf32, #tpu.memory_space<hbm>> -> memref<640x128xf32, #tpu.memory_space<hbm>>
      %dma_wait3A_53 = arith.constant 0 : i32
      %dma_wait3A_54 = tpu.memref_slice %arg12[%mul3A_10, %dma_wait3A_53] : memref<10240x128xf32, #tpu.memory_space<vmem_shared>> -> memref<640x128xf32, #tpu.memory_space<vmem_shared>>
      tpu.wait_dma2 semaphore(%run_scoped3A : memref<!tpu.dma_semaphore, #tpu.memory_space<semaphore_mem>>) src(%dma_wait3A_54 : memref<640x128xf32, #tpu.memory_space<vmem_shared>>) dst(%dma_wait3A_52 : memref<640x128xf32, #tpu.memory_space<hbm>>)
      tpu.yield
    }) : () -> ()
    return
  }
}

module attributes {stable_mosaic.version = 14 : i64} {
  func.func @_tc1_body(%arg0: i32, %arg1: memref<1024x128xf32, #tpu.memory_space<vmem>>, %arg2: memref<128x128xf32, #tpu.memory_space<vmem>>, %arg3: memref<1024x2xf32, #tpu.memory_space<vmem>>, %arg4: memref<1024x128xf32, #tpu.memory_space<vmem>>, %arg5: memref<1024x1xf32, #tpu.memory_space<vmem>>) attributes {dimension_semantics = [#tpu.dimension_semantics<arbitrary>], iteration_bounds = array<i64: 10>, scalar_prefetch = 0 : i64, scratch_operands = 0 : i64, tpu.core_type = #tpu.core_type<tc>, window_params = [{transform_indices = @transform_0, window_bounds = array<i64: 1024, 128>}, {pipeline_mode = #tpu.pipeline_mode<synchronous>, transform_indices = @transform_1, window_bounds = array<i64: 128, 128>}, {transform_indices = @transform_2, window_bounds = array<i64: 1024, 2>}, {transform_indices = @transform_3, window_bounds = array<i64: 1024, 128>}, {transform_indices = @transform_4, window_bounds = array<i64: 1024, 1>}]} {
    %get3A = arith.constant 0 : index
    %get3A_0 = arith.constant 0 : index
    %get3A_1 = vector.load %arg3[%get3A, %get3A_0] : memref<1024x2xf32, #tpu.memory_space<vmem>>, vector<1024x1xf32>
    %get3A_2 = arith.constant 0 : index
    %get3A_3 = arith.constant 1 : index
    %get3A_4 = vector.load %arg3[%get3A_2, %get3A_3] : memref<1024x2xf32, #tpu.memory_space<vmem>>, vector<1024x1xf32>
    %add3A = arith.addf %get3A_1, %get3A_4 : vector<1024x1xf32>
    %add3A_5 = arith.constant 1.000000e+00 : f32
    %add3A_6 = vector.broadcast %add3A_5 : f32 to vector<1024x1xf32>
    %add3A_7 = arith.addf %add3A, %add3A_6 : vector<1024x1xf32>
    %rsqrt3A = math.rsqrt %add3A_7 : vector<1024x1xf32>
    %get3A_8 = arith.constant 0 : index
    %get3A_9 = arith.constant 0 : index
    %get3A_10 = vector.load %arg1[%get3A_8, %get3A_9] : memref<1024x128xf32, #tpu.memory_space<vmem>>, vector<1024x128xf32>
    %get3A_11 = arith.constant 0 : index
    %get3A_12 = arith.constant 0 : index
    %get3A_13 = vector.load %arg2[%get3A_11, %get3A_12] : memref<128x128xf32, #tpu.memory_space<vmem>>, vector<128x128xf32>
    %dot_general3A = arith.constant dense<0.000000e+00> : vector<1024x128xf32>
    %dot_general3A_14 = tpu.matmul %get3A_10, %get3A_13, %dot_general3A {dimension_numbers = #tpu.dot_dimension_numbers<[1], [0], [0], [1], [0, 0, 1, 1], [], []>, transpose_lhs_hint = false} : vector<1024x128xf32>, vector<128x128xf32>, vector<1024x128xf32> -> vector<1024x128xf32>
    %mul3A = vector.broadcast %rsqrt3A : vector<1024x1xf32> to vector<1024x128xf32>
    %mul3A_15 = arith.mulf %dot_general3A_14, %mul3A : vector<1024x128xf32>
    %swap3A = arith.constant 0 : index
    %swap3A_16 = arith.constant 0 : index
    %swap3A_17 = vector.load %arg4[%swap3A, %swap3A_16] : memref<1024x128xf32, #tpu.memory_space<vmem>>, vector<1024x128xf32>
    tpu.vector_store %arg4[%swap3A, %swap3A_16], %mul3A_15 {strides = array<i32>} : memref<1024x128xf32, #tpu.memory_space<vmem>>, vector<1024x128xf32>,
    %swap3A_18 = arith.constant 0 : index
    %swap3A_19 = arith.constant 0 : index
    %swap3A_20 = vector.load %arg5[%swap3A_18, %swap3A_19] : memref<1024x1xf32, #tpu.memory_space<vmem>>, vector<1024x1xf32>
    tpu.vector_store %arg5[%swap3A_18, %swap3A_19], %rsqrt3A {strides = array<i32>} : memref<1024x1xf32, #tpu.memory_space<vmem>>, vector<1024x1xf32>,
    return
  }
  func.func @transform_0(%arg0: i32) -> (i32, i32) {
    %c0_i32 = arith.constant 0 : i32
    %c0_i32_0 = arith.constant 0 : i32
    return %arg0, %c0_i32 : i32, i32
  }
  func.func @transform_1(%arg0: i32) -> (i32, i32) {
    %c0_i32 = arith.constant 0 : i32
    %c0_i32_0 = arith.constant 0 : i32
    %c0_i32_1 = arith.constant 0 : i32
    return %c0_i32, %c0_i32_0 : i32, i32
  }
  func.func @transform_2(%arg0: i32) -> (i32, i32) {
    %c0_i32 = arith.constant 0 : i32
    %c0_i32_0 = arith.constant 0 : i32
    return %arg0, %c0_i32 : i32, i32
  }
  func.func @transform_3(%arg0: i32) -> (i32, i32) {
    %c0_i32 = arith.constant 0 : i32
    %c0_i32_0 = arith.constant 0 : i32
    return %arg0, %c0_i32 : i32, i32
  }
  func.func @transform_4(%arg0: i32) -> (i32, i32) {
    %c0_i32 = arith.constant 0 : i32
    %c0_i32_0 = arith.constant 0 : i32
    return %arg0, %c0_i32 : i32, i32
  }
}

module attributes {stable_mosaic.version = 14 : i64} {
  func.func @_tc2_body(%arg0: i32, %arg1: memref<2x1024x128xf32, #tpu.memory_space<vmem>>, %arg2: memref<1024x128xf32, #tpu.memory_space<vmem>>, %arg3: memref<1024x1xf32, #tpu.memory_space<vmem>>, %arg4: memref<128x48xf32, #tpu.memory_space<vmem>>, %arg5: memref<1x128xf32, #tpu.memory_space<vmem>>, %arg6: memref<1024x48xf32, #tpu.memory_space<vmem>>) attributes {dimension_semantics = [#tpu.dimension_semantics<arbitrary>], iteration_bounds = array<i64: 10>, scalar_prefetch = 0 : i64, scratch_operands = 0 : i64, tpu.core_type = #tpu.core_type<tc>, window_params = [{transform_indices = @transform_0, window_bounds = array<i64: 2, 1024, 128>}, {transform_indices = @transform_1, window_bounds = array<i64: 1024, 128>}, {transform_indices = @transform_2, window_bounds = array<i64: 1024, 1>}, {pipeline_mode = #tpu.pipeline_mode<synchronous>, transform_indices = @transform_3, window_bounds = array<i64: 128, 48>}, {pipeline_mode = #tpu.pipeline_mode<synchronous>, transform_indices = @transform_4, window_bounds = array<i64: 1, 128>}, {transform_indices = @transform_5, window_bounds = array<i64: 1024, 48>}]} {
    %get3A = arith.constant 0 : index
    %get3A_0 = arith.constant 0 : index
    %get3A_1 = vector.load %arg3[%get3A, %get3A_0] : memref<1024x1xf32, #tpu.memory_space<vmem>>, vector<1024x1xf32>
    %get3A_2 = arith.constant 0 : index
    %get3A_3 = arith.constant 0 : index
    %get3A_4 = arith.constant 0 : index
    %get3A_5 = vector.load %arg1[%get3A_2, %get3A_3, %get3A_4] : memref<2x1024x128xf32, #tpu.memory_space<vmem>>, vector<1x1024x128xf32>
    %get3A_6 = vector.shape_cast %get3A_5 : vector<1x1024x128xf32> to vector<1024x128xf32>
    %get3A_7 = arith.constant 1 : index
    %get3A_8 = arith.constant 0 : index
    %get3A_9 = arith.constant 0 : index
    %get3A_10 = vector.load %arg1[%get3A_7, %get3A_8, %get3A_9] : memref<2x1024x128xf32, #tpu.memory_space<vmem>>, vector<1x1024x128xf32>
    %get3A_11 = vector.shape_cast %get3A_10 : vector<1x1024x128xf32> to vector<1024x128xf32>
    %add3A = arith.addf %get3A_6, %get3A_11 : vector<1024x128xf32>
    %get3A_12 = arith.constant 0 : index
    %get3A_13 = arith.constant 0 : index
    %get3A_14 = vector.load %arg2[%get3A_12, %get3A_13] : memref<1024x128xf32, #tpu.memory_space<vmem>>, vector<1024x128xf32>
    %add3A_15 = arith.addf %add3A, %get3A_14 : vector<1024x128xf32>
    %mul3A = vector.broadcast %get3A_1 : vector<1024x1xf32> to vector<1024x128xf32>
    %mul3A_16 = arith.mulf %add3A_15, %mul3A : vector<1024x128xf32>
    %get3A_17 = arith.constant 0 : index
    %get3A_18 = arith.constant 0 : index
    %get3A_19 = vector.load %arg5[%get3A_17, %get3A_18] : memref<1x128xf32, #tpu.memory_space<vmem>>, vector<1x128xf32>
    %add3A_20 = vector.broadcast %get3A_19 : vector<1x128xf32> to vector<1024x128xf32>
    %add3A_21 = arith.addf %mul3A_16, %add3A_20 : vector<1024x128xf32>
    %max3A = arith.constant 0.000000e+00 : f32
    %max3A_22 = vector.broadcast %max3A : f32 to vector<1024x128xf32>
    %max3A_23 = arith.maximumf %add3A_21, %max3A_22 : vector<1024x128xf32>
    %get3A_24 = arith.constant 0 : index
    %get3A_25 = arith.constant 0 : index
    %get3A_26 = vector.load %arg4[%get3A_24, %get3A_25] : memref<128x48xf32, #tpu.memory_space<vmem>>, vector<128x48xf32>
    %dot_general3A = arith.constant dense<0.000000e+00> : vector<1024x48xf32>
    %dot_general3A_27 = tpu.matmul %max3A_23, %get3A_26, %dot_general3A {dimension_numbers = #tpu.dot_dimension_numbers<[1], [0], [0], [1], [0, 0, 1, 1], [], []>, transpose_lhs_hint = false} : vector<1024x128xf32>, vector<128x48xf32>, vector<1024x48xf32> -> vector<1024x48xf32>
    %mul3A_28 = vector.broadcast %get3A_1 : vector<1024x1xf32> to vector<1024x48xf32>
    %mul3A_29 = arith.mulf %dot_general3A_27, %mul3A_28 : vector<1024x48xf32>
    %swap3A = arith.constant 0 : index
    %swap3A_30 = arith.constant 0 : index
    %swap3A_31 = vector.load %arg6[%swap3A, %swap3A_30] : memref<1024x48xf32, #tpu.memory_space<vmem>>, vector<1024x48xf32>
    tpu.vector_store %arg6[%swap3A, %swap3A_30], %mul3A_29 {strides = array<i32>} : memref<1024x48xf32, #tpu.memory_space<vmem>>, vector<1024x48xf32>,
    return
  }
  func.func @transform_0(%arg0: i32) -> (i32, i32, i32) {
    %c0_i32 = arith.constant 0 : i32
    %c0_i32_0 = arith.constant 0 : i32
    %c0_i32_1 = arith.constant 0 : i32
    return %c0_i32, %arg0, %c0_i32_0 : i32, i32, i32
  }
  func.func @transform_1(%arg0: i32) -> (i32, i32) {
    %c0_i32 = arith.constant 0 : i32
    %c0_i32_0 = arith.constant 0 : i32
    return %arg0, %c0_i32 : i32, i32
  }
  func.func @transform_2(%arg0: i32) -> (i32, i32) {
    %c0_i32 = arith.constant 0 : i32
    %c0_i32_0 = arith.constant 0 : i32
    return %arg0, %c0_i32 : i32, i32
  }
  func.func @transform_3(%arg0: i32) -> (i32, i32) {
    %c0_i32 = arith.constant 0 : i32
    %c0_i32_0 = arith.constant 0 : i32
    %c0_i32_1 = arith.constant 0 : i32
    return %c0_i32, %c0_i32_0 : i32, i32
  }
  func.func @transform_4(%arg0: i32) -> (i32, i32) {
    %c0_i32 = arith.constant 0 : i32
    %c0_i32_0 = arith.constant 0 : i32
    %c0_i32_1 = arith.constant 0 : i32
    return %c0_i32, %c0_i32_0 : i32, i32
  }
  func.func @transform_5(%arg0: i32) -> (i32, i32) {
    %c0_i32 = arith.constant 0 : i32
    %c0_i32_0 = arith.constant 0 : i32
    return %arg0, %c0_i32 : i32, i32
  }
}

module attributes {stable_mosaic.version = 14 : i64} {
  func.func @_tc3_body(%arg0: i32, %arg1: memref<2x1024x48xf32, #tpu.memory_space<vmem>>, %arg2: memref<1024x48xf32, #tpu.memory_space<vmem>>, %arg3: memref<1024x1xf32, #tpu.memory_space<vmem>>, %arg4: memref<1x48xf32, #tpu.memory_space<vmem>>, %arg5: memref<1024x48xf32, #tpu.memory_space<vmem>>) attributes {dimension_semantics = [#tpu.dimension_semantics<arbitrary>], iteration_bounds = array<i64: 10>, scalar_prefetch = 0 : i64, scratch_operands = 0 : i64, tpu.core_type = #tpu.core_type<tc>, window_params = [{transform_indices = @transform_0, window_bounds = array<i64: 2, 1024, 48>}, {transform_indices = @transform_1, window_bounds = array<i64: 1024, 48>}, {transform_indices = @transform_2, window_bounds = array<i64: 1024, 1>}, {pipeline_mode = #tpu.pipeline_mode<synchronous>, transform_indices = @transform_3, window_bounds = array<i64: 1, 48>}, {transform_indices = @transform_4, window_bounds = array<i64: 1024, 48>}]} {
    %get3A = arith.constant 0 : index
    %get3A_0 = arith.constant 0 : index
    %get3A_1 = arith.constant 0 : index
    %get3A_2 = vector.load %arg1[%get3A, %get3A_0, %get3A_1] : memref<2x1024x48xf32, #tpu.memory_space<vmem>>, vector<1x1024x48xf32>
    %get3A_3 = vector.shape_cast %get3A_2 : vector<1x1024x48xf32> to vector<1024x48xf32>
    %get3A_4 = arith.constant 1 : index
    %get3A_5 = arith.constant 0 : index
    %get3A_6 = arith.constant 0 : index
    %get3A_7 = vector.load %arg1[%get3A_4, %get3A_5, %get3A_6] : memref<2x1024x48xf32, #tpu.memory_space<vmem>>, vector<1x1024x48xf32>
    %get3A_8 = vector.shape_cast %get3A_7 : vector<1x1024x48xf32> to vector<1024x48xf32>
    %add3A = arith.addf %get3A_3, %get3A_8 : vector<1024x48xf32>
    %get3A_9 = arith.constant 0 : index
    %get3A_10 = arith.constant 0 : index
    %get3A_11 = vector.load %arg2[%get3A_9, %get3A_10] : memref<1024x48xf32, #tpu.memory_space<vmem>>, vector<1024x48xf32>
    %add3A_12 = arith.addf %add3A, %get3A_11 : vector<1024x48xf32>
    %get3A_13 = arith.constant 0 : index
    %get3A_14 = arith.constant 0 : index
    %get3A_15 = vector.load %arg3[%get3A_13, %get3A_14] : memref<1024x1xf32, #tpu.memory_space<vmem>>, vector<1024x1xf32>
    %mul3A = vector.broadcast %get3A_15 : vector<1024x1xf32> to vector<1024x48xf32>
    %mul3A_16 = arith.mulf %add3A_12, %mul3A : vector<1024x48xf32>
    %get3A_17 = arith.constant 0 : index
    %get3A_18 = arith.constant 0 : index
    %get3A_19 = vector.load %arg4[%get3A_17, %get3A_18] : memref<1x48xf32, #tpu.memory_space<vmem>>, vector<1x48xf32>
    %add3A_20 = vector.broadcast %get3A_19 : vector<1x48xf32> to vector<1024x48xf32>
    %add3A_21 = arith.addf %mul3A_16, %add3A_20 : vector<1024x48xf32>
    %swap3A = arith.constant 0 : index
    %swap3A_22 = arith.constant 0 : index
    %swap3A_23 = vector.load %arg5[%swap3A, %swap3A_22] : memref<1024x48xf32, #tpu.memory_space<vmem>>, vector<1024x48xf32>
    tpu.vector_store %arg5[%swap3A, %swap3A_22], %add3A_21 {strides = array<i32>} : memref<1024x48xf32, #tpu.memory_space<vmem>>, vector<1024x48xf32>,
    return
  }
  func.func @transform_0(%arg0: i32) -> (i32, i32, i32) {
    %c0_i32 = arith.constant 0 : i32
    %c0_i32_0 = arith.constant 0 : i32
    %c0_i32_1 = arith.constant 0 : i32
    return %c0_i32, %arg0, %c0_i32_0 : i32, i32, i32
  }
  func.func @transform_1(%arg0: i32) -> (i32, i32) {
    %c0_i32 = arith.constant 0 : i32
    %c0_i32_0 = arith.constant 0 : i32
    return %arg0, %c0_i32 : i32, i32
  }
  func.func @transform_2(%arg0: i32) -> (i32, i32) {
    %c0_i32 = arith.constant 0 : i32
    %c0_i32_0 = arith.constant 0 : i32
    return %arg0, %c0_i32 : i32, i32
  }
  func.func @transform_3(%arg0: i32) -> (i32, i32) {
    %c0_i32 = arith.constant 0 : i32
    %c0_i32_0 = arith.constant 0 : i32
    %c0_i32_1 = arith.constant 0 : i32
    return %c0_i32, %c0_i32_0 : i32, i32
  }
  func.func @transform_4(%arg0: i32) -> (i32, i32) {
    %c0_i32 = arith.constant 0 : i32
    %c0_i32_0 = arith.constant 0 : i32
    return %arg0, %c0_i32 : i32, i32
  }
}

</mosaic_0001>

<sc_bundles>
// kernel: kernel.11.cloned.1.call-start
scs
__scs_entry_jumppad:
0x0: {  	(pc) =	sbr.rel $0x88, $3  }
0x1: {  	(tag) =	ssettag $0x0;
	lr =	simm.s32 $0x1  }
0x2: {  	[smem:$0x3F9B] =	sst lr;
	_ =	strace $0xD0000000  }
0x3: {  	_ = 	snop  }
0x4: {  	_ = 	snop  }
0x5: {  	_ = 	snop  }
0x6: {  	_ = 	snop  }
0x7: {  	_ = 	snop  }
__scs_overlays_trampoline_lowered:
0x8: {  	[smem:$0x3FAA] =	sst s0  }
0x9: {  	[smem:$0x3FAB] =	sst s1  }
0xa: {  	[smem:$0x3FAC] =	sst s2  }
0xb: {  	[smem:$0x3FAD] =	sst s3  }
0xc: {  	[smem:$0x3FAE] =	sst s4  }
0xd: {  	[smem:$0x3FAF] =	sst s5  }
0xe: {  	[smem:$0x3FB0] =	sst s6  }
0xf: {  	[smem:$0x3FB1] =	sst s7  }
0x10: {  	[smem:$0x3FB2] =	sst s8  }
0x11: {  	[smem:$0x3FB3] =	sst s9;
	s0 =	simm.s32 @!p0 $0x0  }
0x12: {  	s1 =	sld [smem:$0x3F99];
	s0 =	simm.s32 @p0 $0x1  }
0x13: {  	[smem:$0x3FB4] =	sst s0;
	s0 =	simm.s32 @!p1 $0x0  }
0x14: {  	s2 =	sld [smem:$0x3F98];
	s0 =	simm.s32 @p1 $0x1  }
0x15: {  	[smem:$0x3FB5] =	sst s0;
	s0 =	simm.s32 @!p2 $0x0  }
0x16: {  	s3 =	sld [smem:$0x3FDB];
	s0 =	simm.s32 @p2 $0x1  }
0x17: {  	s4 =	simm.s32 $0x1BF5;
	[smem:$0x3FB7] =	sst s0  }
0x18: {  	s0 =	sld [smem:$0x3F9A];
	_ =	swait.ge [sflag:s4], $0x0  }
0x19: {  	s7 =	sld [smem:$0x3F9B]  }
0x1a: {  	s8 =	sadd.s32 $0xFFFFE003, lr  }
0x1b: {  	s9 =	sadd.s32 $0xFFFFFEF7, lr;
	s5 =	simm.s32 $0xFFFFFFFF;
	p2 =	slt.u32 s8, $0xFFFFF086  }
0x1c: {  	p1 =	slt.u32 s9, $0xF7A;
	s5 =	simm.s32 @!p2 $0x0  }
0x1d: {  	s5 =	simm.s32 @p1 $0x1;
	p0 =	seq.s32 s7, s2  }
0x1e: {  	s7 =	smul.u32 @!p0 $0xF7A, s2;
	p2 =	seq.s32 @!p0 s5, $0x0  }
0x1f: {  	s9 =	smul.u32 $0xF7A, s1;
	s8 =	simm.s32 @!p0 $0x1BF5;
	p2 =	por !p2, p0  }
0x20: {  	[sflag:s8] =	ssyncset.s32 @!p0 $0xFFFFF086;
	s6 =	sadd.s32 @!p0 s3, s7;
	s7 =	simm.s32 @!p0 $0x108  }
0x21: {  	s3 =	sadd.s32 s3, s9;
	s6 =	sadd.s32 @!p0 $0x88, s6;
	s7 =	simm.s32 @p2 $0x1082  }
0x22: {  	[simem:s7], [sflag:s8] =	dma.local @!p0 [hbm:s6], $0xF7A  }
0x23: {  	s9 =	sor.u32 $0xD0000000, s2;
	s6 =	simm.s32 $0x108;
	_ =	swait.ge @!p0 [sflag:s8], $0x0  }
0x24: {  	s3 =	sadd.s32 $0x88, s3;
	s6 =	simm.s32 @!p1 $0x1082;
	[sflag:s4] =	ssyncset.s32 $0xFFFFF086  }
0x25: {  	[simem:s6], [sflag:s4] =	dma.local [hbm:s3], $0xF7A  }
0x26: {  	[smem:$0x3F9B] =	sst s1;
	(tag) =	ssettag s2;
	_ =	strace s9  }
0x27: {  	s1 =	sld [smem:$0x3FAB]  }
0x28: {  	s2 =	sld [smem:$0x3FAC]  }
0x29: {  	s4 =	sld [smem:$0x3FAE]  }
0x2a: {  	p0 =	seq.s32 s5, $0x0;
	s5 =	sld [smem:$0x3FAF]  }
0x2b: {  	s6 =	sld [smem:$0x3FB0]  }
0x2c: {  	s7 =	sld [smem:$0x3FB1]  }
0x2d: {  	s3 =	simm.s32 $0x108;
	s8 =	sld [smem:$0x3FB2]  }
0x2e: {  	s3 =	simm.s32 @!p0 $0x1082;
	s9 =	sld [smem:$0x3FB3]  }
0x2f: {  	lr =	sadd.s32 s0, s3;
	s0 =	sld [smem:$0x3FAA]  }
0x30: {  	s3 =	sld [smem:$0x3FAD]  }
0x31: {  	[smem:$0x3FB6] =	sst s10  }
0x32: {  	s10 =	sld [smem:$0x3FB4];
	_ =	sdelay $0x3  }
0x33: {  	p0 =	seq.s32 s10, $0x1;
	s10 =	sld [smem:$0x3FB6];
	_ =	sdelay $0x3  }
0x34: {  	[smem:$0x3FB6] =	sst s10  }
0x35: {  	s10 =	sld [smem:$0x3FB5];
	_ =	sdelay $0x3  }
0x36: {  	p1 =	seq.s32 s10, $0x1;
	s10 =	sld [smem:$0x3FB6];
	_ =	sdelay $0x3  }
0x37: {  	[smem:$0x3FB6] =	sst s10  }
0x38: {  	s10 =	sld [smem:$0x3FB7]  }
0x39: {  	_ = 	snop;
	(pc) =	sbr.ind lr, $3  }
0x3a: {  	_ = 	snop  }
0x3b: {  	_ = 	snop  }
0x3c: {  	p2 =	seq.s32 s10, $0x1;
	s10 =	sld [smem:$0x3FB6]  }
0x3d: {  	_ =	shalt  }
0x3e: {  	_ =	shalt  }
0x3f: {  	_ =	shalt  }
0x40: {  	_ =	shalt  }
0x41: {  	_ =	shalt  }
0x42: {  	_ =	shalt  }
0x43: {  	_ =	shalt  }
0x44: {  	_ =	shalt  }
0x45: {  	_ =	shalt  }
0x46: {  	_ =	shalt  }
0x47: {  	_ =	shalt  }
0x48: {  	_ =	shalt  }
0x49: {  	_ =	shalt  }
0x4a: {  	_ =	shalt  }
0x4b: {  	_ =	shalt  }
0x4c: {  	_ =	shalt  }
0x4d: {  	_ =	shalt  }
0x4e: {  	_ =	shalt  }
0x4f: {  	_ =	shalt  }
0x50: {  	_ =	shalt  }
0x51: {  	_ =	shalt  }
0x52: {  	_ =	shalt  }
0x53: {  	_ =	shalt  }
0x54: {  	_ =	shalt  }
0x55: {  	_ =	shalt  }
0x56: {  	_ =	shalt  }
0x57: {  	_ =	shalt  }
0x58: {  	_ =	shalt  }
0x59: {  	_ =	shalt  }
0x5a: {  	_ =	shalt  }
0x5b: {  	_ =	shalt  }
0x5c: {  	_ =	shalt  }
0x5d: {  	_ =	shalt  }
0x5e: {  	_ =	shalt  }
0x5f: {  	_ =	shalt  }
0x60: {  	_ =	shalt  }
0x61: {  	_ =	shalt  }
0x62: {  	_ =	shalt  }
0x63: {  	_ =	shalt  }
0x64: {  	_ =	shalt  }
0x65: {  	_ =	shalt  }
0x66: {  	_ =	shalt  }
0x67: {  	_ =	shalt  }
0x68: {  	_ =	shalt  }
0x69: {  	_ =	shalt  }
0x6a: {  	_ =	shalt  }
0x6b: {  	_ =	shalt  }
0x6c: {  	_ =	shalt  }
0x6d: {  	_ =	shalt  }
0x6e: {  	_ =	shalt  }
0x6f: {  	_ =	shalt  }
0x70: {  	_ =	shalt  }
0x71: {  	_ =	shalt  }
0x72: {  	_ =	shalt  }
0x73: {  	_ =	shalt  }
0x74: {  	_ =	shalt  }
0x75: {  	_ =	shalt  }
0x76: {  	_ =	shalt  }
0x77: {  	_ =	shalt  }
0x78: {  	_ =	shalt  }
0x79: {  	_ =	shalt  }
0x7a: {  	_ =	shalt  }
0x7b: {  	_ =	shalt  }
0x7c: {  	_ =	shalt  }
0x7d: {  	_ =	shalt  }
0x7e: {  	_ =	shalt  }
0x7f: {  	_ =	shalt  }
0x80: {  	_ =	shalt  }
0x81: {  	_ =	shalt  }
0x82: {  	_ =	shalt  }
0x83: {  	_ =	shalt  }
0x84: {  	_ =	shalt  }
0x85: {  	_ =	shalt  }
0x86: {  	_ =	shalt  }
0x87: {  	_ =	shalt  }
.Lfunc_end0:
.L_simem_size_0:
called_computation.1_lowered:
.L_overlay_start_0:
0x88: {  	s2 =	sld [smem:$0x3FD9]  }
0x89: {  	s3 =	sld [smem:$0x3FFE];
	_ =	sdelay $0x1  }
0x8a: {  	s1 =	srdreg.scid  }
0x8b: {  	s0 =	sand.u32 $0x1, s1  }
0x8c: {  	s17 =	sshll.u32 s0, $0xA;
	s2 =	sadd.s32 s3, s2  }
0x8d: {  	s2 =	sadd.s32 s2, s17  }
0x8e: {  	[smem:$0x3FC2] =	sst s2  }
0x8f: {  	_ = 	snop  }
0x90: {  	s2 =	sld [smem:$0x3FD0];
	(tm) =	ssettm $0x1  }
0x91: {  	s18 =	sld [smem:$0x3FFB];
	_ =	sdelay $0x3  }
0x92: {  	_ =	strace s18  }
0x93: {  	s3 =	sld [smem:$0x3FFC];
	_ =	sdelay $0x3  }
0x94: {  	_ =	strace s3  }
0x95: {  	s3 =	sld [smem:$0x3FFD];
	_ =	sdelay $0x3  }
0x96: {  	_ =	strace s3  }
0x97: {  	_ =	strace $0x8FFFFFFF  }
0x98: {  	s19 =	sld [smem:$0x3FDB];
	_ =	sdelay $0x1  }
0x99: {  	s4 =	simm.s32 $_scs_section_size  }
0x9a: {  	s5 =	simm.s32 $_size__tile_overlayer_lowered;
	s6 =	simm.s32 $_tile_overlayer_lowered  }
0x9b: {  	s22 =	simm.s32 $0x1BFF;
	s21 =	sshll.u32 s6, $0x1;
	s3 =	sadd.s32 s4, s19  }
0x9c: {  	s7 =	simm.s32 $0x0;
	s20 =	sshll.u32 s5, $0x1;
	s5 =	sadd.s32 s21, s3  }
0x9d: {  	[timem:s7], [sflag:s22] =	dma.local [hbm:s5], s20  }
0x9e: {  	_ =	swait.ge [sflag:s22], s20  }
0x9f: {  	s4 =	ssub.s32 $0x0, s20;
	[sflag:s22] =	ssyncset.done $0x0  }
0xa0: {  	[sflag:s22] =	ssyncadd.s32 s4;
	_ =	sdelay $0x1  }
0xa1: {  	s23 =	simm.s32 $0x1B8B  }
0xa2: {  	_ =	swait.ge [sflag:s23], $0x1  }
0xa3: {  	[sflag:s23] =	ssyncset.done $0x0  }
0xa4: {  	s25 =	simm.s32 $0x1B8E;
	s24 =	sld [smem:$0x3FFE];
	[sflag:s23] =	ssyncadd.s32 $0xFFFFFFFF  }
0xa5: {  	s26 =	simm.s32 $execute0_lowered;
	[smem:$0x3FD2] =	sst s25  }
0xa6: {  	s5 =	sshll.u32 s26, $0x1;
	_ =	strace $0x80000049;
	[dreg:$0x1] =	wrdreg $0xFFFFFFFF  }
0xa7: {  	s28 =	simm.s32 $_size_execute0_lowered;
	s3 =	sadd.s32 s3, s5;
	[dreg:$0x0] =	wrdreg $0x0  }
0xa8: {  	s5 =	sshll.u32 s28, $0x1;
	[dreg:$0x2] =	wrdreg s3  }
0xa9: {  	[dreg:$0x3] =	wrdreg s5  }
0xaa: {  	[dreg:$0x4] =	wrdreg $0xC0  }
0xab: {  	_ =	task [dreg:s7], $0x5FFFF  }
0xac: {  	[dreg:$0x1] =	wrdreg $0xFFFFFFFF  }
0xad: {  	[dreg:$0x0] =	wrdreg $0x60  }
0xae: {  	[dreg:$0x2] =	wrdreg s2  }
0xaf: {  	[dreg:$0x3] =	wrdreg s24  }
0xb0: {  	[dreg:$0x4] =	wrdreg $0xA2000  }
0xb1: {  	[dreg:$0x5] =	wrdreg $0x9  }
0xb2: {  	_ =	task.clear_ibuf [dreg:s7], $0x6FFFF;
	_ =	strace $0x90000049  }
0xb3: {  	s29 =	simm.s32 $0x9;
	_ =	strace $0x8000004B  }
0xb4: {  	_ =	swait.ge [sflag:s29], $0x1  }
0xb5: {  	[sflag:s29] =	ssyncadd.s32 $0xFFFFFFFF  }
0xb6: {  	_ =	strace $0x9000004B  }
0xb7: {  	_ =	sfence  }
0xb8: {  	s30 =	sld [smem:$0x0];
	_ =	sdelay $0x2  }
0xb9: {  	s31 =	sshll.u32 s1, $0xD;
	s1 =	sshrl.u32 s1, $0x2  }
0xba: {  	s3 =	sand.u32 $0x4000, s31;
	s1 =	sadd.s32 s1, s30  }
0xbb: {  	s0 =	sor.u32 s3, s0;
	s1 =	sshll.u32 s1, $0x11  }
0xbc: {  	s0 =	sor.u32 s1, s0  }
0xbd: {  	s0 =	sadd.s32 $0x8F2B, s0  }
0xbe: {  	[sflag:s0] =	ssyncadd.remote.s32 $0x1  }
0xbf: {  	_ =	sfence.sel $0xFFFF  }
0xc0: {  	[dreg:$0x0] =	wrdreg $0xFFFFFFFF;
	(pc) =	sbr.abs _section_cstart, $3  }
0xc1: {  	[dreg:$0x1] =	wrdreg $0xFFFFFFFF  }
0xc2: {  	_ =	task.clear_ibuf [dreg:s7], $0x2FFFF;
	_ =	strace $0x9FFFFFFF  }
0xc3: {  	(tm) =	ssettm $0x7FFFFFFF  }
tec
execute0_lowered:
.L_overlay_start_1:
0x0: {  	(tag) =	ssettag $0x1  }
0x1: {  	s1 =	rddreg [dreg:$0x0]  }
0x2: {  	s0 =	srdreg.scid;
	s5 =	rddreg [dreg:$0x1]  }
0x3: {  	s29 =	stileid.u32;
	s2 =	rddreg [dreg:$0x2];
	s3 =	simm.s32 $0x0  }
0x4: {  	s17 =	simm.s32 $0x2200;
	s18 =	simm.s32 $0x4;
	s19 =	simm.s32 $0x80  }
0x5: {  	s20 =	simm.s32 $0x2000;
	s21 =	simm.s32 $0x2080;
	s22 =	simm.s32 $0x6200  }
0x6: {  	s23 =	simm.s32 $0x1;
	s24 =	simm.s32 $0x2100;
	s7 =	smul.u32 $0x14000, s29  }
0x7: {  	s25 =	simm.s32 $0x2;
	s26 =	simm.s32 $0x2180;
	s8 =	smul.u32 $0xC, s29  }
0x8: {  	s6 =	sand.u32 $0x1, s0;
	[smem:$0x7FF] =	sst s3;
	s11 =	smul.u32 $0x50000, s29  }
0x9: {  	s28 =	simm.s32 $0x0;
	s4 =	smul.u32 $0x140000, s6;
	_ =	strace $0x8000004A  }
0xa: {  	s30 =	ssub.s32 $0x2, s6;
	p0 =	seq.s32 s6, $0x0;
	s6 =	smul.u32 $0x94, s29  }
0xb: {  	s9 =	sshrl.u32 s30, $0x1;
	s8 =	sadd.s32 $0x940, s8;
	s31 =	sshrl.u32 s11, $0x2  }
0xc: {  	s7 =	sadd.s32 s7, s4;
	s4 =	sadd.s32 $0x1E00, s5;
	s8 =	smov.u32 @p0 s6  }
0xd: {  	s12 =	ssub.s32 s30, s9;
	s7 =	sshrl.u32 s7, $0x3;
	s8 =	sshll.u32 s8, $0x4  }
.Ltmp0:
0xe: {  	s11 =	smax.u32 s12, $0x1;
	s10 =	sadd.s32 s7, s5;
	(pc) =	sbr.rel .LBB2_1-.Ltmp0, $4  }
0xf: {  	s5 =	simm.s32 $0x94;
	s7 =	sadd.s32 s31, s2;
	s8 =	sadd.s32 s1, s8  }
0x10: {  	s5 =	simm.s32 @!p0 $0xC;
	s10 =	sadd.s32 $0x29E00, s10;
	s12 =	sadd.s32 $0x4000, s7  }
0x11: {  	s13 =	sadd.s32 $0x8000, s7;
	s14 =	sadd.s32 $0xC000, s7;
	s6 =	sshrl.u32 s5, $0x1  }
0x12: {  	v0 =	vimm.f32 $0.0e+00;
	s15 =	sadd.s32 $0x10000, s7;
	s16 =	sadd.s32 $0x220, s8;
	s9 =	sadd.s32 $0xFFFFFFFF, s6  }
.LBB2_7:
0x13: {  	s0 =	stileid.u32;
	s28 =	sadd.s32 $0x1, s28  }
0x14: {  	[bflag:$0x0] =	sbarrier.arrive $0xFFFF;
	s0 =	sshll.u32 s0, $0x6;
	p0 =	sne.s32 s28, s11  }
.Ltmp1:
0x15: {  	s1 =	sshrl.u32 s7, $0x3;
	s0 =	sor.u32 $0x1C04, s0;
	(pc) =	sbr.rel @!p0 .LBB2_8-.Ltmp1, $4  }
0x16: {  	[hbm:s10], [sflag:s0] =	dma.local [spmem:s1], $0x2800  }
0x17: {  	_ =	swait.ge [sflag:s18], $0x2800  }
0x18: {  	[sflag:s18] =	ssyncset.done $0x0  }
0x19: {  	[sflag:s18] =	ssyncadd.s32 $0xFFFFD800  }
.LBB2_1:
0x1a: {  	s0 =	simm.s32 $0x0  }
0x1b: {  	s1 =	sand.u32 $0xFE00, s0  }
0x1c: {  	s29 =	sand.u32 $0x70, s0;
	s30 =	sshrl.u32 s1, $0x2  }
0x1d: {  	s1 =	simm.s32 $0x40;
	s30 =	sor.u32 s29, s30;
	s29 =	simm.s32 $0x0  }
.LBB2_2:
0x1e: {  	p0 =	sne.s32 s1, $0xFFC0  }
0x1f: {  	[tilespmem:s30+$0x2200] =	vst v0;
	s29 =	sadd.s32 $0x10, s29;
	s30 =	smov.u32 s1;
	s1 =	sadd.s32 $0x40, s1  }
.Ltmp2:
0x20: {  	(pc) =	sbr.rel @p0 .LBB2_2-.Ltmp2, $4  }
0x21: {  	_ = 	snop  }
0x22: {  	s30 =	sand.u32 $0xFE00, s30  }
0x23: {  	s31 =	sand.u32 $0x70, s29;
	s30 =	sshrl.u32 s30, $0x2  }
0x24: {  	s30 =	sor.u32 s31, s30  }
0x25: {  	[tilespmem:s30+$0x2200] =	vst v0  }
0x26: {  	[spmem:s7] =	stream.linear.scatter [tilespmem:s17], [sflag:$0x4], $0x4000, $0x38;
	[tilespmem:$0x1E200] =	vst v63  }
0x27: {  	_ =	swait.ge [sflag:s18], $0x4000  }
0x28: {  	[sflag:s18] =	ssyncset.done $0x0  }
0x29: {  	[sflag:s18] =	ssyncadd.s32 $0xFFFFC000  }
0x2a: {  	[spmem:s12] =	stream.linear.scatter [tilespmem:s17], [sflag:$0x4], $0x4000, $0x38;
	[tilespmem:$0x1E200] =	vst v63  }
0x2b: {  	_ =	swait.ge [sflag:s18], $0x4000  }
0x2c: {  	[sflag:s18] =	ssyncset.done $0x0  }
0x2d: {  	[sflag:s18] =	ssyncadd.s32 $0xFFFFC000  }
0x2e: {  	[spmem:s13] =	stream.linear.scatter [tilespmem:s17], [sflag:$0x4], $0x4000, $0x38;
	[tilespmem:$0x1E200] =	vst v63  }
0x2f: {  	_ =	swait.ge [sflag:s18], $0x4000  }
0x30: {  	[sflag:s18] =	ssyncset.done $0x0  }
0x31: {  	[sflag:s18] =	ssyncadd.s32 $0xFFFFC000  }
0x32: {  	[spmem:s14] =	stream.linear.scatter [tilespmem:s17], [sflag:$0x4], $0x4000, $0x38;
	[tilespmem:$0x1E200] =	vst v63  }
0x33: {  	_ =	swait.ge [sflag:s18], $0x4000  }
0x34: {  	[sflag:s18] =	ssyncset.done $0x0  }
0x35: {  	[sflag:s18] =	ssyncadd.s32 $0xFFFFC000  }
0x36: {  	[spmem:s15] =	stream.linear.scatter [tilespmem:s17], [sflag:$0x4], $0x4000, $0x38;
	[tilespmem:$0x1E200] =	vst v63  }
0x37: {  	_ =	swait.ge [sflag:s18], $0x4000  }
0x38: {  	[sflag:s18] =	ssyncset.done $0x0  }
0x39: {  	s29 =	simm.s32 $0x0;
	[sflag:s18] =	ssyncadd.s32 $0xFFFFC000  }
0x3a: {  	[tilespmem:s29], [sflag:$0x4] =	stream.linear.gather [hbm4b:s8+s29], $0x2000, $0x38;
	[tilespmem:$0x1E200] =	vst v63  }
0x3b: {  	_ =	swait.ge [sflag:s18], $0x2000  }
0x3c: {  	[sflag:s18] =	ssyncset.done $0x0  }
0x3d: {  	[sflag:s18] =	ssyncadd.s32 $0xFFFFE000  }
0x3e: {  	[bflag:$0x0] =	sbarrier.arrive $0xFFFF  }
0x3f: {  	v1 =	vld [tilespmem:$0x0];
	_ =	sdelay $0x1  }
0x40: {  	v2 =	vld [tilespmem:$0x10];
	_ =	sdelay $0x1  }
0x41: {  	v3 =	vld [tilespmem:$0x20]  }
0x42: {  	v4 =	vand.u32 $0xFFFF, v1  }
0x43: {  	v62 =	vld [tilespmem:$0x30];
	v1 =	vshra.s32 v1, $0x10;
	[tilespmem:$0x2000] =	vst v4  }
0x44: {  	[tilespmem:$0x2100] =	vst v1;
	v1 =	vand.u32 $0xFFFF, v2  }
0x45: {  	[tilespmem:$0x2010] =	vst v1;
	v1 =	vshra.s32 v2, $0x10;
	v2 =	vld [tilespmem:$0x40]  }
0x46: {  	[tilespmem:$0x2110] =	vst v1;
	v1 =	vand.u32 $0xFFFF, v3  }
0x47: {  	[tilespmem:$0x2020] =	vst v1;
	v1 =	vshra.s32 v3, $0x10;
	v3 =	vld [tilespmem:$0x50]  }
0x48: {  	[tilespmem:$0x2120] =	vst v1;
	v1 =	vand.u32 $0xFFFF, v62  }
0x49: {  	v63 =	vld [tilespmem:$0x60];
	[tilespmem:$0x2030] =	vst v1;
	v1 =	vshra.s32 v62, $0x10  }
0x4a: {  	[tilespmem:$0x2130] =	vst v1;
	v1 =	vand.u32 $0xFFFF, v2  }
0x4b: {  	[tilespmem:$0x2040] =	vst v1;
	v1 =	vshra.s32 v2, $0x10;
	v2 =	vld [tilespmem:$0x70]  }
0x4c: {  	[tilespmem:$0x2140] =	vst v1;
	v1 =	vand.u32 $0xFFFF, v3  }
0x4d: {  	[tilespmem:$0x2050] =	vst v1;
	v1 =	vshra.s32 v3, $0x10  }
0x4e: {  	[tilespmem:$0x2150] =	vst v1;
	v1 =	vand.u32 $0xFFFF, v63  }
.Ltmp3:
0x4f: {  	[tilespmem:$0x2060] =	vst v1;
	v1 =	vshra.s32 v63, $0x10;
	(pc) =	sbr.rel .LBB2_4-.Ltmp3, $4  }
0x50: {  	[tilespmem:$0x2160] =	vst v1;
	v1 =	vand.u32 $0xFFFF, v2  }
0x51: {  	[tilespmem:$0x2070] =	vst v1;
	v1 =	vshra.s32 v2, $0x10  }
0x52: {  	s30 =	simm.s32 $0x22;
	s31 =	smov.u32 s16;
	s1 =	simm.s32 $0x0;
	[tilespmem:$0x2170] =	vst v1  }
0x53: {  	[tilespmem:s17], [sflag:$0x1] =	stream.indirect.gather [hbm4b:s4+s19], $0x80, s20, s19, $0xb8;
	[tilespmem:$0x1E200] =	vst v63  }
.LBB2_6:
0x54: {  	_ =	swait.ge [sflag:s25], $0x4000;
	s1 =	sadd.s32 $0x1, s1  }
0x55: {  	[sflag:s25] =	ssyncset.done $0x0;
	p0 =	sne.s32 s6, s1  }
.Ltmp4:
0x56: {  	[sflag:s25] =	ssyncadd.s32 $0xFFFFC000;
	(pc) =	sbr.rel @!p0 .LBB2_7-.Ltmp4, $4  }
0x57: {  	[spmem:s2] =	stream.indirect.scatter.add.f32 [tilespmem:s22], [sflag:$0x4], $0x80, s26, s19, $0xb8;
	[tilespmem:$0x1E200] =	vst v63  }
0x58: {  	_ =	swait.ge [sflag:s18], $0x4000  }
0x59: {  	s29 =	sadd.s32 $0x100, s29;
	[sflag:s18] =	ssyncset.done $0x0  }
0x5a: {  	s31 =	sadd.s32 $0x20, s31;
	s30 =	sadd.s32 $0x2, s30;
	[sflag:s18] =	ssyncadd.s32 $0xFFFFC000  }
.LBB2_4:
0x5b: {  	s0 =	sand.u32 $0x1F00, s29  }
0x5c: {  	v1 =	vld [tilespmem:s0+$0x80];
	_ =	sdelay $0x4  }
0x5d: {  	v2 =	vand.u32 $0xFFFF, v1  }
0x5e: {  	v1 =	vshra.s32 v1, $0x10;
	[tilespmem:$0x2080] =	vst v2  }
0x5f: {  	[tilespmem:$0x2180] =	vst v1  }
0x60: {  	v1 =	vld [tilespmem:s0+$0x90];
	_ =	sdelay $0x4  }
0x61: {  	v2 =	vand.u32 $0xFFFF, v1  }
0x62: {  	v1 =	vshra.s32 v1, $0x10;
	[tilespmem:$0x2090] =	vst v2  }
0x63: {  	[tilespmem:$0x2190] =	vst v1  }
0x64: {  	v1 =	vld [tilespmem:s0+$0xA0];
	_ =	sdelay $0x4  }
0x65: {  	v2 =	vand.u32 $0xFFFF, v1  }
0x66: {  	v1 =	vshra.s32 v1, $0x10;
	[tilespmem:$0x20A0] =	vst v2  }
0x67: {  	[tilespmem:$0x21A0] =	vst v1  }
0x68: {  	v1 =	vld [tilespmem:s0+$0xB0];
	_ =	sdelay $0x4  }
0x69: {  	v2 =	vand.u32 $0xFFFF, v1  }
0x6a: {  	v1 =	vshra.s32 v1, $0x10;
	[tilespmem:$0x20B0] =	vst v2  }
0x6b: {  	[tilespmem:$0x21B0] =	vst v1  }
0x6c: {  	v1 =	vld [tilespmem:s0+$0xC0];
	_ =	sdelay $0x4  }
0x6d: {  	v2 =	vand.u32 $0xFFFF, v1  }
0x6e: {  	v1 =	vshra.s32 v1, $0x10;
	[tilespmem:$0x20C0] =	vst v2  }
0x6f: {  	[tilespmem:$0x21C0] =	vst v1  }
0x70: {  	v1 =	vld [tilespmem:s0+$0xD0];
	_ =	sdelay $0x4  }
0x71: {  	v2 =	vand.u32 $0xFFFF, v1  }
0x72: {  	v1 =	vshra.s32 v1, $0x10;
	[tilespmem:$0x20D0] =	vst v2  }
0x73: {  	[tilespmem:$0x21D0] =	vst v1  }
0x74: {  	v1 =	vld [tilespmem:s0+$0xE0];
	_ =	sdelay $0x4  }
0x75: {  	v2 =	vand.u32 $0xFFFF, v1  }
0x76: {  	v1 =	vshra.s32 v1, $0x10;
	[tilespmem:$0x20E0] =	vst v2  }
0x77: {  	[tilespmem:$0x21E0] =	vst v1  }
0x78: {  	v1 =	vld [tilespmem:s0+$0xF0];
	_ =	sdelay $0x4  }
0x79: {  	v2 =	vand.u32 $0xFFFF, v1  }
0x7a: {  	v1 =	vshra.s32 v1, $0x10;
	[tilespmem:$0x20F0] =	vst v2  }
0x7b: {  	[tilespmem:$0x21F0] =	vst v1  }
0x7c: {  	[tilespmem:s22], [sflag:$0x2] =	stream.indirect.gather [hbm4b:s4+s19], $0x80, s21, s19, $0xb8;
	[tilespmem:$0x1E200] =	vst v63  }
0x7d: {  	_ =	swait.ge [sflag:s23], $0x4000  }
0x7e: {  	p0 =	sge.u32 s1, s9;
	[sflag:s23] =	ssyncset.done $0x0  }
.Ltmp5:
0x7f: {  	[sflag:s23] =	ssyncadd.s32 $0xFFFFC000;
	(pc) =	sbr.rel @p0 .LBB2_6-.Ltmp5, $4  }
0x80: {  	[spmem:s2] =	stream.indirect.scatter.add.f32 [tilespmem:s17], [sflag:$0x4], $0x80, s24, s19, $0xb8;
	[tilespmem:$0x1E200] =	vst v63  }
0x81: {  	_ =	swait.ge [sflag:s18], $0x4000  }
0x82: {  	[sflag:s18] =	ssyncset.done $0x0  }
0x83: {  	[sflag:s18] =	ssyncadd.s32 $0xFFFFC000  }
0x84: {  	s0 =	sadd.s32 $0xFFFFFFE0, s30  }
0x85: {  	s0 =	sand.u32 $0x1E, s0  }
0x86: {  	p0 =	sne.s32 s0, $0x0  }
0x87: {  	p1 =	slt.u32 @!p0 s1, $0x1F  }
0x88: {  	p1 =	por p1, p0  }
0x89: {  	p2 =	sge.u32 @!p0 s30, s5;
	s0 =	simm.s32 @!p1 $0x3  }
0x8a: {  	p0 =	por p2, p0;
	_ =	swait.ge @!p1 [sflag:s0], $0x1000  }
0x8b: {  	s3 =	sadd.s32 @!p0 $0x1100, s29;
	[sflag:s0] =	ssyncset.done @!p1 $0x0  }
0x8c: {  	[sflag:s0] =	ssyncadd.s32 @!p1 $0xFFFFF000;
	s0 =	sand.u32 @!p0 $0x1000, s3;
	s3 =	simm.s32 @!p0 $0x0  }
0x8d: {  	[tilespmem:s0], [sflag:$0x3] =	stream.linear.gather @!p0 [hbm4b:s31+s3], $0x1000, $0x38;
	[tilespmem:$0x1E200] =	vst v63  }
0x8e: {  	s3 =	sadd.s32 $0x100, s29  }
0x8f: {  	s0 =	sand.u32 $0x1F00, s3  }
0x90: {  	v1 =	vld [tilespmem:s0+$0x0];
	_ =	sdelay $0x4  }
0x91: {  	v2 =	vand.u32 $0xFFFF, v1  }
0x92: {  	v1 =	vshra.s32 v1, $0x10;
	[tilespmem:$0x2000] =	vst v2  }
0x93: {  	[tilespmem:$0x2100] =	vst v1  }
0x94: {  	v1 =	vld [tilespmem:s0+$0x10];
	_ =	sdelay $0x4  }
0x95: {  	v2 =	vand.u32 $0xFFFF, v1  }
0x96: {  	v1 =	vshra.s32 v1, $0x10;
	[tilespmem:$0x2010] =	vst v2  }
0x97: {  	[tilespmem:$0x2110] =	vst v1  }
0x98: {  	v1 =	vld [tilespmem:s0+$0x20];
	_ =	sdelay $0x4  }
0x99: {  	v2 =	vand.u32 $0xFFFF, v1  }
0x9a: {  	v1 =	vshra.s32 v1, $0x10;
	[tilespmem:$0x2020] =	vst v2  }
0x9b: {  	[tilespmem:$0x2120] =	vst v1  }
0x9c: {  	v1 =	vld [tilespmem:s0+$0x30];
	_ =	sdelay $0x4  }
0x9d: {  	v2 =	vand.u32 $0xFFFF, v1  }
0x9e: {  	v1 =	vshra.s32 v1, $0x10;
	[tilespmem:$0x2030] =	vst v2  }
0x9f: {  	[tilespmem:$0x2130] =	vst v1  }
0xa0: {  	v1 =	vld [tilespmem:s0+$0x40];
	_ =	sdelay $0x4  }
0xa1: {  	v2 =	vand.u32 $0xFFFF, v1  }
0xa2: {  	v1 =	vshra.s32 v1, $0x10;
	[tilespmem:$0x2040] =	vst v2  }
0xa3: {  	[tilespmem:$0x2140] =	vst v1  }
0xa4: {  	v1 =	vld [tilespmem:s0+$0x50];
	_ =	sdelay $0x4  }
0xa5: {  	v2 =	vand.u32 $0xFFFF, v1  }
0xa6: {  	v1 =	vshra.s32 v1, $0x10;
	[tilespmem:$0x2050] =	vst v2  }
0xa7: {  	[tilespmem:$0x2150] =	vst v1  }
0xa8: {  	v1 =	vld [tilespmem:s0+$0x60];
	_ =	sdelay $0x4  }
0xa9: {  	v2 =	vand.u32 $0xFFFF, v1  }
0xaa: {  	v1 =	vshra.s32 v1, $0x10;
	[tilespmem:$0x2060] =	vst v2  }
0xab: {  	[tilespmem:$0x2160] =	vst v1  }
0xac: {  	v1 =	vld [tilespmem:s0+$0x70];
	_ =	sdelay $0x3  }
.Ltmp6:
0xad: {  	_ = 	snop;
	(pc) =	sbr.rel .LBB2_6-.Ltmp6, $4  }
0xae: {  	v2 =	vand.u32 $0xFFFF, v1  }
0xaf: {  	v1 =	vshra.s32 v1, $0x10;
	[tilespmem:$0x2070] =	vst v2  }
0xb0: {  	[tilespmem:$0x2170] =	vst v1  }
0xb1: {  	[tilespmem:s17], [sflag:$0x1] =	stream.indirect.gather [hbm4b:s4+s19], $0x80, s20, s19, $0xb8;
	[tilespmem:$0x1E200] =	vst v63  }
.LBB2_8:
0xb2: {  	_ =	sfence.sel $0x180000  }
0xb3: {  	[bflag:$0x0] =	sbarrier.arrive $0xFFFF  }
0xb4: {  	_ =	strace $0x9000004A  }
0xb5: {  	s0 =	stileid.u32;
	[bflag:$0x2] =	sbarrier.arrive $0xFFFF  }
0xb6: {  	p0 =	sne.s32 s0, $0x0;
	s0 =	rddreg [dreg:$0x3]  }
0xb7: {  	s0 =	sadd.s32 @!p0 $0x100000, s0  }
0xb8: {  	[sflag:s0] =	ssyncadd.tile.s32 @!p0 $0x1;
	_ =	shalt  }
.Lfunc_end2:
_tile_overlayer_lowered:
.L_overlay_start_2:
0xb9: {  	(tag) =	ssettag $0x2  }
0xba: {  	s0 =	rddreg [dreg:$0x0];
	s2 =	stileid.u32  }
0xbb: {  	s1 =	rddreg [dreg:$0x1];
	p0 =	sne.s32 s2, $0x0  }
0xbc: {  	s3 =	rddreg [dreg:$0x2];
	[bflag:$0x3] =	sbarrier.arrive $0xFFFF;
	s2 =	simm.s32 @!p0 $0x1C04  }
0xbd: {  	[timem:s3], [sflag:s2] =	dma.local @!p0 [hbm:s0], s1  }
0xbe: {  	s0 =	simm.s32 @!p0 $0x4  }
0xbf: {  	_ =	swait.ge @!p0 [sflag:s0], s1  }
0xc0: {  	s1 =	ssub.s32 @!p0 $0x0, s1;
	[sflag:s0] =	ssyncset.done @!p0 $0x0  }
0xc1: {  	[sflag:s0] =	ssyncadd.s32 @!p0 s1  }
0xc2: {  	[bflag:$0x3] =	sbarrier.arrive $0xFFFF  }
0xc3: {  	_ =	shalt  }

// kernel: kernel.14.cloned.1.call-start
scs
__scs_entry_jumppad:
0x0: {  	(pc) =	sbr.rel $0x88, $3  }
0x1: {  	(tag) =	ssettag $0x0;
	lr =	simm.s32 $0x1  }
0x2: {  	[smem:$0x3F9B] =	sst lr;
	_ =	strace $0xD0000000  }
0x3: {  	_ = 	snop  }
0x4: {  	_ = 	snop  }
0x5: {  	_ = 	snop  }
0x6: {  	_ = 	snop  }
0x7: {  	_ = 	snop  }
__scs_overlays_trampoline_lowered:
0x8: {  	[smem:$0x3FAA] =	sst s0  }
0x9: {  	[smem:$0x3FAB] =	sst s1  }
0xa: {  	[smem:$0x3FAC] =	sst s2  }
0xb: {  	[smem:$0x3FAD] =	sst s3  }
0xc: {  	[smem:$0x3FAE] =	sst s4  }
0xd: {  	[smem:$0x3FAF] =	sst s5  }
0xe: {  	[smem:$0x3FB0] =	sst s6  }
0xf: {  	[smem:$0x3FB1] =	sst s7  }
0x10: {  	[smem:$0x3FB2] =	sst s8  }
0x11: {  	[smem:$0x3FB3] =	sst s9;
	s0 =	simm.s32 @!p0 $0x0  }
0x12: {  	s1 =	sld [smem:$0x3F99];
	s0 =	simm.s32 @p0 $0x1  }
0x13: {  	[smem:$0x3FB4] =	sst s0;
	s0 =	simm.s32 @!p1 $0x0  }
0x14: {  	s2 =	sld [smem:$0x3F98];
	s0 =	simm.s32 @p1 $0x1  }
0x15: {  	[smem:$0x3FB5] =	sst s0;
	s0 =	simm.s32 @!p2 $0x0  }
0x16: {  	s3 =	sld [smem:$0x3FDB];
	s0 =	simm.s32 @p2 $0x1  }
0x17: {  	s4 =	simm.s32 $0x1BF5;
	[smem:$0x3FB7] =	sst s0  }
0x18: {  	s0 =	sld [smem:$0x3F9A];
	_ =	swait.ge [sflag:s4], $0x0  }
0x19: {  	s7 =	sld [smem:$0x3F9B]  }
0x1a: {  	s8 =	sadd.s32 $0xFFFFE003, lr  }
0x1b: {  	s9 =	sadd.s32 $0xFFFFFEF7, lr;
	s5 =	simm.s32 $0xFFFFFFFF;
	p2 =	slt.u32 s8, $0xFFFFF086  }
0x1c: {  	p1 =	slt.u32 s9, $0xF7A;
	s5 =	simm.s32 @!p2 $0x0  }
0x1d: {  	s5 =	simm.s32 @p1 $0x1;
	p0 =	seq.s32 s7, s2  }
0x1e: {  	s7 =	smul.u32 @!p0 $0xF7A, s2;
	p2 =	seq.s32 @!p0 s5, $0x0  }
0x1f: {  	s9 =	smul.u32 $0xF7A, s1;
	s8 =	simm.s32 @!p0 $0x1BF5;
	p2 =	por !p2, p0  }
0x20: {  	[sflag:s8] =	ssyncset.s32 @!p0 $0xFFFFF086;
	s6 =	sadd.s32 @!p0 s3, s7;
	s7 =	simm.s32 @!p0 $0x108  }
0x21: {  	s3 =	sadd.s32 s3, s9;
	s6 =	sadd.s32 @!p0 $0x88, s6;
	s7 =	simm.s32 @p2 $0x1082  }
0x22: {  	[simem:s7], [sflag:s8] =	dma.local @!p0 [hbm:s6], $0xF7A  }
0x23: {  	s9 =	sor.u32 $0xD0000000, s2;
	s6 =	simm.s32 $0x108;
	_ =	swait.ge @!p0 [sflag:s8], $0x0  }
0x24: {  	s3 =	sadd.s32 $0x88, s3;
	s6 =	simm.s32 @!p1 $0x1082;
	[sflag:s4] =	ssyncset.s32 $0xFFFFF086  }
0x25: {  	[simem:s6], [sflag:s4] =	dma.local [hbm:s3], $0xF7A  }
0x26: {  	[smem:$0x3F9B] =	sst s1;
	(tag) =	ssettag s2;
	_ =	strace s9  }
0x27: {  	s1 =	sld [smem:$0x3FAB]  }
0x28: {  	s2 =	sld [smem:$0x3FAC]  }
0x29: {  	s4 =	sld [smem:$0x3FAE]  }
0x2a: {  	p0 =	seq.s32 s5, $0x0;
	s5 =	sld [smem:$0x3FAF]  }
0x2b: {  	s6 =	sld [smem:$0x3FB0]  }
0x2c: {  	s7 =	sld [smem:$0x3FB1]  }
0x2d: {  	s3 =	simm.s32 $0x108;
	s8 =	sld [smem:$0x3FB2]  }
0x2e: {  	s3 =	simm.s32 @!p0 $0x1082;
	s9 =	sld [smem:$0x3FB3]  }
0x2f: {  	lr =	sadd.s32 s0, s3;
	s0 =	sld [smem:$0x3FAA]  }
0x30: {  	s3 =	sld [smem:$0x3FAD]  }
0x31: {  	[smem:$0x3FB6] =	sst s10  }
0x32: {  	s10 =	sld [smem:$0x3FB4];
	_ =	sdelay $0x3  }
0x33: {  	p0 =	seq.s32 s10, $0x1;
	s10 =	sld [smem:$0x3FB6];
	_ =	sdelay $0x3  }
0x34: {  	[smem:$0x3FB6] =	sst s10  }
0x35: {  	s10 =	sld [smem:$0x3FB5];
	_ =	sdelay $0x3  }
0x36: {  	p1 =	seq.s32 s10, $0x1;
	s10 =	sld [smem:$0x3FB6];
	_ =	sdelay $0x3  }
0x37: {  	[smem:$0x3FB6] =	sst s10  }
0x38: {  	s10 =	sld [smem:$0x3FB7]  }
0x39: {  	_ = 	snop;
	(pc) =	sbr.ind lr, $3  }
0x3a: {  	_ = 	snop  }
0x3b: {  	_ = 	snop  }
0x3c: {  	p2 =	seq.s32 s10, $0x1;
	s10 =	sld [smem:$0x3FB6]  }
0x3d: {  	_ =	shalt  }
0x3e: {  	_ =	shalt  }
0x3f: {  	_ =	shalt  }
0x40: {  	_ =	shalt  }
0x41: {  	_ =	shalt  }
0x42: {  	_ =	shalt  }
0x43: {  	_ =	shalt  }
0x44: {  	_ =	shalt  }
0x45: {  	_ =	shalt  }
0x46: {  	_ =	shalt  }
0x47: {  	_ =	shalt  }
0x48: {  	_ =	shalt  }
0x49: {  	_ =	shalt  }
0x4a: {  	_ =	shalt  }
0x4b: {  	_ =	shalt  }
0x4c: {  	_ =	shalt  }
0x4d: {  	_ =	shalt  }
0x4e: {  	_ =	shalt  }
0x4f: {  	_ =	shalt  }
0x50: {  	_ =	shalt  }
0x51: {  	_ =	shalt  }
0x52: {  	_ =	shalt  }
0x53: {  	_ =	shalt  }
0x54: {  	_ =	shalt  }
0x55: {  	_ =	shalt  }
0x56: {  	_ =	shalt  }
0x57: {  	_ =	shalt  }
0x58: {  	_ =	shalt  }
0x59: {  	_ =	shalt  }
0x5a: {  	_ =	shalt  }
0x5b: {  	_ =	shalt  }
0x5c: {  	_ =	shalt  }
0x5d: {  	_ =	shalt  }
0x5e: {  	_ =	shalt  }
0x5f: {  	_ =	shalt  }
0x60: {  	_ =	shalt  }
0x61: {  	_ =	shalt  }
0x62: {  	_ =	shalt  }
0x63: {  	_ =	shalt  }
0x64: {  	_ =	shalt  }
0x65: {  	_ =	shalt  }
0x66: {  	_ =	shalt  }
0x67: {  	_ =	shalt  }
0x68: {  	_ =	shalt  }
0x69: {  	_ =	shalt  }
0x6a: {  	_ =	shalt  }
0x6b: {  	_ =	shalt  }
0x6c: {  	_ =	shalt  }
0x6d: {  	_ =	shalt  }
0x6e: {  	_ =	shalt  }
0x6f: {  	_ =	shalt  }
0x70: {  	_ =	shalt  }
0x71: {  	_ =	shalt  }
0x72: {  	_ =	shalt  }
0x73: {  	_ =	shalt  }
0x74: {  	_ =	shalt  }
0x75: {  	_ =	shalt  }
0x76: {  	_ =	shalt  }
0x77: {  	_ =	shalt  }
0x78: {  	_ =	shalt  }
0x79: {  	_ =	shalt  }
0x7a: {  	_ =	shalt  }
0x7b: {  	_ =	shalt  }
0x7c: {  	_ =	shalt  }
0x7d: {  	_ =	shalt  }
0x7e: {  	_ =	shalt  }
0x7f: {  	_ =	shalt  }
0x80: {  	_ =	shalt  }
0x81: {  	_ =	shalt  }
0x82: {  	_ =	shalt  }
0x83: {  	_ =	shalt  }
0x84: {  	_ =	shalt  }
0x85: {  	_ =	shalt  }
0x86: {  	_ =	shalt  }
0x87: {  	_ =	shalt  }
.Lfunc_end0:
.L_simem_size_0:
called_computation.2_lowered:
.L_overlay_start_0:
0x88: {  	s2 =	sld [smem:$0x3FD9]  }
0x89: {  	s3 =	sld [smem:$0x3FFE];
	_ =	sdelay $0x1  }
0x8a: {  	s1 =	srdreg.scid  }
0x8b: {  	s0 =	sand.u32 $0x1, s1  }
0x8c: {  	s17 =	sshll.u32 s0, $0xA;
	s2 =	sadd.s32 s3, s2  }
0x8d: {  	s2 =	sadd.s32 s2, s17  }
0x8e: {  	[smem:$0x3FC2] =	sst s2  }
0x8f: {  	_ = 	snop  }
0x90: {  	s2 =	sld [smem:$0x3FD0];
	(tm) =	ssettm $0x1  }
0x91: {  	s18 =	sld [smem:$0x3FFB];
	_ =	sdelay $0x3  }
0x92: {  	_ =	strace s18  }
0x93: {  	s3 =	sld [smem:$0x3FFC];
	_ =	sdelay $0x3  }
0x94: {  	_ =	strace s3  }
0x95: {  	s3 =	sld [smem:$0x3FFD];
	_ =	sdelay $0x3  }
0x96: {  	_ =	strace s3  }
0x97: {  	_ =	strace $0x8FFFFFFF  }
0x98: {  	s19 =	sld [smem:$0x3FDB];
	_ =	sdelay $0x1  }
0x99: {  	s4 =	simm.s32 $_scs_section_size  }
0x9a: {  	s5 =	simm.s32 $_size__tile_overlayer_lowered;
	s6 =	simm.s32 $_tile_overlayer_lowered  }
0x9b: {  	s22 =	simm.s32 $0x1BFF;
	s21 =	sshll.u32 s6, $0x1;
	s3 =	sadd.s32 s4, s19  }
0x9c: {  	s7 =	simm.s32 $0x0;
	s20 =	sshll.u32 s5, $0x1;
	s5 =	sadd.s32 s21, s3  }
0x9d: {  	[timem:s7], [sflag:s22] =	dma.local [hbm:s5], s20  }
0x9e: {  	_ =	swait.ge [sflag:s22], s20  }
0x9f: {  	s4 =	ssub.s32 $0x0, s20;
	[sflag:s22] =	ssyncset.done $0x0  }
0xa0: {  	[sflag:s22] =	ssyncadd.s32 s4;
	_ =	sdelay $0x1  }
0xa1: {  	s23 =	simm.s32 $0x1B8B  }
0xa2: {  	_ =	swait.ge [sflag:s23], $0x1  }
0xa3: {  	[sflag:s23] =	ssyncset.done $0x0  }
0xa4: {  	s25 =	simm.s32 $0x1B8E;
	s24 =	sld [smem:$0x3FFE];
	[sflag:s23] =	ssyncadd.s32 $0xFFFFFFFF  }
0xa5: {  	s26 =	simm.s32 $execute0_lowered;
	[smem:$0x3FD2] =	sst s25  }
0xa6: {  	s5 =	sshll.u32 s26, $0x1;
	_ =	strace $0x8000004C;
	[dreg:$0x1] =	wrdreg $0xFFFFFFFF  }
0xa7: {  	s28 =	simm.s32 $_size_execute0_lowered;
	s3 =	sadd.s32 s3, s5;
	[dreg:$0x0] =	wrdreg $0x0  }
0xa8: {  	s5 =	sshll.u32 s28, $0x1;
	[dreg:$0x2] =	wrdreg s3  }
0xa9: {  	[dreg:$0x3] =	wrdreg s5  }
0xaa: {  	[dreg:$0x4] =	wrdreg $0xC0  }
0xab: {  	_ =	task [dreg:s7], $0x5FFFF  }
0xac: {  	[dreg:$0x1] =	wrdreg $0xFFFFFFFF  }
0xad: {  	[dreg:$0x0] =	wrdreg $0x60  }
0xae: {  	[dreg:$0x2] =	wrdreg s2  }
0xaf: {  	[dreg:$0x3] =	wrdreg s24  }
0xb0: {  	[dreg:$0x4] =	wrdreg $0x52000  }
0xb1: {  	[dreg:$0x5] =	wrdreg $0x9  }
0xb2: {  	_ =	task.clear_ibuf [dreg:s7], $0x6FFFF;
	_ =	strace $0x9000004C  }
0xb3: {  	s29 =	simm.s32 $0x9;
	_ =	strace $0x8000004E  }
0xb4: {  	_ =	swait.ge [sflag:s29], $0x1  }
0xb5: {  	[sflag:s29] =	ssyncadd.s32 $0xFFFFFFFF  }
0xb6: {  	_ =	strace $0x9000004E  }
0xb7: {  	_ =	sfence  }
0xb8: {  	s30 =	sld [smem:$0x0];
	_ =	sdelay $0x2  }
0xb9: {  	s31 =	sshll.u32 s1, $0xD;
	s1 =	sshrl.u32 s1, $0x2  }
0xba: {  	s3 =	sand.u32 $0x4000, s31;
	s1 =	sadd.s32 s1, s30  }
0xbb: {  	s0 =	sor.u32 s3, s0;
	s1 =	sshll.u32 s1, $0x11  }
0xbc: {  	s0 =	sor.u32 s1, s0  }
0xbd: {  	s0 =	sadd.s32 $0x8F2B, s0  }
0xbe: {  	[sflag:s0] =	ssyncadd.remote.s32 $0x1  }
0xbf: {  	_ =	sfence.sel $0xFFFF  }
0xc0: {  	[dreg:$0x0] =	wrdreg $0xFFFFFFFF;
	(pc) =	sbr.abs _section_cstart, $3  }
0xc1: {  	[dreg:$0x1] =	wrdreg $0xFFFFFFFF  }
0xc2: {  	_ =	task.clear_ibuf [dreg:s7], $0x2FFFF;
	_ =	strace $0x9FFFFFFF  }
0xc3: {  	(tm) =	ssettm $0x7FFFFFFF  }
tec
execute0_lowered:
.L_overlay_start_1:
0x0: {  	(tag) =	ssettag $0x1  }
0x1: {  	s1 =	rddreg [dreg:$0x0];
	s0 =	srdreg.scid  }
0x2: {  	s3 =	rddreg [dreg:$0x1];
	s23 =	stileid.u32  }
0x3: {  	s2 =	rddreg [dreg:$0x2];
	s5 =	simm.s32 $0x0;
	s17 =	simm.s32 $0x2200  }
0x4: {  	s18 =	simm.s32 $0x4;
	s19 =	simm.s32 $0x80;
	s20 =	simm.s32 $0x2000  }
0x5: {  	s21 =	simm.s32 $0x2080;
	s22 =	simm.s32 $0x3A00;
	s10 =	smul.u32 $0x7800, s23  }
0x6: {  	s28 =	simm.s32 $0x2180;
	s29 =	simm.s32 $0x0;
	s7 =	smul.u32 $0xC, s23  }
0x7: {  	s6 =	sand.u32 $0x1, s0;
	[smem:$0x7FF] =	sst s5;
	s8 =	smul.u32 $0x94, s23  }
0x8: {  	s5 =	simm.s32 $0x94;
	s11 =	smul.u32 $0x1E000, s23;
	s23 =	simm.s32 $0x1  }
0x9: {  	s4 =	smul.u32 $0x78000, s6;
	_ =	strace $0x8000004D;
	p0 =	seq.s32 s6, $0x0  }
0xa: {  	s6 =	ssub.s32 $0x2, s6;
	s5 =	simm.s32 @!p0 $0xC;
	s7 =	sadd.s32 $0x940, s7  }
0xb: {  	s9 =	sshrl.u32 s6, $0x1;
	s25 =	sshrl.u32 s11, $0x2;
	s30 =	sadd.s32 s10, s2  }
0xc: {  	s4 =	sadd.s32 s10, s4;
	s7 =	smov.u32 @p0 s8;
	s12 =	ssub.s32 s6, s9  }
0xd: {  	s6 =	sshrl.u32 s5, $0x1;
	s10 =	sadd.s32 s25, s2;
	s25 =	sshrl.u32 s30, $0x3  }
0xe: {  	s24 =	sshrl.u32 s4, $0x3;
	s4 =	sadd.s32 $0x1E00, s3;
	s7 =	sshll.u32 s7, $0x4  }
.Ltmp0:
0xf: {  	s8 =	sadd.s32 $0xFFFFFFFF, s6;
	s31 =	smax.u32 s12, $0x1;
	(pc) =	sbr.rel .LBB2_1-.Ltmp0, $4  }
0x10: {  	s12 =	sadd.s32 $0x1800, s10;
	s13 =	sadd.s32 $0x3000, s10;
	s14 =	sadd.s32 $0x4800, s10  }
0x11: {  	s15 =	sadd.s32 $0x6000, s10;
	s3 =	sadd.s32 s24, s3;
	s7 =	sadd.s32 s1, s7  }
0x12: {  	[dreg:$0x5] =	wrdreg s31;
	s24 =	simm.s32 $0x2100;
	s26 =	sadd.s32 $0x10E00, s3  }
0x13: {  	v0 =	vimm.f32 $0.0e+00;
	s1 =	sadd.s32 $0x220, s7;
	[dreg:$0x4] =	wrdreg s26;
	s26 =	simm.s32 $0x2  }
.LBB2_7:
0x14: {  	s0 =	stileid.u32  }
0x15: {  	[bflag:$0x0] =	sbarrier.arrive $0xFFFF;
	s0 =	sshll.u32 s0, $0x6  }
0x16: {  	s3 =	rddreg [dreg:$0x4];
	s0 =	sor.u32 $0x1C04, s0  }
0x17: {  	[hbm:s3], [sflag:s0] =	dma.local [spmem:s25], $0xF00  }
0x18: {  	_ =	swait.ge [sflag:s18], $0xF00  }
0x19: {  	s29 =	sadd.s32 $0x1, s29;
	s31 =	rddreg [dreg:$0x5]  }
0x1a: {  	p0 =	sne.s32 s29, s31  }
.Ltmp1:
0x1b: {  	_ = 	snop;
	(pc) =	sbr.rel @!p0 .LBB2_8-.Ltmp1, $3  }
0x1c: {  	_ =	sdelay $0x1  }
0x1d: {  	[sflag:s18] =	ssyncset.done $0x0  }
0x1e: {  	[sflag:s18] =	ssyncadd.s32 $0xFFFFF100  }
.LBB2_1:
0x1f: {  	s0 =	simm.s32 $0x0  }
0x20: {  	s3 =	smul.u32 $0xAAAB, s0;
	_ =	sdelay $0x1  }
0x21: {  	s16 =	sshrl.u32 s3, $0x11  }
0x22: {  	s30 =	simm.s32 $0x0;
	s3 =	simm.s32 $0x1;
	s31 =	smul.u32 $0x3, s16  }
.LBB2_2:
0x23: {  	s0 =	smul.u32 $0xAAAB, s3  }
0x24: {  	s9 =	smov.u32 s3;
	s16 =	smul.u32 $0xC0, s16;
	p0 =	sne.s32 s3, $0x17F  }
.Ltmp2:
0x25: {  	s30 =	ssub.s32 s30, s31;
	(pc) =	sbr.rel @p0 .LBB2_2-.Ltmp2, $4  }
0x26: {  	s3 =	sadd.s32 $0x1, s3;
	s30 =	sand.u32 $0xFFFF, s30  }
0x27: {  	s31 =	sshrl.u32 s16, $0x2;
	s11 =	sshll.u32 s30, $0x4;
	s30 =	smov.u32 s9  }
0x28: {  	s16 =	sshrl.u32 s0, $0x11;
	s0 =	sadd.s32 s11, s31  }
0x29: {  	s31 =	smul.u32 $0x3, s16;
	[tilespmem:s0+$0x2200] =	vst v0  }
0x2a: {  	_ = 	snop  }
0x2b: {  	s3 =	smul.u32 $0xC0, s16;
	s0 =	ssub.s32 s30, s31  }
0x2c: {  	s0 =	sand.u32 $0xFFFF, s0  }
0x2d: {  	s3 =	sshrl.u32 s3, $0x2;
	s0 =	sshll.u32 s0, $0x4  }
0x2e: {  	s0 =	sadd.s32 s0, s3  }
0x2f: {  	[tilespmem:s0+$0x2200] =	vst v0  }
0x30: {  	[spmem:s10] =	stream.linear.scatter [tilespmem:s17], [sflag:$0x4], $0x1800, $0x38;
	[tilespmem:$0xCA00] =	vst v63  }
0x31: {  	_ =	swait.ge [sflag:s18], $0x1800  }
0x32: {  	[sflag:s18] =	ssyncset.done $0x0  }
0x33: {  	[sflag:s18] =	ssyncadd.s32 $0xFFFFE800  }
0x34: {  	[spmem:s12] =	stream.linear.scatter [tilespmem:s17], [sflag:$0x4], $0x1800, $0x38;
	[tilespmem:$0xCA00] =	vst v63  }
0x35: {  	_ =	swait.ge [sflag:s18], $0x1800  }
0x36: {  	[sflag:s18] =	ssyncset.done $0x0  }
0x37: {  	[sflag:s18] =	ssyncadd.s32 $0xFFFFE800  }
0x38: {  	[spmem:s13] =	stream.linear.scatter [tilespmem:s17], [sflag:$0x4], $0x1800, $0x38;
	[tilespmem:$0xCA00] =	vst v63  }
0x39: {  	_ =	swait.ge [sflag:s18], $0x1800  }
0x3a: {  	[sflag:s18] =	ssyncset.done $0x0  }
0x3b: {  	[sflag:s18] =	ssyncadd.s32 $0xFFFFE800  }
0x3c: {  	[spmem:s14] =	stream.linear.scatter [tilespmem:s17], [sflag:$0x4], $0x1800, $0x38;
	[tilespmem:$0xCA00] =	vst v63  }
0x3d: {  	_ =	swait.ge [sflag:s18], $0x1800  }
0x3e: {  	[sflag:s18] =	ssyncset.done $0x0  }
0x3f: {  	[sflag:s18] =	ssyncadd.s32 $0xFFFFE800  }
0x40: {  	[spmem:s15] =	stream.linear.scatter [tilespmem:s17], [sflag:$0x4], $0x1800, $0x38;
	[tilespmem:$0xCA00] =	vst v63  }
0x41: {  	_ =	swait.ge [sflag:s18], $0x1800  }
0x42: {  	[sflag:s18] =	ssyncset.done $0x0  }
0x43: {  	s30 =	simm.s32 $0x0;
	[sflag:s18] =	ssyncadd.s32 $0xFFFFE800  }
0x44: {  	[tilespmem:s30], [sflag:$0x4] =	stream.linear.gather [hbm4b:s7+s30], $0x2000, $0x38;
	[tilespmem:$0xCA00] =	vst v63  }
0x45: {  	_ =	swait.ge [sflag:s18], $0x2000  }
0x46: {  	[sflag:s18] =	ssyncset.done $0x0  }
0x47: {  	[sflag:s18] =	ssyncadd.s32 $0xFFFFE000  }
0x48: {  	[bflag:$0x0] =	sbarrier.arrive $0xFFFF  }
0x49: {  	v1 =	vld [tilespmem:$0x0];
	_ =	sdelay $0x1  }
0x4a: {  	v2 =	vld [tilespmem:$0x10];
	_ =	sdelay $0x1  }
0x4b: {  	v3 =	vld [tilespmem:$0x20]  }
0x4c: {  	v4 =	vand.u32 $0xFFFF, v1  }
0x4d: {  	v62 =	vld [tilespmem:$0x30];
	v1 =	vshra.s32 v1, $0x10;
	[tilespmem:$0x2000] =	vst v4  }
0x4e: {  	[tilespmem:$0x2100] =	vst v1;
	v1 =	vand.u32 $0xFFFF, v2  }
0x4f: {  	[tilespmem:$0x2010] =	vst v1;
	v1 =	vshra.s32 v2, $0x10;
	v2 =	vld [tilespmem:$0x40]  }
0x50: {  	[tilespmem:$0x2110] =	vst v1;
	v1 =	vand.u32 $0xFFFF, v3  }
0x51: {  	[tilespmem:$0x2020] =	vst v1;
	v1 =	vshra.s32 v3, $0x10;
	v3 =	vld [tilespmem:$0x50]  }
0x52: {  	[tilespmem:$0x2120] =	vst v1;
	v1 =	vand.u32 $0xFFFF, v62  }
0x53: {  	v63 =	vld [tilespmem:$0x60];
	[tilespmem:$0x2030] =	vst v1;
	v1 =	vshra.s32 v62, $0x10  }
0x54: {  	[tilespmem:$0x2130] =	vst v1;
	v1 =	vand.u32 $0xFFFF, v2  }
0x55: {  	[tilespmem:$0x2040] =	vst v1;
	v1 =	vshra.s32 v2, $0x10;
	v2 =	vld [tilespmem:$0x70]  }
0x56: {  	[tilespmem:$0x2140] =	vst v1;
	v1 =	vand.u32 $0xFFFF, v3  }
0x57: {  	[tilespmem:$0x2050] =	vst v1;
	v1 =	vshra.s32 v3, $0x10  }
0x58: {  	[tilespmem:$0x2150] =	vst v1;
	v1 =	vand.u32 $0xFFFF, v63  }
.Ltmp3:
0x59: {  	[tilespmem:$0x2060] =	vst v1;
	v1 =	vshra.s32 v63, $0x10;
	(pc) =	sbr.rel .LBB2_4-.Ltmp3, $4  }
0x5a: {  	[tilespmem:$0x2160] =	vst v1;
	v1 =	vand.u32 $0xFFFF, v2  }
0x5b: {  	[tilespmem:$0x2070] =	vst v1;
	v1 =	vshra.s32 v2, $0x10  }
0x5c: {  	s16 =	smov.u32 s1;
	s31 =	simm.s32 $0x22;
	s3 =	simm.s32 $0x0;
	[tilespmem:$0x2170] =	vst v1  }
0x5d: {  	[tilespmem:s17], [sflag:$0x1] =	stream.indirect.gather [hbm4b:s4+s19], $0x30, s20, s19, $0xb8;
	[tilespmem:$0xCA00] =	vst v63  }
.LBB2_6:
0x5e: {  	_ =	swait.ge [sflag:s26], $0x1800;
	s3 =	sadd.s32 $0x1, s3  }
0x5f: {  	[sflag:s26] =	ssyncset.done $0x0;
	p0 =	sne.s32 s6, s3  }
.Ltmp4:
0x60: {  	[sflag:s26] =	ssyncadd.s32 $0xFFFFE800;
	(pc) =	sbr.rel @!p0 .LBB2_7-.Ltmp4, $4  }
0x61: {  	[spmem:s2] =	stream.indirect.scatter.add.f32 [tilespmem:s22], [sflag:$0x4], $0x30, s28, s19, $0xb8;
	[tilespmem:$0xCA00] =	vst v63  }
0x62: {  	_ =	swait.ge [sflag:s18], $0x1800  }
0x63: {  	s30 =	sadd.s32 $0x100, s30;
	[sflag:s18] =	ssyncset.done $0x0  }
0x64: {  	s16 =	sadd.s32 $0x20, s16;
	s31 =	sadd.s32 $0x2, s31;
	[sflag:s18] =	ssyncadd.s32 $0xFFFFE800  }
.LBB2_4:
0x65: {  	s0 =	sand.u32 $0x1F00, s30  }
0x66: {  	v1 =	vld [tilespmem:s0+$0x80];
	_ =	sdelay $0x4  }
0x67: {  	v2 =	vand.u32 $0xFFFF, v1  }
0x68: {  	v1 =	vshra.s32 v1, $0x10;
	[tilespmem:$0x2080] =	vst v2  }
0x69: {  	[tilespmem:$0x2180] =	vst v1  }
0x6a: {  	v1 =	vld [tilespmem:s0+$0x90];
	_ =	sdelay $0x4  }
0x6b: {  	v2 =	vand.u32 $0xFFFF, v1  }
0x6c: {  	v1 =	vshra.s32 v1, $0x10;
	[tilespmem:$0x2090] =	vst v2  }
0x6d: {  	[tilespmem:$0x2190] =	vst v1  }
0x6e: {  	v1 =	vld [tilespmem:s0+$0xA0];
	_ =	sdelay $0x4  }
0x6f: {  	v2 =	vand.u32 $0xFFFF, v1  }
0x70: {  	v1 =	vshra.s32 v1, $0x10;
	[tilespmem:$0x20A0] =	vst v2  }
0x71: {  	[tilespmem:$0x21A0] =	vst v1  }
0x72: {  	v1 =	vld [tilespmem:s0+$0xB0];
	_ =	sdelay $0x4  }
0x73: {  	v2 =	vand.u32 $0xFFFF, v1  }
0x74: {  	v1 =	vshra.s32 v1, $0x10;
	[tilespmem:$0x20B0] =	vst v2  }
0x75: {  	[tilespmem:$0x21B0] =	vst v1  }
0x76: {  	v1 =	vld [tilespmem:s0+$0xC0];
	_ =	sdelay $0x4  }
0x77: {  	v2 =	vand.u32 $0xFFFF, v1  }
0x78: {  	v1 =	vshra.s32 v1, $0x10;
	[tilespmem:$0x20C0] =	vst v2  }
0x79: {  	[tilespmem:$0x21C0] =	vst v1  }
0x7a: {  	v1 =	vld [tilespmem:s0+$0xD0];
	_ =	sdelay $0x4  }
0x7b: {  	v2 =	vand.u32 $0xFFFF, v1  }
0x7c: {  	v1 =	vshra.s32 v1, $0x10;
	[tilespmem:$0x20D0] =	vst v2  }
0x7d: {  	[tilespmem:$0x21D0] =	vst v1  }
0x7e: {  	v1 =	vld [tilespmem:s0+$0xE0];
	_ =	sdelay $0x4  }
0x7f: {  	v2 =	vand.u32 $0xFFFF, v1  }
0x80: {  	v1 =	vshra.s32 v1, $0x10;
	[tilespmem:$0x20E0] =	vst v2  }
0x81: {  	[tilespmem:$0x21E0] =	vst v1  }
0x82: {  	v1 =	vld [tilespmem:s0+$0xF0];
	_ =	sdelay $0x4  }
0x83: {  	v2 =	vand.u32 $0xFFFF, v1  }
0x84: {  	v1 =	vshra.s32 v1, $0x10;
	[tilespmem:$0x20F0] =	vst v2  }
0x85: {  	[tilespmem:$0x21F0] =	vst v1  }
0x86: {  	[tilespmem:s22], [sflag:$0x2] =	stream.indirect.gather [hbm4b:s4+s19], $0x30, s21, s19, $0xb8;
	[tilespmem:$0xCA00] =	vst v63  }
0x87: {  	_ =	swait.ge [sflag:s23], $0x1800  }
0x88: {  	p0 =	sge.u32 s3, s8;
	[sflag:s23] =	ssyncset.done $0x0  }
.Ltmp5:
0x89: {  	[sflag:s23] =	ssyncadd.s32 $0xFFFFE800;
	(pc) =	sbr.rel @p0 .LBB2_6-.Ltmp5, $4  }
0x8a: {  	[spmem:s2] =	stream.indirect.scatter.add.f32 [tilespmem:s17], [sflag:$0x4], $0x30, s24, s19, $0xb8;
	[tilespmem:$0xCA00] =	vst v63  }
0x8b: {  	_ =	swait.ge [sflag:s18], $0x1800  }
0x8c: {  	[sflag:s18] =	ssyncset.done $0x0  }
0x8d: {  	[sflag:s18] =	ssyncadd.s32 $0xFFFFE800  }
0x8e: {  	s0 =	sadd.s32 $0xFFFFFFE0, s31  }
0x8f: {  	s0 =	sand.u32 $0x1E, s0  }
0x90: {  	p0 =	sne.s32 s0, $0x0  }
0x91: {  	p1 =	slt.u32 @!p0 s3, $0x1F  }
0x92: {  	p1 =	por p1, p0  }
0x93: {  	p2 =	sge.u32 @!p0 s31, s5;
	s0 =	simm.s32 @!p1 $0x3  }
0x94: {  	p0 =	por p2, p0;
	_ =	swait.ge @!p1 [sflag:s0], $0x1000  }
0x95: {  	s11 =	sadd.s32 $0x100, s30;
	s9 =	sadd.s32 @!p0 $0x1100, s30;
	[sflag:s0] =	ssyncset.done @!p1 $0x0  }
0x96: {  	[sflag:s0] =	ssyncadd.s32 @!p1 $0xFFFFF000;
	s0 =	sand.u32 @!p0 $0x1000, s9;
	s9 =	simm.s32 @!p0 $0x0  }
0x97: {  	[tilespmem:s0], [sflag:$0x3] =	stream.linear.gather @!p0 [hbm4b:s16+s9], $0x1000, $0x38;
	[tilespmem:$0xCA00] =	vst v63  }
0x98: {  	s0 =	sand.u32 $0x1F00, s11  }
0x99: {  	v1 =	vld [tilespmem:s0+$0x0];
	_ =	sdelay $0x4  }
0x9a: {  	v2 =	vand.u32 $0xFFFF, v1  }
0x9b: {  	v1 =	vshra.s32 v1, $0x10;
	[tilespmem:$0x2000] =	vst v2  }
0x9c: {  	[tilespmem:$0x2100] =	vst v1  }
0x9d: {  	v1 =	vld [tilespmem:s0+$0x10];
	_ =	sdelay $0x4  }
0x9e: {  	v2 =	vand.u32 $0xFFFF, v1  }
0x9f: {  	v1 =	vshra.s32 v1, $0x10;
	[tilespmem:$0x2010] =	vst v2  }
0xa0: {  	[tilespmem:$0x2110] =	vst v1  }
0xa1: {  	v1 =	vld [tilespmem:s0+$0x20];
	_ =	sdelay $0x4  }
0xa2: {  	v2 =	vand.u32 $0xFFFF, v1  }
0xa3: {  	v1 =	vshra.s32 v1, $0x10;
	[tilespmem:$0x2020] =	vst v2  }
0xa4: {  	[tilespmem:$0x2120] =	vst v1  }
0xa5: {  	v1 =	vld [tilespmem:s0+$0x30];
	_ =	sdelay $0x4  }
0xa6: {  	v2 =	vand.u32 $0xFFFF, v1  }
0xa7: {  	v1 =	vshra.s32 v1, $0x10;
	[tilespmem:$0x2030] =	vst v2  }
0xa8: {  	[tilespmem:$0x2130] =	vst v1  }
0xa9: {  	v1 =	vld [tilespmem:s0+$0x40];
	_ =	sdelay $0x4  }
0xaa: {  	v2 =	vand.u32 $0xFFFF, v1  }
0xab: {  	v1 =	vshra.s32 v1, $0x10;
	[tilespmem:$0x2040] =	vst v2  }
0xac: {  	[tilespmem:$0x2140] =	vst v1  }
0xad: {  	v1 =	vld [tilespmem:s0+$0x50];
	_ =	sdelay $0x4  }
0xae: {  	v2 =	vand.u32 $0xFFFF, v1  }
0xaf: {  	v1 =	vshra.s32 v1, $0x10;
	[tilespmem:$0x2050] =	vst v2  }
0xb0: {  	[tilespmem:$0x2150] =	vst v1  }
0xb1: {  	v1 =	vld [tilespmem:s0+$0x60];
	_ =	sdelay $0x4  }
0xb2: {  	v2 =	vand.u32 $0xFFFF, v1  }
0xb3: {  	v1 =	vshra.s32 v1, $0x10;
	[tilespmem:$0x2060] =	vst v2  }
0xb4: {  	[tilespmem:$0x2160] =	vst v1  }
0xb5: {  	v1 =	vld [tilespmem:s0+$0x70];
	_ =	sdelay $0x3  }
.Ltmp6:
0xb6: {  	_ = 	snop;
	(pc) =	sbr.rel .LBB2_6-.Ltmp6, $4  }
0xb7: {  	v2 =	vand.u32 $0xFFFF, v1  }
0xb8: {  	v1 =	vshra.s32 v1, $0x10;
	[tilespmem:$0x2070] =	vst v2  }
0xb9: {  	[tilespmem:$0x2170] =	vst v1  }
0xba: {  	[tilespmem:s17], [sflag:$0x1] =	stream.indirect.gather [hbm4b:s4+s19], $0x30, s20, s19, $0xb8;
	[tilespmem:$0xCA00] =	vst v63  }
.LBB2_8:
0xbb: {  	_ =	sfence.sel $0x180000  }
0xbc: {  	[bflag:$0x0] =	sbarrier.arrive $0xFFFF  }
0xbd: {  	_ =	strace $0x9000004D  }
0xbe: {  	s0 =	stileid.u32;
	[bflag:$0x2] =	sbarrier.arrive $0xFFFF  }
0xbf: {  	p0 =	sne.s32 s0, $0x0;
	s0 =	rddreg [dreg:$0x3]  }
0xc0: {  	s0 =	sadd.s32 @!p0 $0x100000, s0  }
0xc1: {  	[sflag:s0] =	ssyncadd.tile.s32 @!p0 $0x1;
	_ =	shalt  }
.Lfunc_end2:
_tile_overlayer_lowered:
.L_overlay_start_2:
0xc2: {  	(tag) =	ssettag $0x2  }
0xc3: {  	s0 =	rddreg [dreg:$0x0];
	s2 =	stileid.u32  }
0xc4: {  	s1 =	rddreg [dreg:$0x1];
	p0 =	sne.s32 s2, $0x0  }
0xc5: {  	s3 =	rddreg [dreg:$0x2];
	[bflag:$0x3] =	sbarrier.arrive $0xFFFF;
	s2 =	simm.s32 @!p0 $0x1C04  }
0xc6: {  	[timem:s3], [sflag:s2] =	dma.local @!p0 [hbm:s0], s1  }
0xc7: {  	s0 =	simm.s32 @!p0 $0x4  }
0xc8: {  	_ =	swait.ge @!p0 [sflag:s0], s1  }
0xc9: {  	s1 =	ssub.s32 @!p0 $0x0, s1;
	[sflag:s0] =	ssyncset.done @!p0 $0x0  }
0xca: {  	[sflag:s0] =	ssyncadd.s32 @!p0 s1  }
0xcb: {  	[bflag:$0x3] =	sbarrier.arrive $0xFFFF  }
0xcc: {  	_ =	shalt  }

// kernel: kernel.8.cloned.1.call-start
scs
__scs_entry_jumppad:
0x0: {  	(pc) =	sbr.rel $0x88, $3  }
0x1: {  	(tag) =	ssettag $0x0;
	lr =	simm.s32 $0x1  }
0x2: {  	[smem:$0x3F9B] =	sst lr;
	_ =	strace $0xD0000000  }
0x3: {  	_ = 	snop  }
0x4: {  	_ = 	snop  }
0x5: {  	_ = 	snop  }
0x6: {  	_ = 	snop  }
0x7: {  	_ = 	snop  }
__scs_overlays_trampoline_lowered:
0x8: {  	[smem:$0x3FAA] =	sst s0  }
0x9: {  	[smem:$0x3FAB] =	sst s1  }
0xa: {  	[smem:$0x3FAC] =	sst s2  }
0xb: {  	[smem:$0x3FAD] =	sst s3  }
0xc: {  	[smem:$0x3FAE] =	sst s4  }
0xd: {  	[smem:$0x3FAF] =	sst s5  }
0xe: {  	[smem:$0x3FB0] =	sst s6  }
0xf: {  	[smem:$0x3FB1] =	sst s7  }
0x10: {  	[smem:$0x3FB2] =	sst s8  }
0x11: {  	[smem:$0x3FB3] =	sst s9;
	s0 =	simm.s32 @!p0 $0x0  }
0x12: {  	s1 =	sld [smem:$0x3F99];
	s0 =	simm.s32 @p0 $0x1  }
0x13: {  	[smem:$0x3FB4] =	sst s0;
	s0 =	simm.s32 @!p1 $0x0  }
0x14: {  	s2 =	sld [smem:$0x3F98];
	s0 =	simm.s32 @p1 $0x1  }
0x15: {  	[smem:$0x3FB5] =	sst s0;
	s0 =	simm.s32 @!p2 $0x0  }
0x16: {  	s3 =	sld [smem:$0x3FDB];
	s0 =	simm.s32 @p2 $0x1  }
0x17: {  	s4 =	simm.s32 $0x1BF5;
	[smem:$0x3FB7] =	sst s0  }
0x18: {  	s0 =	sld [smem:$0x3F9A];
	_ =	swait.ge [sflag:s4], $0x0  }
0x19: {  	s7 =	sld [smem:$0x3F9B]  }
0x1a: {  	s8 =	sadd.s32 $0xFFFFE003, lr  }
0x1b: {  	s9 =	sadd.s32 $0xFFFFFEF7, lr;
	s5 =	simm.s32 $0xFFFFFFFF;
	p2 =	slt.u32 s8, $0xFFFFF086  }
0x1c: {  	p1 =	slt.u32 s9, $0xF7A;
	s5 =	simm.s32 @!p2 $0x0  }
0x1d: {  	s5 =	simm.s32 @p1 $0x1;
	p0 =	seq.s32 s7, s2  }
0x1e: {  	s7 =	smul.u32 @!p0 $0xF7A, s2;
	p2 =	seq.s32 @!p0 s5, $0x0  }
0x1f: {  	s9 =	smul.u32 $0xF7A, s1;
	s8 =	simm.s32 @!p0 $0x1BF5;
	p2 =	por !p2, p0  }
0x20: {  	[sflag:s8] =	ssyncset.s32 @!p0 $0xFFFFF086;
	s6 =	sadd.s32 @!p0 s3, s7;
	s7 =	simm.s32 @!p0 $0x108  }
0x21: {  	s3 =	sadd.s32 s3, s9;
	s6 =	sadd.s32 @!p0 $0x88, s6;
	s7 =	simm.s32 @p2 $0x1082  }
0x22: {  	[simem:s7], [sflag:s8] =	dma.local @!p0 [hbm:s6], $0xF7A  }
0x23: {  	s9 =	sor.u32 $0xD0000000, s2;
	s6 =	simm.s32 $0x108;
	_ =	swait.ge @!p0 [sflag:s8], $0x0  }
0x24: {  	s3 =	sadd.s32 $0x88, s3;
	s6 =	simm.s32 @!p1 $0x1082;
	[sflag:s4] =	ssyncset.s32 $0xFFFFF086  }
0x25: {  	[simem:s6], [sflag:s4] =	dma.local [hbm:s3], $0xF7A  }
0x26: {  	[smem:$0x3F9B] =	sst s1;
	(tag) =	ssettag s2;
	_ =	strace s9  }
0x27: {  	s1 =	sld [smem:$0x3FAB]  }
0x28: {  	s2 =	sld [smem:$0x3FAC]  }
0x29: {  	s4 =	sld [smem:$0x3FAE]  }
0x2a: {  	p0 =	seq.s32 s5, $0x0;
	s5 =	sld [smem:$0x3FAF]  }
0x2b: {  	s6 =	sld [smem:$0x3FB0]  }
0x2c: {  	s7 =	sld [smem:$0x3FB1]  }
0x2d: {  	s3 =	simm.s32 $0x108;
	s8 =	sld [smem:$0x3FB2]  }
0x2e: {  	s3 =	simm.s32 @!p0 $0x1082;
	s9 =	sld [smem:$0x3FB3]  }
0x2f: {  	lr =	sadd.s32 s0, s3;
	s0 =	sld [smem:$0x3FAA]  }
0x30: {  	s3 =	sld [smem:$0x3FAD]  }
0x31: {  	[smem:$0x3FB6] =	sst s10  }
0x32: {  	s10 =	sld [smem:$0x3FB4];
	_ =	sdelay $0x3  }
0x33: {  	p0 =	seq.s32 s10, $0x1;
	s10 =	sld [smem:$0x3FB6];
	_ =	sdelay $0x3  }
0x34: {  	[smem:$0x3FB6] =	sst s10  }
0x35: {  	s10 =	sld [smem:$0x3FB5];
	_ =	sdelay $0x3  }
0x36: {  	p1 =	seq.s32 s10, $0x1;
	s10 =	sld [smem:$0x3FB6];
	_ =	sdelay $0x3  }
0x37: {  	[smem:$0x3FB6] =	sst s10  }
0x38: {  	s10 =	sld [smem:$0x3FB7]  }
0x39: {  	_ = 	snop;
	(pc) =	sbr.ind lr, $3  }
0x3a: {  	_ = 	snop  }
0x3b: {  	_ = 	snop  }
0x3c: {  	p2 =	seq.s32 s10, $0x1;
	s10 =	sld [smem:$0x3FB6]  }
0x3d: {  	_ =	shalt  }
0x3e: {  	_ =	shalt  }
0x3f: {  	_ =	shalt  }
0x40: {  	_ =	shalt  }
0x41: {  	_ =	shalt  }
0x42: {  	_ =	shalt  }
0x43: {  	_ =	shalt  }
0x44: {  	_ =	shalt  }
0x45: {  	_ =	shalt  }
0x46: {  	_ =	shalt  }
0x47: {  	_ =	shalt  }
0x48: {  	_ =	shalt  }
0x49: {  	_ =	shalt  }
0x4a: {  	_ =	shalt  }
0x4b: {  	_ =	shalt  }
0x4c: {  	_ =	shalt  }
0x4d: {  	_ =	shalt  }
0x4e: {  	_ =	shalt  }
0x4f: {  	_ =	shalt  }
0x50: {  	_ =	shalt  }
0x51: {  	_ =	shalt  }
0x52: {  	_ =	shalt  }
0x53: {  	_ =	shalt  }
0x54: {  	_ =	shalt  }
0x55: {  	_ =	shalt  }
0x56: {  	_ =	shalt  }
0x57: {  	_ =	shalt  }
0x58: {  	_ =	shalt  }
0x59: {  	_ =	shalt  }
0x5a: {  	_ =	shalt  }
0x5b: {  	_ =	shalt  }
0x5c: {  	_ =	shalt  }
0x5d: {  	_ =	shalt  }
0x5e: {  	_ =	shalt  }
0x5f: {  	_ =	shalt  }
0x60: {  	_ =	shalt  }
0x61: {  	_ =	shalt  }
0x62: {  	_ =	shalt  }
0x63: {  	_ =	shalt  }
0x64: {  	_ =	shalt  }
0x65: {  	_ =	shalt  }
0x66: {  	_ =	shalt  }
0x67: {  	_ =	shalt  }
0x68: {  	_ =	shalt  }
0x69: {  	_ =	shalt  }
0x6a: {  	_ =	shalt  }
0x6b: {  	_ =	shalt  }
0x6c: {  	_ =	shalt  }
0x6d: {  	_ =	shalt  }
0x6e: {  	_ =	shalt  }
0x6f: {  	_ =	shalt  }
0x70: {  	_ =	shalt  }
0x71: {  	_ =	shalt  }
0x72: {  	_ =	shalt  }
0x73: {  	_ =	shalt  }
0x74: {  	_ =	shalt  }
0x75: {  	_ =	shalt  }
0x76: {  	_ =	shalt  }
0x77: {  	_ =	shalt  }
0x78: {  	_ =	shalt  }
0x79: {  	_ =	shalt  }
0x7a: {  	_ =	shalt  }
0x7b: {  	_ =	shalt  }
0x7c: {  	_ =	shalt  }
0x7d: {  	_ =	shalt  }
0x7e: {  	_ =	shalt  }
0x7f: {  	_ =	shalt  }
0x80: {  	_ =	shalt  }
0x81: {  	_ =	shalt  }
0x82: {  	_ =	shalt  }
0x83: {  	_ =	shalt  }
0x84: {  	_ =	shalt  }
0x85: {  	_ =	shalt  }
0x86: {  	_ =	shalt  }
0x87: {  	_ =	shalt  }
.Lfunc_end0:
.L_simem_size_0:
called_computation_lowered:
.L_overlay_start_0:
0x88: {  	s2 =	sld [smem:$0x3FD9]  }
0x89: {  	s3 =	sld [smem:$0x3FFE];
	_ =	sdelay $0x1  }
0x8a: {  	s1 =	srdreg.scid  }
0x8b: {  	s0 =	sand.u32 $0x1, s1  }
0x8c: {  	s17 =	sshll.u32 s0, $0xA;
	s2 =	sadd.s32 s3, s2  }
0x8d: {  	s2 =	sadd.s32 s2, s17  }
0x8e: {  	[smem:$0x3FC2] =	sst s2  }
0x8f: {  	_ = 	snop  }
0x90: {  	s2 =	sld [smem:$0x3FD0];
	(tm) =	ssettm $0x1  }
0x91: {  	s18 =	sld [smem:$0x3FFB];
	_ =	sdelay $0x3  }
0x92: {  	_ =	strace s18  }
0x93: {  	s3 =	sld [smem:$0x3FFC];
	_ =	sdelay $0x3  }
0x94: {  	_ =	strace s3  }
0x95: {  	s3 =	sld [smem:$0x3FFD];
	_ =	sdelay $0x3  }
0x96: {  	_ =	strace s3  }
0x97: {  	_ =	strace $0x8FFFFFFF  }
0x98: {  	s19 =	sld [smem:$0x3FDB];
	_ =	sdelay $0x1  }
0x99: {  	s4 =	simm.s32 $_scs_section_size  }
0x9a: {  	s5 =	simm.s32 $_size__tile_overlayer_lowered;
	s6 =	simm.s32 $_tile_overlayer_lowered  }
0x9b: {  	s22 =	simm.s32 $0x1BFF;
	s21 =	sshll.u32 s6, $0x1;
	s3 =	sadd.s32 s4, s19  }
0x9c: {  	s7 =	simm.s32 $0x0;
	s20 =	sshll.u32 s5, $0x1;
	s5 =	sadd.s32 s21, s3  }
0x9d: {  	[timem:s7], [sflag:s22] =	dma.local [hbm:s5], s20  }
0x9e: {  	_ =	swait.ge [sflag:s22], s20  }
0x9f: {  	s4 =	ssub.s32 $0x0, s20;
	[sflag:s22] =	ssyncset.done $0x0  }
0xa0: {  	[sflag:s22] =	ssyncadd.s32 s4;
	_ =	sdelay $0x1  }
0xa1: {  	s23 =	simm.s32 $0x1B8B  }
0xa2: {  	_ =	swait.ge [sflag:s23], $0x1  }
0xa3: {  	[sflag:s23] =	ssyncset.done $0x0  }
0xa4: {  	s25 =	simm.s32 $0x1B8E;
	s24 =	sld [smem:$0x3FFE];
	[sflag:s23] =	ssyncadd.s32 $0xFFFFFFFF  }
0xa5: {  	s26 =	simm.s32 $execute0_lowered;
	[smem:$0x3FD2] =	sst s25  }
0xa6: {  	s5 =	sshll.u32 s26, $0x1;
	_ =	strace $0x80000046;
	[dreg:$0x1] =	wrdreg $0xFFFFFFFF  }
0xa7: {  	s28 =	simm.s32 $_size_execute0_lowered;
	s3 =	sadd.s32 s3, s5;
	[dreg:$0x0] =	wrdreg $0x0  }
0xa8: {  	s5 =	sshll.u32 s28, $0x1;
	[dreg:$0x2] =	wrdreg s3  }
0xa9: {  	[dreg:$0x3] =	wrdreg s5  }
0xaa: {  	[dreg:$0x4] =	wrdreg $0xC0  }
0xab: {  	_ =	task [dreg:s7], $0x5FFFF  }
0xac: {  	[dreg:$0x1] =	wrdreg $0xFFFFFFFF  }
0xad: {  	[dreg:$0x0] =	wrdreg $0x60  }
0xae: {  	[dreg:$0x2] =	wrdreg s2  }
0xaf: {  	[dreg:$0x3] =	wrdreg s24  }
0xb0: {  	[dreg:$0x4] =	wrdreg $0x30800  }
0xb1: {  	[dreg:$0x5] =	wrdreg $0x9  }
0xb2: {  	_ =	task.clear_ibuf [dreg:s7], $0x6FFFF;
	_ =	strace $0x90000046  }
0xb3: {  	s29 =	simm.s32 $0x9;
	_ =	strace $0x80000048  }
0xb4: {  	_ =	swait.ge [sflag:s29], $0x1  }
0xb5: {  	[sflag:s29] =	ssyncadd.s32 $0xFFFFFFFF  }
0xb6: {  	_ =	strace $0x90000048  }
0xb7: {  	_ =	sfence  }
0xb8: {  	s30 =	sld [smem:$0x0];
	_ =	sdelay $0x2  }
0xb9: {  	s31 =	sshll.u32 s1, $0xD;
	s1 =	sshrl.u32 s1, $0x2  }
0xba: {  	s3 =	sand.u32 $0x4000, s31;
	s1 =	sadd.s32 s1, s30  }
0xbb: {  	s0 =	sor.u32 s3, s0;
	s1 =	sshll.u32 s1, $0x11  }
0xbc: {  	s0 =	sor.u32 s1, s0  }
0xbd: {  	s0 =	sadd.s32 $0x8F2B, s0  }
0xbe: {  	[sflag:s0] =	ssyncadd.remote.s32 $0x1  }
0xbf: {  	_ =	sfence.sel $0xFFFF  }
0xc0: {  	[dreg:$0x0] =	wrdreg $0xFFFFFFFF;
	(pc) =	sbr.abs _section_cstart, $3  }
0xc1: {  	[dreg:$0x1] =	wrdreg $0xFFFFFFFF  }
0xc2: {  	_ =	task.clear_ibuf [dreg:s7], $0x2FFFF;
	_ =	strace $0x9FFFFFFF  }
0xc3: {  	(tm) =	ssettm $0x7FFFFFFF  }
tec
execute0_lowered:
.L_overlay_start_1:
0x0: {  	(tag) =	ssettag $0x1  }
0x1: {  	s5 =	rddreg [dreg:$0x0]  }
0x2: {  	s4 =	rddreg [dreg:$0x1]  }
0x3: {  	s2 =	rddreg [dreg:$0x2]  }
0x4: {  	s0 =	srdreg.scid;
	s1 =	rddreg [dreg:$0x3];
	s3 =	simm.s32 $0x0  }
0x5: {  	s12 =	simm.s32 $0x2080;
	s13 =	simm.s32 $0x2;
	s6 =	sand.u32 $0x1, s0  }
0x6: {  	s14 =	simm.s32 $0x2000;
	s0 =	stileid.u32;
	s7 =	smul.u32 $0x28000, s6  }
0x7: {  	s15 =	simm.s32 $0x2880;
	[smem:$0x7FF] =	sst s3;
	s8 =	smul.u32 $0x2800, s0  }
0x8: {  	s16 =	simm.s32 $0x80;
	_ =	strace $0x80000047;
	s9 =	smul.u32 $0x500, s0  }
0x9: {  	s30 =	ssub.s32 $0x2, s6;
	s10 =	smul.u32 $0xA000, s0;
	p0 =	seq.s32 s6, $0x0  }
0xa: {  	s11 =	sshrl.u32 s30, $0x1;
	s7 =	sadd.s32 s8, s7;
	s6 =	sadd.s32 $0x5000, s9  }
0xb: {  	s11 =	ssub.s32 s30, s11;
	s31 =	sshrl.u32 s10, $0x2;
	s17 =	sadd.s32 s8, s2  }
0xc: {  	s7 =	sshrl.u32 s7, $0x3;
	s6 =	smov.u32 @p0 s9;
	s17 =	sshrl.u32 s17, $0x3  }
0xd: {  	s7 =	sadd.s32 s7, s4;
	s4 =	sadd.s32 s31, s2;
	s5 =	sadd.s32 s5, s6  }
0xe: {  	s6 =	sadd.s32 $0x6E00, s7;
	s7 =	smax.u32 s11, $0x1;
	s8 =	sadd.s32 $0x800, s4  }
0xf: {  	v0 =	vimm.f32 $0.0e+00;
	v1 =	vimm.f32 $1.000000000e+00;
	s9 =	sadd.s32 $0x1000, s4;
	s10 =	sadd.s32 $0x1800, s4;
	s11 =	sadd.s32 $0x2000, s4  }
.LBB2_1:
0x10: {  	s18 =	simm.s32 $0x40;
	s19 =	simm.s32 $0x0  }
.LBB2_2:
0x11: {  	p0 =	sne.s32 s18, $0x1FC0;
	[tilespmem:s19+$0x2080] =	vst v0;
	s19 =	smov.u32 s18;
	s18 =	sadd.s32 $0x40, s18  }
.Ltmp0:
0x12: {  	(pc) =	sbr.rel @p0 .LBB2_2-.Ltmp0, $2  }
0x13: {  	_ =	sdelay $0x2  }
0x14: {  	s19 =	sshra.s32 s19, $0x2  }
0x15: {  	[tilespmem:s19+$0x2080] =	vst v0  }
0x16: {  	[spmem:s4] =	stream.linear.scatter [tilespmem:s12], [sflag:$0x2], $0x800, $0x38;
	[tilespmem:$0x5880] =	vst v63  }
0x17: {  	_ =	swait.ge [sflag:s13], $0x800  }
0x18: {  	[sflag:s13] =	ssyncset.done $0x0  }
0x19: {  	[sflag:s13] =	ssyncadd.s32 $0xFFFFF800  }
0x1a: {  	[spmem:s8] =	stream.linear.scatter [tilespmem:s12], [sflag:$0x2], $0x800, $0x38;
	[tilespmem:$0x5880] =	vst v63  }
0x1b: {  	_ =	swait.ge [sflag:s13], $0x800  }
0x1c: {  	[sflag:s13] =	ssyncset.done $0x0  }
0x1d: {  	[sflag:s13] =	ssyncadd.s32 $0xFFFFF800  }
0x1e: {  	[spmem:s9] =	stream.linear.scatter [tilespmem:s12], [sflag:$0x2], $0x800, $0x38;
	[tilespmem:$0x5880] =	vst v63  }
0x1f: {  	_ =	swait.ge [sflag:s13], $0x800  }
0x20: {  	[sflag:s13] =	ssyncset.done $0x0  }
0x21: {  	[sflag:s13] =	ssyncadd.s32 $0xFFFFF800  }
0x22: {  	[spmem:s10] =	stream.linear.scatter [tilespmem:s12], [sflag:$0x2], $0x800, $0x38;
	[tilespmem:$0x5880] =	vst v63  }
0x23: {  	_ =	swait.ge [sflag:s13], $0x800  }
0x24: {  	[sflag:s13] =	ssyncset.done $0x0  }
0x25: {  	[sflag:s13] =	ssyncadd.s32 $0xFFFFF800  }
0x26: {  	[spmem:s11] =	stream.linear.scatter [tilespmem:s12], [sflag:$0x2], $0x800, $0x38;
	[tilespmem:$0x5880] =	vst v63  }
0x27: {  	_ =	swait.ge [sflag:s13], $0x800  }
0x28: {  	[sflag:s13] =	ssyncset.done $0x0  }
0x29: {  	s18 =	simm.s32 $0x0;
	[sflag:s13] =	ssyncadd.s32 $0xFFFFF800  }
0x2a: {  	[tilespmem:s18], [sflag:$0x2] =	stream.linear.gather [hbm4b:s5+s18], $0x2000, $0x38;
	[tilespmem:$0x5880] =	vst v63  }
0x2b: {  	_ =	swait.ge [sflag:s13], $0x2000  }
0x2c: {  	[sflag:s13] =	ssyncset.done $0x0  }
0x2d: {  	s19 =	simm.s32 $0x0;
	s18 =	simm.s32 $0x40;
	[sflag:s13] =	ssyncadd.s32 $0xFFFFE000  }
.LBB2_4:
0x2e: {  	p0 =	sne.s32 s18, $0x1FC0;
	[tilespmem:s19+$0x2880] =	vst v1;
	s19 =	smov.u32 s18;
	s18 =	sadd.s32 $0x40, s18  }
.Ltmp1:
0x2f: {  	(pc) =	sbr.rel @p0 .LBB2_4-.Ltmp1, $2  }
0x30: {  	_ =	sdelay $0x2  }
0x31: {  	s19 =	sshra.s32 s19, $0x2  }
0x32: {  	[tilespmem:s19+$0x2880] =	vst v1  }
0x33: {  	[bflag:$0x0] =	sbarrier.arrive $0xFFFF  }
0x34: {  	v2 =	vld [tilespmem:$0x0]  }
0x35: {  	v3 =	vld [tilespmem:$0x10]  }
0x36: {  	v4 =	vld [tilespmem:$0x20]  }
0x37: {  	v5 =	vld [tilespmem:$0x30]  }
0x38: {  	v6 =	vld [tilespmem:$0x40]  }
0x39: {  	v7 =	vld [tilespmem:$0x50];
	v2 =	vshra.s32 v2, $0x10  }
0x3a: {  	s29 =	simm.s32 $0x1;
	[tilespmem:$0x2000] =	vst v2;
	v2 =	vshra.s32 v3, $0x10;
	v3 =	vld [tilespmem:$0x60]  }
0x3b: {  	s19 =	sand.u32 $0x1F, s29;
	v63 =	vld [tilespmem:$0x70];
	[tilespmem:$0x2010] =	vst v2;
	v2 =	vshra.s32 v4, $0x10  }
0x3c: {  	p0 =	sne.s32 s19, $0x0;
	[tilespmem:$0x2020] =	vst v2;
	v2 =	vshra.s32 v5, $0x10  }
0x3d: {  	p1 =	por @!p0 $0x1, $0x1;
	[tilespmem:$0x2030] =	vst v2;
	v2 =	vshra.s32 v6, $0x10  }
0x3e: {  	p2 =	por !p1, p0;
	[tilespmem:$0x2040] =	vst v2;
	v2 =	vshra.s32 v7, $0x10  }
0x3f: {  	p2 =	por @!p2 $0x0, $0x0;
	[tilespmem:$0x2050] =	vst v2;
	v2 =	vshra.s32 v3, $0x10  }
0x40: {  	p2 =	por @!p0 p2, !p1;
	[tilespmem:$0x2060] =	vst v2;
	v2 =	vshra.s32 v63, $0x10  }
0x41: {  	s18 =	simm.s32 $0x80;
	p2 =	por p2, p0;
	[tilespmem:$0x2070] =	vst v2  }
0x42: {  	[spmem:s2] =	stream.indirect.scatter.add.f32 [tilespmem:s15], [sflag:$0x2], $0x10, s14, s18, $0xb8;
	[tilespmem:$0x5880] =	vst v63  }
0x43: {  	p0 =	por p1, p0;
	s19 =	simm.s32 @!p2 $0x1000;
	_ =	swait.ge [sflag:s13], $0x800  }
0x44: {  	s20 =	simm.s32 @!p2 $0x0;
	s21 =	sadd.s32 @!p2 $0x200, s5;
	[sflag:s13] =	ssyncset.done $0x0  }
0x45: {  	s22 =	simm.s32 @!p0 $0x1;
	s19 =	sand.u32 @!p2 $0x1000, s19;
	[sflag:s13] =	ssyncadd.s32 $0xFFFFF800  }
0x46: {  	[tilespmem:s19], [sflag:$0x1] =	stream.linear.gather @!p2 [hbm4b:s21+s20], $0x1000, $0x38;
	[tilespmem:$0x5880] =	vst v63  }
0x47: {  	_ =	swait.ge @!p0 [sflag:s22], $0x1000  }
0x48: {  	[sflag:s22] =	ssyncset.done @!p0 $0x0  }
0x49: {  	s30 =	sand.u32 $0x1F80, s18;
	[sflag:s22] =	ssyncadd.s32 @!p0 $0xFFFFF000  }
0x4a: {  	v2 =	vld [tilespmem:s30+$0x0];
	_ =	sdelay $0x4  }
0x4b: {  	v2 =	vshra.s32 v2, $0x10  }
0x4c: {  	[tilespmem:$0x2000] =	vst v2  }
0x4d: {  	v2 =	vld [tilespmem:s30+$0x10];
	_ =	sdelay $0x4  }
0x4e: {  	v2 =	vshra.s32 v2, $0x10  }
0x4f: {  	[tilespmem:$0x2010] =	vst v2  }
0x50: {  	v2 =	vld [tilespmem:s30+$0x20];
	_ =	sdelay $0x4  }
0x51: {  	v2 =	vshra.s32 v2, $0x10  }
0x52: {  	[tilespmem:$0x2020] =	vst v2  }
0x53: {  	v2 =	vld [tilespmem:s30+$0x30];
	_ =	sdelay $0x4  }
0x54: {  	v2 =	vshra.s32 v2, $0x10  }
0x55: {  	[tilespmem:$0x2030] =	vst v2  }
0x56: {  	v2 =	vld [tilespmem:s30+$0x40];
	_ =	sdelay $0x4  }
0x57: {  	v2 =	vshra.s32 v2, $0x10  }
0x58: {  	[tilespmem:$0x2040] =	vst v2  }
0x59: {  	v2 =	vld [tilespmem:s30+$0x50];
	_ =	sdelay $0x4  }
0x5a: {  	v2 =	vshra.s32 v2, $0x10  }
0x5b: {  	[tilespmem:$0x2050] =	vst v2  }
0x5c: {  	v2 =	vld [tilespmem:s30+$0x60];
	_ =	sdelay $0x3  }
0x5d: {  	s31 =	simm.s32 $0x2  }
0x5e: {  	s20 =	sand.u32 $0x1F, s31;
	v2 =	vshra.s32 v2, $0x10  }
0x5f: {  	p1 =	sne.s32 s20, $0x0;
	[tilespmem:$0x2060] =	vst v2  }
0x60: {  	p3 =	por @!p1 $0x1, $0x1;
	v2 =	vld [tilespmem:s30+$0x70]  }
0x61: {  	p0 =	por !p3, p1  }
0x62: {  	p0 =	por @!p0 $0x0, $0x0  }
0x63: {  	p0 =	por @!p1 p0, !p3  }
0x64: {  	p2 =	por p0, p1  }
0x65: {  	s19 =	simm.s32 $0x3;
	s22 =	simm.s32 @!p2 $0x1000;
	s21 =	simm.s32 @!p2 $0x200;
	v2 =	vshra.s32 v2, $0x10  }
.LBB2_6:
0x66: {  	[tilespmem:$0x2070] =	vst v2;
	s18 =	sadd.s32 $0x80, s18;
	s20 =	smov.u32 s19;
	s19 =	sadd.s32 $0x1, s19  }
0x67: {  	[spmem:s2] =	stream.indirect.scatter.add.f32 [tilespmem:s15], [sflag:$0x2], $0x10, s14, s16, $0xb8;
	[tilespmem:$0x5880] =	vst v63  }
0x68: {  	s23 =	simm.s32 @!p2 $0x0;
	p1 =	por p3, p1;
	_ =	swait.ge [sflag:s13], $0x800  }
0x69: {  	s22 =	sand.u32 @!p2 $0x1000, s22;
	s21 =	sadd.s32 @!p2 s21, s5;
	[sflag:s13] =	ssyncset.done $0x0  }
0x6a: {  	p0 =	sne.s32 s19, $0x50;
	s24 =	simm.s32 @!p1 $0x1;
	[sflag:s13] =	ssyncadd.s32 $0xFFFFF800  }
0x6b: {  	[tilespmem:s22], [sflag:$0x1] =	stream.linear.gather @!p2 [hbm4b:s21+s23], $0x1000, $0x38;
	[tilespmem:$0x5880] =	vst v63  }
0x6c: {  	_ =	swait.ge @!p1 [sflag:s24], $0x1000  }
0x6d: {  	s21 =	sand.u32 $0x1F80, s18;
	[sflag:s24] =	ssyncset.done @!p1 $0x0  }
0x6e: {  	[sflag:s24] =	ssyncadd.s32 @!p1 $0xFFFFF000  }
0x6f: {  	v2 =	vld [tilespmem:s21+$0x0];
	_ =	sdelay $0x4  }
0x70: {  	v2 =	vshra.s32 v2, $0x10  }
0x71: {  	[tilespmem:$0x2000] =	vst v2  }
0x72: {  	v2 =	vld [tilespmem:s21+$0x10];
	_ =	sdelay $0x4  }
0x73: {  	v2 =	vshra.s32 v2, $0x10  }
0x74: {  	[tilespmem:$0x2010] =	vst v2  }
0x75: {  	v2 =	vld [tilespmem:s21+$0x20];
	_ =	sdelay $0x4  }
0x76: {  	v2 =	vshra.s32 v2, $0x10  }
0x77: {  	[tilespmem:$0x2020] =	vst v2  }
0x78: {  	v2 =	vld [tilespmem:s21+$0x30];
	_ =	sdelay $0x4  }
0x79: {  	v2 =	vshra.s32 v2, $0x10  }
0x7a: {  	[tilespmem:$0x2030] =	vst v2  }
0x7b: {  	v2 =	vld [tilespmem:s21+$0x40];
	_ =	sdelay $0x4  }
0x7c: {  	v2 =	vshra.s32 v2, $0x10  }
0x7d: {  	[tilespmem:$0x2040] =	vst v2  }
0x7e: {  	v2 =	vld [tilespmem:s21+$0x50];
	_ =	sdelay $0x4  }
0x7f: {  	v2 =	vshra.s32 v2, $0x10  }
0x80: {  	[tilespmem:$0x2050] =	vst v2  }
0x81: {  	v2 =	vld [tilespmem:s21+$0x60];
	_ =	sdelay $0x2  }
0x82: {  	s22 =	sand.u32 $0x1F, s20  }
0x83: {  	p1 =	sne.s32 s22, $0x0  }
0x84: {  	p3 =	slt.u32 @!p1 s20, $0x40;
	v2 =	vshra.s32 v2, $0x10  }
0x85: {  	p2 =	por !p3, p1;
	[tilespmem:$0x2060] =	vst v2  }
0x86: {  	p2 =	sgt.u32 @!p2 s20, $0x2F;
	v2 =	vld [tilespmem:s21+$0x70]  }
.Ltmp2:
0x87: {  	p2 =	por @!p1 p2, !p3;
	(pc) =	sbr.rel @p0 .LBB2_6-.Ltmp2, $4  }
0x88: {  	p2 =	por p2, p1  }
0x89: {  	s20 =	sshrl.u32 @!p2 s20, $0x5  }
0x8a: {  	s20 =	sadd.s32 @!p2 $0x1, s20  }
0x8b: {  	s22 =	sshll.u32 @!p2 s20, $0xC;
	s21 =	sshll.u32 @!p2 s20, $0x9;
	v2 =	vshra.s32 v2, $0x10  }
0x8c: {  	[tilespmem:$0x2070] =	vst v2  }
0x8d: {  	[spmem:s2] =	stream.indirect.scatter.add.f32 [tilespmem:s15], [sflag:$0x2], $0x10, s14, s16, $0xb8;
	[tilespmem:$0x5880] =	vst v63  }
0x8e: {  	s19 =	simm.s32 @!p2 $0x0;
	_ =	swait.ge [sflag:s13], $0x800  }
0x8f: {  	p0 =	por p3, p1;
	s20 =	sand.u32 @!p2 $0x1000, s22;
	[sflag:s13] =	ssyncset.done $0x0  }
0x90: {  	s21 =	sadd.s32 @!p2 s21, s5;
	s22 =	simm.s32 @!p0 $0x1;
	[sflag:s13] =	ssyncadd.s32 $0xFFFFF800  }
0x91: {  	[tilespmem:s20], [sflag:$0x1] =	stream.linear.gather @!p2 [hbm4b:s21+s19], $0x1000, $0x38;
	[tilespmem:$0x5880] =	vst v63  }
0x92: {  	_ =	swait.ge @!p0 [sflag:s22], $0x1000  }
0x93: {  	s18 =	sadd.s32 $0x80, s18;
	[sflag:s22] =	ssyncset.done @!p0 $0x0  }
0x94: {  	s18 =	sand.u32 $0x1F80, s18;
	[sflag:s22] =	ssyncadd.s32 @!p0 $0xFFFFF000  }
0x95: {  	v2 =	vld [tilespmem:s18+$0x0];
	_ =	sdelay $0x4  }
0x96: {  	v2 =	vshra.s32 v2, $0x10  }
0x97: {  	[tilespmem:$0x2000] =	vst v2  }
0x98: {  	v2 =	vld [tilespmem:s18+$0x10];
	_ =	sdelay $0x4  }
0x99: {  	v2 =	vshra.s32 v2, $0x10  }
0x9a: {  	[tilespmem:$0x2010] =	vst v2  }
0x9b: {  	v2 =	vld [tilespmem:s18+$0x20];
	_ =	sdelay $0x4  }
0x9c: {  	v2 =	vshra.s32 v2, $0x10  }
0x9d: {  	[tilespmem:$0x2020] =	vst v2  }
0x9e: {  	v2 =	vld [tilespmem:s18+$0x30];
	_ =	sdelay $0x4  }
0x9f: {  	v2 =	vshra.s32 v2, $0x10  }
0xa0: {  	[tilespmem:$0x2030] =	vst v2  }
0xa1: {  	v2 =	vld [tilespmem:s18+$0x40];
	_ =	sdelay $0x4  }
0xa2: {  	v2 =	vshra.s32 v2, $0x10  }
0xa3: {  	[tilespmem:$0x2040] =	vst v2  }
0xa4: {  	v2 =	vld [tilespmem:s18+$0x50];
	_ =	sdelay $0x4  }
0xa5: {  	v2 =	vshra.s32 v2, $0x10  }
0xa6: {  	[tilespmem:$0x2050] =	vst v2  }
0xa7: {  	v2 =	vld [tilespmem:s18+$0x60];
	_ =	sdelay $0x4  }
0xa8: {  	v2 =	vshra.s32 v2, $0x10  }
0xa9: {  	[tilespmem:$0x2060] =	vst v2  }
0xaa: {  	v2 =	vld [tilespmem:s18+$0x70];
	_ =	sdelay $0x4  }
0xab: {  	v2 =	vshra.s32 v2, $0x10  }
0xac: {  	[tilespmem:$0x2070] =	vst v2  }
0xad: {  	[spmem:s2] =	stream.indirect.scatter.add.f32 [tilespmem:s15], [sflag:$0x2], $0x10, s14, s16, $0xb8;
	[tilespmem:$0x5880] =	vst v63  }
0xae: {  	_ =	swait.ge [sflag:s13], $0x800  }
0xaf: {  	s3 =	sadd.s32 $0x1, s3;
	[sflag:s13] =	ssyncset.done $0x0  }
0xb0: {  	s31 =	sshll.u32 s0, $0x6;
	p0 =	sne.s32 s3, s7;
	[sflag:s13] =	ssyncadd.s32 $0xFFFFF800  }
.Ltmp3:
0xb1: {  	s18 =	sor.u32 $0x1C02, s31;
	[bflag:$0x0] =	sbarrier.arrive $0xFFFF;
	(pc) =	sbr.rel @p0 .LBB2_1-.Ltmp3, $4  }
0xb2: {  	[hbm:s6], [sflag:s18] =	dma.local [spmem:s17], $0x500  }
0xb3: {  	_ =	swait.ge [sflag:s13], $0x500  }
0xb4: {  	[sflag:s13] =	ssyncset.done $0x0  }
0xb5: {  	[sflag:s13] =	ssyncadd.s32 $0xFFFFFB00  }
0xb6: {  	_ =	sfence.sel $0x180000  }
0xb7: {  	[bflag:$0x0] =	sbarrier.arrive $0xFFFF  }
0xb8: {  	p0 =	sne.s32 s0, $0x0;
	_ =	strace $0x90000047  }
0xb9: {  	s0 =	sadd.s32 @!p0 $0x100000, s1;
	[bflag:$0x2] =	sbarrier.arrive $0xFFFF  }
0xba: {  	[sflag:s0] =	ssyncadd.tile.s32 @!p0 $0x1;
	_ =	shalt  }
.Lfunc_end2:
_tile_overlayer_lowered:
.L_overlay_start_2:
0xbb: {  	(tag) =	ssettag $0x2  }
0xbc: {  	s0 =	rddreg [dreg:$0x0];
	s2 =	stileid.u32  }
0xbd: {  	s1 =	rddreg [dreg:$0x1];
	p0 =	sne.s32 s2, $0x0  }
0xbe: {  	s3 =	rddreg [dreg:$0x2];
	[bflag:$0x3] =	sbarrier.arrive $0xFFFF;
	s2 =	simm.s32 @!p0 $0x1C02  }
0xbf: {  	[timem:s3], [sflag:s2] =	dma.local @!p0 [hbm:s0], s1  }
0xc0: {  	s0 =	simm.s32 @!p0 $0x2  }
0xc1: {  	_ =	swait.ge @!p0 [sflag:s0], s1  }
0xc2: {  	s1 =	ssub.s32 @!p0 $0x0, s1;
	[sflag:s0] =	ssyncset.done @!p0 $0x0  }
0xc3: {  	[sflag:s0] =	ssyncadd.s32 @!p0 s1  }
0xc4: {  	[bflag:$0x3] =	sbarrier.arrive $0xFFFF  }
0xc5: {  	_ =	shalt  }

</sc_bundles>
